<compile_context>
chip_gen: v7x
topology: tpu7x:2x2x1
jax: 0.10.2.dev20260603
libtpu: 0.0.44.dev20260713+nightly
codegen_flags: <defaults>
</compile_context>

<pallas_src>
import functools

import jax
import jax.numpy as jnp
from jax import lax
from jax.experimental import pallas as pl
from jax.experimental.pallas import tpu as pltpu
from jax.experimental.pallas import tpu_sc as plsc

_B, _S, _D = 2, 2048, 1024
_E, _TOPK, _DFF = 8, 2, 2048
_T = _B * _S
_TM = 256
_G = _T * _TOPK
_NT = _G // _TM
_WS = _NT + _E - 1
_LANES = 128

_NC, _NS, _L = 2, 16, 16
_DW = _D // 2



def _router_body(x_ref, vr_ref, wr_ref, wsm_ref, br_ref, idx_ref, gate_ref):
    logits = jnp.dot(x_ref[...], wr_ref[...], preferred_element_type=jnp.float32)
    logits = logits + jnp.dot(vr_ref[...], wsm_ref[...],
                              preferred_element_type=jnp.float32)
    logits = logits + br_ref[...]
    lane = jax.lax.broadcasted_iota(jnp.int32, logits.shape, 1)
    logits = jnp.where(lane < _E, logits, -1e30)
    m1 = jnp.max(logits, axis=1, keepdims=True)
    i1 = jnp.min(jnp.where(logits == m1, lane, _LANES), axis=1, keepdims=True)
    rest = jnp.where(lane == i1, -1e30, logits)
    m2 = jnp.max(rest, axis=1, keepdims=True)
    i2 = jnp.min(jnp.where(rest == m2, lane, _LANES), axis=1, keepdims=True)
    w1 = 1.0 / (1.0 + jnp.exp(m2 - m1))
    w2 = 1.0 - w1
    idx_ref[...] = jnp.where(lane == 0, i1, jnp.where(lane == 1, i2, 0))
    gate_ref[...] = jnp.where(lane == 0, w1, jnp.where(lane == 1, w2, 0.0))


def _run_router(x, vr, wr_pad, wsm, br2):
    grid = (_T // _TM,)
    return pl.pallas_call(
        _router_body,
        grid=grid,
        in_specs=[
            pl.BlockSpec((_TM, _D), lambda i: (i, 0)),
            pl.BlockSpec((_TM, _LANES), lambda i: (i, 0)),
            pl.BlockSpec((_D, _LANES), lambda i: (0, 0)),
            pl.BlockSpec((_LANES, _LANES), lambda i: (0, 0)),
            pl.BlockSpec((1, _LANES), lambda i: (0, 0)),
        ],
        out_specs=[
            pl.BlockSpec((_TM, _LANES), lambda i: (i, 0)),
            pl.BlockSpec((_TM, _LANES), lambda i: (i, 0)),
        ],
        out_shape=[
            jax.ShapeDtypeStruct((_T, _LANES), jnp.int32),
            jax.ShapeDtypeStruct((_T, _LANES), jnp.float32),
        ],
    )(x, vr, wr_pad, wsm, br2)



def _ggemm_body(tid_r, eid_r, rs_r, re_r, init_r,
                x_ref, w1_ref, b1_ref, w2_ref, b2_ref, g_ref, y_ref):
    w = pl.program_id(0)
    h = jnp.dot(x_ref[...], w1_ref[0], preferred_element_type=jnp.float32)
    h = jax.nn.gelu(h + b1_ref[0])
    y = jnp.dot(h.astype(jnp.bfloat16), w2_ref[0],
                preferred_element_type=jnp.float32)
    y = (y + b2_ref[0]) * g_ref[...]
    rows = tid_r[w] * _TM + jax.lax.broadcasted_iota(jnp.int32, (_TM, 1), 0)
    contrib = jnp.where((rows >= rs_r[w]) & (rows < re_r[w]), y, 0.0)

    @pl.when(init_r[w] != 0)
    def _():
        y_ref[...] = contrib

    @pl.when(init_r[w] == 0)
    def _():
        y_ref[...] = y_ref[...] + contrib


def _run_ggemm(meta, xs, w1, b1, w2, b2, gs):
    tid, eid, rs, re, init = meta
    grid_spec = pltpu.PrefetchScalarGridSpec(
        num_scalar_prefetch=5,
        grid=(_WS,),
        in_specs=[
            pl.BlockSpec((_TM, _D), lambda w, tid, eid, rs, re, init: (tid[w], 0)),
            pl.BlockSpec((1, _D, _DFF), lambda w, tid, eid, rs, re, init: (eid[w], 0, 0)),
            pl.BlockSpec((1, 1, _DFF), lambda w, tid, eid, rs, re, init: (eid[w], 0, 0)),
            pl.BlockSpec((1, _DFF, _D), lambda w, tid, eid, rs, re, init: (eid[w], 0, 0)),
            pl.BlockSpec((1, 1, _D), lambda w, tid, eid, rs, re, init: (eid[w], 0, 0)),
            pl.BlockSpec((_TM, 1), lambda w, tid, eid, rs, re, init: (tid[w], 0)),
        ],
        out_specs=pl.BlockSpec((_TM, _D), lambda w, tid, eid, rs, re, init: (tid[w], 0)),
    )
    return pl.pallas_call(
        _ggemm_body,
        grid_spec=grid_spec,
        out_shape=jax.ShapeDtypeStruct((_G, _D), jnp.float32),
        compiler_params=pltpu.CompilerParams(
            dimension_semantics=("arbitrary",)),
    )(tid, eid, rs, re, init, xs, w1, b1, w2, b2, gs)


def _make_metadata(counts):
    off = jnp.concatenate([jnp.zeros((1,), jnp.int32),
                           jnp.cumsum(counts).astype(jnp.int32)])
    first_tile = off[:_E] // _TM
    last_tile = jnp.where(counts > 0, (off[1:] - 1) // _TM, first_tile - 1)
    num_items = last_tile - first_tile + 1
    cum = jnp.cumsum(num_items)
    total = cum[-1]
    w = jnp.arange(_WS, dtype=jnp.int32)
    eid = jnp.searchsorted(cum, w, side="right").astype(jnp.int32)
    valid = w < total
    eidc = jnp.clip(eid, 0, _E - 1)
    item_start = cum[eidc] - num_items[eidc]
    tid = first_tile[eidc] + (w - item_start)
    rs = jnp.maximum(off[eidc], tid * _TM)
    re = jnp.minimum(off[eidc + 1], (tid + 1) * _TM)
    init = ((rs == tid * _TM) & valid).astype(jnp.int32)
    tid = jnp.where(valid, tid, _NT - 1).astype(jnp.int32)
    rs = jnp.where(valid, rs, _G).astype(jnp.int32)
    re = jnp.where(valid, re, _G).astype(jnp.int32)
    eid = jnp.where(valid, eidc, _E - 1).astype(jnp.int32)
    return tid, eid, rs, re, init



_SC_PARAMS = pltpu.CompilerParams(needs_layout_passes=False)

_CHUNK = _G // _NS
_TOKCH = _CHUNK // 2


def _dispatch_body(e_hbm, w_hbm, stok_hbm, sgate_hbm, dest0_hbm, dest1_hbm,
                   counts_hbm,
                   e_buf, w_buf, tok_buf, pos_buf, dest_buf,
                   hist_v, hist_all, hist_sh, stok_sh, sgate_sh):
    sid = lax.axis_index("s")
    chunk0 = sid * _CHUNK
    lanes = jnp.arange(_L, dtype=jnp.int32)
    zeros = jnp.zeros((_L,), jnp.int32)
    pltpu.sync_copy(e_hbm.at[pl.ds(chunk0, _CHUNK)], e_buf)
    pltpu.sync_copy(w_hbm.at[pl.ds(chunk0, _CHUNK)], w_buf)

    def hstep(v, hist):
        ev = e_buf[pl.ds(v * _L, _L)]
        for e in range(_E):
            c = plsc.all_reduce_population_count(ev == e)
            hist = hist + jnp.where(lanes == e, c, zeros)
        return hist
    hist = lax.fori_loop(0, _CHUNK // _L, hstep, zeros)
    hist_v[...] = hist
    pltpu.sync_copy(hist_v, hist_sh.at[sid])
    plsc.subcore_barrier()

    pltpu.sync_copy(hist_sh, hist_all)

    def bstep(s, carry):
        run, prior = carry
        row = hist_all[s]
        flag = (s < sid).astype(jnp.int32)
        return run + row, prior + row * flag
    run, prior = lax.fori_loop(0, _NS, bstep, (zeros, zeros))
    base = plsc.cumsum(run) - run + prior

    @pl.when(sid == 0)
    def _():
        hist_v[...] = run
        pltpu.sync_copy(hist_v, counts_hbm)

    def cstep(v, cnt):
        ev = e_buf[pl.ds(v * _L, _L)]
        jv = chunk0 + v * _L + lanes
        mybase = jnp.take(base, ev)
        myprev = jnp.take(cnt, ev)
        rank = zeros
        for e in range(_E):
            m = ev == e
            cs = plsc.cumsum(m.astype(jnp.int32))
            rank = jnp.where(m, cs - 1, rank)
            c = plsc.all_reduce_population_count(m)
            cnt = cnt + jnp.where(lanes == e, c, zeros)
        pos = mybase + myprev + rank
        pos_buf[pl.ds(v * _L, _L)] = pos
        tok_buf[pl.ds(v * _L, _L)] = jv >> 1
        addr = (jv & 1) * _TOKCH + ((jv - chunk0) >> 1)
        plsc.store_scatter(dest_buf, [addr], pos)
        return cnt
    lax.fori_loop(0, _CHUNK // _L, cstep, zeros)

    pltpu.sync_copy(tok_buf, stok_sh.at[pos_buf])
    pltpu.sync_copy(w_buf, sgate_sh.at[pos_buf])
    plsc.subcore_barrier()
    pltpu.sync_copy(stok_sh.at[pl.ds(chunk0, _CHUNK)], tok_buf)
    pltpu.sync_copy(tok_buf, stok_hbm.at[pl.ds(chunk0, _CHUNK)])
    pltpu.sync_copy(sgate_sh.at[pl.ds(chunk0, _CHUNK)], w_buf)
    pltpu.sync_copy(w_buf, sgate_hbm.at[pl.ds(chunk0, _CHUNK)])
    tokbase = sid * _TOKCH
    pltpu.sync_copy(dest_buf.at[pl.ds(0, _TOKCH)],
                    dest0_hbm.at[pl.ds(tokbase, _TOKCH)])
    pltpu.sync_copy(dest_buf.at[pl.ds(_TOKCH, _TOKCH)],
                    dest1_hbm.at[pl.ds(tokbase, _TOKCH)])


def _run_dispatch(flat_e, flat_w):
    mesh = plsc.VectorSubcoreMesh(core_axis_name="c", subcore_axis_name="s",
                                  num_cores=1, num_subcores=_NS)
    f = pl.kernel(
        _dispatch_body,
        compiler_params=_SC_PARAMS,
        out_type=[
            jax.ShapeDtypeStruct((_G,), jnp.int32),
            jax.ShapeDtypeStruct((_G,), jnp.float32),
            jax.ShapeDtypeStruct((_T,), jnp.int32),
            jax.ShapeDtypeStruct((_T,), jnp.int32),
            jax.ShapeDtypeStruct((_L,), jnp.int32),
        ],
        mesh=mesh,
        scratch_types=[
            pltpu.VMEM((_CHUNK,), jnp.int32),
            pltpu.VMEM((_CHUNK,), jnp.float32),
            pltpu.VMEM((_CHUNK,), jnp.int32),
            pltpu.VMEM((_CHUNK,), jnp.int32),
            pltpu.VMEM((_CHUNK,), jnp.int32),
            pltpu.VMEM((_L,), jnp.int32),
            pltpu.VMEM((_NS, _L), jnp.int32),
            pltpu.VMEM_SHARED((_NS, _L), jnp.int32),
            pltpu.VMEM_SHARED((_G,), jnp.int32),
            pltpu.VMEM_SHARED((_G,), jnp.float32),
        ],
    )
    return f(flat_e, flat_w)



_XROWS = _G // (_NC * _NS)
_XCH = 128


def _xgather_body(stok_hbm, xb_hbm, xs_hbm, idx_buf, rows, sem):
    wid = lax.axis_index("s") * _NC + lax.axis_index("c")
    for h in range(_XROWS // _XCH):
        rb = wid * _XROWS + h * _XCH
        pltpu.sync_copy(stok_hbm.at[pl.ds(rb, _XCH)], idx_buf)
        pltpu.async_copy(xb_hbm.at[idx_buf], rows, sem).wait()
        pltpu.sync_copy(rows, xs_hbm.at[pl.ds(rb, _XCH), :])


def _run_xgather(stok, x_bits):
    mesh = plsc.VectorSubcoreMesh(core_axis_name="c", subcore_axis_name="s",
                                  num_cores=_NC, num_subcores=_NS)
    f = pl.kernel(
        _xgather_body,
        out_type=jax.ShapeDtypeStruct((_G, _DW), jnp.int32),
        mesh=mesh,
        scratch_types=[
            pltpu.VMEM((_XCH,), jnp.int32),
            pltpu.VMEM((_XCH, _DW), jnp.int32),
            pltpu.SemaphoreType.DMA,
        ],
    )
    return f(stok, x_bits)



_TOKW = _T // (_NC * _NS)
_CCH = 32


def _combine_body(dest0_hbm, dest1_hbm, ys_hbm, out_hbm, p_buf, acc_a, acc_b, sem):
    wid = lax.axis_index("s") * _NC + lax.axis_index("c")
    for h in range(_TOKW // _CCH):
        tb = wid * _TOKW + h * _CCH
        pltpu.sync_copy(dest0_hbm.at[pl.ds(tb, _CCH)], p_buf)
        ca = pltpu.async_copy(ys_hbm.at[p_buf], acc_a, sem)
        ca.wait()
        pltpu.sync_copy(dest1_hbm.at[pl.ds(tb, _CCH)], p_buf)
        pltpu.async_copy(ys_hbm.at[p_buf], acc_b, sem).wait()

        def rstep(r, _):
            def cstep(c, __):
                sl = pl.ds(c * _L, _L)
                acc_a[r, sl] = acc_a[r, sl] + acc_b[r, sl]
                return 0
            return lax.fori_loop(0, _D // _L, cstep, 0)
        lax.fori_loop(0, _CCH, rstep, 0)
        pltpu.sync_copy(acc_a, out_hbm.at[pl.ds(tb, _CCH), :])


def _run_combine(dest0, dest1, ys):
    mesh = plsc.VectorSubcoreMesh(core_axis_name="c", subcore_axis_name="s",
                                  num_cores=_NC, num_subcores=_NS)
    f = pl.kernel(
        _combine_body,
        out_type=jax.ShapeDtypeStruct((_T, _D), jnp.float32),
        mesh=mesh,
        scratch_types=[
            pltpu.VMEM((_CCH,), jnp.int32),
            pltpu.VMEM((_CCH, _D), jnp.float32),
            pltpu.VMEM((_CCH, _D), jnp.float32),
            pltpu.SemaphoreType.DMA,
        ],
    )
    return f(dest0, dest1, ys)



def kernel(embeddings, volatility, risk_factors, Wr, br, W1, b1, W2, b2):
    x = embeddings.reshape(_T, _D)
    vol = volatility.reshape(_T, 1)
    risk = risk_factors.reshape(_T, 1)

    vr = jnp.zeros((_T, _LANES), jnp.float32).at[:, 0:1].set(vol).at[:, 1:2].set(risk)
    wr_pad = jnp.zeros((_D, _LANES), jnp.float32).at[:, :_E].set(Wr[:_D])
    wsm = jnp.zeros((_LANES, _LANES), jnp.float32).at[0, :_E].set(Wr[_D]).at[1, :_E].set(Wr[_D + 1])
    br2 = jnp.zeros((1, _LANES), jnp.float32).at[0, :_E].set(br)

    idx_out, gate_out = _run_router(x, vr, wr_pad, wsm, br2)
    flat_e = idx_out[:, :_TOPK].reshape(-1)
    flat_w = gate_out[:, :_TOPK].reshape(-1)

    stok, sgate, dest0, dest1, counts_v = _run_dispatch(flat_e, flat_w)
    counts = counts_v[:_E]
    meta = _make_metadata(counts)

    x_bits = lax.bitcast_convert_type(
        x.astype(jnp.bfloat16).reshape(_T, _DW, 2), jnp.int32)
    xs_bits = _run_xgather(stok, x_bits)
    xs = lax.bitcast_convert_type(xs_bits, jnp.bfloat16).reshape(_G, _D)
    gs = sgate.reshape(_G, 1)

    ys = _run_ggemm(meta, xs, W1.astype(jnp.bfloat16), b1.reshape(_E, 1, _DFF),
                    W2.astype(jnp.bfloat16), b2.reshape(_E, 1, _D), gs)

    out = _run_combine(dest0, dest1, ys)
    return out.reshape(_B, _S, _D)

# --- scband reference (transcript-rebuilt; emitter-appended) ---
"""Pipeline reference for scband-finance-mo-emodel-46892452938119 (READ-ONLY COPY).

The authoritative reference and input builder live on the scoring server;
editing this copy changes nothing except your own understanding.
"""

import jax, jax.numpy as jnp
import numpy as np

B, S, D = 2, 2048, 1024
E, TOPK, DFF = 8, 2, 2048

def setup_inputs(seed: int = 0) -> dict:
    key = jax.random.key(seed)
    ks = jax.random.split(key, 12)
    embeddings = jax.random.normal(ks[0], (B, S, D), dtype=jnp.float32)
    volatility = jax.random.uniform(ks[1], (B, S, 1), dtype=jnp.float32) * 0.02 + 0.005
    risk_factors = jax.random.normal(ks[2], (B, S, 1), dtype=jnp.float32) * 0.01
    # Router: input is token embedding concat volatility and risk factor scalars
    Wr = jax.random.normal(ks[3], (D + 2, E), dtype=jnp.float32) * (1.0 / np.sqrt(D + 2))
    br = jnp.zeros((E,), dtype=jnp.float32)
    # Per-expert 2-layer FFN (one specialist per financial domain)
    W1 = jax.random.normal(ks[4], (E, D, DFF), dtype=jnp.float32) * (1.0 / np.sqrt(D))
    b1 = jnp.zeros((E, DFF), dtype=jnp.float32)
    W2 = jax.random.normal(ks[5], (E, DFF, D), dtype=jnp.float32) * (1.0 / np.sqrt(DFF))
    b2 = jnp.zeros((E, D), dtype=jnp.float32)
    return {"embeddings": embeddings, "volatility": volatility, "risk_factors": risk_factors,
            "Wr": Wr, "br": br, "W1": W1, "b1": b1, "W2": W2, "b2": b2}

def reference(embeddings, volatility, risk_factors, Wr, br, W1, b1, W2, b2):
    b, s, d = embeddings.shape
    T = b * s
    x = embeddings.reshape(T, d)
    vol = volatility.reshape(T, 1)
    risk = risk_factors.reshape(T, 1)
    # Routing network conditioned on embeddings + market risk signals
    router_in = jnp.concatenate([x, vol, risk], axis=-1)
    logits = router_in @ Wr + br
    probs = jax.nn.softmax(logits, axis=-1)
    top_vals, top_idx = jax.lax.top_k(probs, TOPK)
    top_vals = top_vals / jnp.sum(top_vals, axis=-1, keepdims=True)
    gates = jnp.zeros_like(probs).at[jnp.arange(T)[:, None], top_idx].set(top_vals)
    # All-expert dense dispatch (faithful compute), combined by sparse gates
    h = jax.nn.gelu(jnp.einsum('td,edf->etf', x, W1) + b1[:, None, :])
    y = jnp.einsum('etf,efd->etd', h, W2) + b2[:, None, :]
    out = jnp.einsum('te,etd->td', gates, y)
    return out.reshape(b, s, d)

if __name__ == "__main__":
    import jax
    _d = setup_inputs()
    print(jax.jit(kernel)(*tuple(_d.values())))

</pallas_src>

<mosaic_0001>
#map = affine_map<(d0, d1) -> (0)>
#map1 = affine_map<(d0, d1) -> (0, 0)>
module attributes {stable_mosaic.version = 14 : i64} {
  func.func @_combine_body(%arg0: i32, %arg1: i32, %arg2: memref<4096xi32, #tpu.memory_space<hbm>>, %arg3: memref<4096xi32, #tpu.memory_space<hbm>>, %arg4: memref<8192x1024xf32, #tpu.memory_space<hbm>>, %arg5: memref<4096x1024xf32, #tpu.memory_space<hbm>>, %arg6: memref<32xi32, #tpu.memory_space<vmem>>, %arg7: memref<32x1024xf32, #tpu.memory_space<vmem>>, %arg8: memref<32x1024xf32, #tpu.memory_space<vmem>>, %arg9: memref<!tpu.dma_semaphore, #tpu.memory_space<semaphore_mem>>) attributes {dimension_semantics = [#tpu.dimension_semantics<core_parallel>, #tpu.dimension_semantics<subcore_parallel>], iteration_bounds = array<i64: 2, 16>, scalar_prefetch = 0 : i64, scratch_operands = 4 : i64, tpu.core_type = #tpu.core_type<sc_vector_subcore>, window_params = [{transform_indices = #map}, {transform_indices = #map}, {transform_indices = #map1}, {transform_indices = #map1}]} {
    %mul3A = arith.constant 2 : i32
    %mul3A_0 = arith.muli %arg1, %mul3A : i32
    %add3A = arith.addi %mul3A_0, %arg0 : i32
    %mul3A_1 = arith.constant 128 : i32
    %mul3A_2 = arith.muli %add3A, %mul3A_1 : i32
    %add3A_3 = arith.constant 0 : i32
    %add3A_4 = arith.addi %mul3A_2, %add3A_3 : i32
    "tpu.region"() ({
      %run_scoped3A = tpu.sem_alloc : memref<!tpu.dma_semaphore, #tpu.memory_space<semaphore_mem>>
      %dma_start3A_90 = tpu.memref_slice %arg2[%add3A_4] : memref<4096xi32, #tpu.memory_space<hbm>> -> memref<32xi32, #tpu.memory_space<hbm>>
      %dma_start3A_91 = tpu.memref_slice %arg2[%add3A_4] : memref<4096xi32, #tpu.memory_space<hbm>> -> memref<32xi32, #tpu.memory_space<hbm>>
      tpu.enqueue_dma source(%dma_start3A_91 : memref<32xi32, #tpu.memory_space<hbm>>) target(%arg6 : memref<32xi32, #tpu.memory_space<vmem>>) target_semaphore(%run_scoped3A : memref<!tpu.dma_semaphore, #tpu.memory_space<semaphore_mem>>)
      %dma_wait3A_92 = tpu.memref_slice %arg2[%add3A_4] : memref<4096xi32, #tpu.memory_space<hbm>> -> memref<32xi32, #tpu.memory_space<hbm>>
      %dma_wait3A_93 = tpu.memref_slice %arg2[%add3A_4] : memref<4096xi32, #tpu.memory_space<hbm>> -> memref<32xi32, #tpu.memory_space<hbm>>
      tpu.wait_dma2 semaphore(%run_scoped3A : memref<!tpu.dma_semaphore, #tpu.memory_space<semaphore_mem>>) src(%dma_wait3A_93 : memref<32xi32, #tpu.memory_space<hbm>>) dst(%arg6 : memref<32xi32, #tpu.memory_space<vmem>>)
      tpu.yield
    }) : () -> ()
    %dma_start3A = arith.constant 0 : i32
    %dma_start3A_5 = arith.constant 0 : i32
    %dma_start3A_6 = tpu.memref_slice %arg4[%dma_start3A, %dma_start3A_5] : memref<8192x1024xf32, #tpu.memory_space<hbm>> -> memref<8192x1024xf32, #tpu.memory_space<hbm>>
    tpu.enqueue_indirect_dma source(%dma_start3A_6 : memref<8192x1024xf32, #tpu.memory_space<hbm>>) target(%arg7 : memref<32x1024xf32, #tpu.memory_space<vmem>>) offsets(%arg6 : memref<32xi32, #tpu.memory_space<vmem>>) semaphore(%arg9 : memref<!tpu.dma_semaphore, #tpu.memory_space<semaphore_mem>>)
    %dma_wait3A = arith.constant 0 : i32
    %dma_wait3A_7 = arith.constant 0 : i32
    %dma_wait3A_8 = tpu.memref_slice %arg4[%dma_wait3A, %dma_wait3A_7] : memref<8192x1024xf32, #tpu.memory_space<hbm>> -> memref<8192x1024xf32, #tpu.memory_space<hbm>>
    tpu.wait_indirect_dma semaphore(%arg9 : memref<!tpu.dma_semaphore, #tpu.memory_space<semaphore_mem>>) src(%dma_wait3A_8 : memref<8192x1024xf32, #tpu.memory_space<hbm>>) dst(%arg7 : memref<32x1024xf32, #tpu.memory_space<vmem>>)
    "tpu.region"() ({
      %run_scoped3A = tpu.sem_alloc : memref<!tpu.dma_semaphore, #tpu.memory_space<semaphore_mem>>
      %dma_start3A_90 = tpu.memref_slice %arg3[%add3A_4] : memref<4096xi32, #tpu.memory_space<hbm>> -> memref<32xi32, #tpu.memory_space<hbm>>
      %dma_start3A_91 = tpu.memref_slice %arg3[%add3A_4] : memref<4096xi32, #tpu.memory_space<hbm>> -> memref<32xi32, #tpu.memory_space<hbm>>
      tpu.enqueue_dma source(%dma_start3A_91 : memref<32xi32, #tpu.memory_space<hbm>>) target(%arg6 : memref<32xi32, #tpu.memory_space<vmem>>) target_semaphore(%run_scoped3A : memref<!tpu.dma_semaphore, #tpu.memory_space<semaphore_mem>>)
      %dma_wait3A_92 = tpu.memref_slice %arg3[%add3A_4] : memref<4096xi32, #tpu.memory_space<hbm>> -> memref<32xi32, #tpu.memory_space<hbm>>
      %dma_wait3A_93 = tpu.memref_slice %arg3[%add3A_4] : memref<4096xi32, #tpu.memory_space<hbm>> -> memref<32xi32, #tpu.memory_space<hbm>>
      tpu.wait_dma2 semaphore(%run_scoped3A : memref<!tpu.dma_semaphore, #tpu.memory_space<semaphore_mem>>) src(%dma_wait3A_93 : memref<32xi32, #tpu.memory_space<hbm>>) dst(%arg6 : memref<32xi32, #tpu.memory_space<vmem>>)
      tpu.yield
    }) : () -> ()
    %dma_start3A_9 = arith.constant 0 : i32
    %dma_start3A_10 = arith.constant 0 : i32
    %dma_start3A_11 = tpu.memref_slice %arg4[%dma_start3A_9, %dma_start3A_10] : memref<8192x1024xf32, #tpu.memory_space<hbm>> -> memref<8192x1024xf32, #tpu.memory_space<hbm>>
    tpu.enqueue_indirect_dma source(%dma_start3A_11 : memref<8192x1024xf32, #tpu.memory_space<hbm>>) target(%arg8 : memref<32x1024xf32, #tpu.memory_space<vmem>>) offsets(%arg6 : memref<32xi32, #tpu.memory_space<vmem>>) semaphore(%arg9 : memref<!tpu.dma_semaphore, #tpu.memory_space<semaphore_mem>>)
    %dma_wait3A_12 = arith.constant 0 : i32
    %dma_wait3A_13 = arith.constant 0 : i32
    %dma_wait3A_14 = tpu.memref_slice %arg4[%dma_wait3A_12, %dma_wait3A_13] : memref<8192x1024xf32, #tpu.memory_space<hbm>> -> memref<8192x1024xf32, #tpu.memory_space<hbm>>
    tpu.wait_indirect_dma semaphore(%arg9 : memref<!tpu.dma_semaphore, #tpu.memory_space<semaphore_mem>>) src(%dma_wait3A_14 : memref<8192x1024xf32, #tpu.memory_space<hbm>>) dst(%arg8 : memref<32x1024xf32, #tpu.memory_space<vmem>>)
    %scan3A = arith.constant 0 : i32
    %scan3A_15 = arith.constant 0 : i32
    %scan3A_16 = arith.constant 32 : i32
    %scan3A_17 = arith.addi %scan3A_15, %scan3A_16 : i32
    %scan3A_18 = arith.constant 1 : i32
    %scan3A_19 = scf.for %scan3A_90 = %scan3A_15 to %scan3A_17 step %scan3A_18 iter_args(%scan3A_91 = %scan3A) -> (i32)  : i32 {
      %scan3A_92 = arith.constant 0 : i32
      %scan3A_93 = arith.constant 0 : i32
      %scan3A_94 = arith.constant 64 : i32
      %scan3A_95 = arith.addi %scan3A_93, %scan3A_94 : i32
      %scan3A_96 = arith.constant 1 : i32
      %scan3A_97 = scf.for %scan3A_99 = %scan3A_93 to %scan3A_95 step %scan3A_96 iter_args(%scan3A_100 = %scan3A_92) -> (i32)  : i32 {
        %mul3A_101 = arith.constant 16 : i32
        %mul3A_102 = arith.muli %scan3A_99, %mul3A_101 : i32
        %get3A = arith.index_cast %scan3A_90 : i32 to index
        %get3A_103 = arith.index_cast %mul3A_102 : i32 to index
        %get3A_104 = tpu.vector_load %arg7[%get3A, %get3A_103] {strides = array<i32>} : memref<32x1024xf32, #tpu.memory_space<vmem>>, vector<1x16xf32>,
        %get3A_105 = vector.shape_cast %get3A_104 : vector<1x16xf32> to vector<16xf32>
        %get3A_106 = arith.index_cast %scan3A_90 : i32 to index
        %get3A_107 = arith.index_cast %mul3A_102 : i32 to index
        %get3A_108 = tpu.vector_load %arg8[%get3A_106, %get3A_107] {strides = array<i32>} : memref<32x1024xf32, #tpu.memory_space<vmem>>, vector<1x16xf32>,
        %get3A_109 = vector.shape_cast %get3A_108 : vector<1x16xf32> to vector<16xf32>
        %add3A_110 = arith.addf %get3A_105, %get3A_109 : vector<16xf32>
        %swap3A = arith.index_cast %scan3A_90 : i32 to index
        %swap3A_111 = arith.index_cast %mul3A_102 : i32 to index
        %swap3A_112 = tpu.vector_load %arg7[%swap3A, %swap3A_111] {strides = array<i32>} : memref<32x1024xf32, #tpu.memory_space<vmem>>, vector<1x16xf32>,
        %swap3A_113 = vector.shape_cast %swap3A_112 : vector<1x16xf32> to vector<16xf32>
        %swap3A_114 = vector.shape_cast %add3A_110 : vector<16xf32> to vector<1x16xf32>
        tpu.vector_store %arg7[%swap3A, %swap3A_111], %swap3A_114 {strides = array<i32>} : memref<32x1024xf32, #tpu.memory_space<vmem>>, vector<1x16xf32>,
        %scan3A_115 = arith.constant 0 : i32
        scf.yield %scan3A_115 : i32
      }
      %scan3A_98 = arith.constant 64 : i32
      scf.yield %scan3A_97 : i32
    }
    %scan3A_20 = arith.constant 32 : i32
    "tpu.region"() ({
      %run_scoped3A = tpu.sem_alloc : memref<!tpu.dma_semaphore, #tpu.memory_space<semaphore_mem>>
      %dma_start3A_90 = arith.constant 0 : i32
      %dma_start3A_91 = tpu.memref_slice %arg5[%add3A_4, %dma_start3A_90] : memref<4096x1024xf32, #tpu.memory_space<hbm>> -> memref<32x1024xf32, #tpu.memory_space<hbm>>
      %dma_start3A_92 = arith.constant 0 : i32
      %dma_start3A_93 = tpu.memref_slice %arg5[%add3A_4, %dma_start3A_92] : memref<4096x1024xf32, #tpu.memory_space<hbm>> -> memref<32x1024xf32, #tpu.memory_space<hbm>>
      tpu.enqueue_dma source(%arg7 : memref<32x1024xf32, #tpu.memory_space<vmem>>) target(%dma_start3A_93 : memref<32x1024xf32, #tpu.memory_space<hbm>>) target_semaphore(%run_scoped3A : memref<!tpu.dma_semaphore, #tpu.memory_space<semaphore_mem>>)
      %dma_wait3A_94 = arith.constant 0 : i32
      %dma_wait3A_95 = tpu.memref_slice %arg5[%add3A_4, %dma_wait3A_94] : memref<4096x1024xf32, #tpu.memory_space<hbm>> -> memref<32x1024xf32, #tpu.memory_space<hbm>>
      %dma_wait3A_96 = arith.constant 0 : i32
      %dma_wait3A_97 = tpu.memref_slice %arg5[%add3A_4, %dma_wait3A_96] : memref<4096x1024xf32, #tpu.memory_space<hbm>> -> memref<32x1024xf32, #tpu.memory_space<hbm>>
      tpu.wait_dma2 semaphore(%run_scoped3A : memref<!tpu.dma_semaphore, #tpu.memory_space<semaphore_mem>>) src(%arg7 : memref<32x1024xf32, #tpu.memory_space<vmem>>) dst(%dma_wait3A_97 : memref<32x1024xf32, #tpu.memory_space<hbm>>)
      tpu.yield
    }) : () -> ()
    %mul3A_21 = arith.constant 128 : i32
    %mul3A_22 = arith.muli %add3A, %mul3A_21 : i32
    %add3A_23 = arith.constant 32 : i32
    %add3A_24 = arith.addi %mul3A_22, %add3A_23 : i32
    "tpu.region"() ({
      %run_scoped3A = tpu.sem_alloc : memref<!tpu.dma_semaphore, #tpu.memory_space<semaphore_mem>>
      %dma_start3A_90 = tpu.memref_slice %arg2[%add3A_24] : memref<4096xi32, #tpu.memory_space<hbm>> -> memref<32xi32, #tpu.memory_space<hbm>>
      %dma_start3A_91 = tpu.memref_slice %arg2[%add3A_24] : memref<4096xi32, #tpu.memory_space<hbm>> -> memref<32xi32, #tpu.memory_space<hbm>>
      tpu.enqueue_dma source(%dma_start3A_91 : memref<32xi32, #tpu.memory_space<hbm>>) target(%arg6 : memref<32xi32, #tpu.memory_space<vmem>>) target_semaphore(%run_scoped3A : memref<!tpu.dma_semaphore, #tpu.memory_space<semaphore_mem>>)
      %dma_wait3A_92 = tpu.memref_slice %arg2[%add3A_24] : memref<4096xi32, #tpu.memory_space<hbm>> -> memref<32xi32, #tpu.memory_space<hbm>>
      %dma_wait3A_93 = tpu.memref_slice %arg2[%add3A_24] : memref<4096xi32, #tpu.memory_space<hbm>> -> memref<32xi32, #tpu.memory_space<hbm>>
      tpu.wait_dma2 semaphore(%run_scoped3A : memref<!tpu.dma_semaphore, #tpu.memory_space<semaphore_mem>>) src(%dma_wait3A_93 : memref<32xi32, #tpu.memory_space<hbm>>) dst(%arg6 : memref<32xi32, #tpu.memory_space<vmem>>)
      tpu.yield
    }) : () -> ()
    %dma_start3A_25 = arith.constant 0 : i32
    %dma_start3A_26 = arith.constant 0 : i32
    %dma_start3A_27 = tpu.memref_slice %arg4[%dma_start3A_25, %dma_start3A_26] : memref<8192x1024xf32, #tpu.memory_space<hbm>> -> memref<8192x1024xf32, #tpu.memory_space<hbm>>
    tpu.enqueue_indirect_dma source(%dma_start3A_27 : memref<8192x1024xf32, #tpu.memory_space<hbm>>) target(%arg7 : memref<32x1024xf32, #tpu.memory_space<vmem>>) offsets(%arg6 : memref<32xi32, #tpu.memory_space<vmem>>) semaphore(%arg9 : memref<!tpu.dma_semaphore, #tpu.memory_space<semaphore_mem>>)
    %dma_wait3A_28 = arith.constant 0 : i32
    %dma_wait3A_29 = arith.constant 0 : i32
    %dma_wait3A_30 = tpu.memref_slice %arg4[%dma_wait3A_28, %dma_wait3A_29] : memref<8192x1024xf32, #tpu.memory_space<hbm>> -> memref<8192x1024xf32, #tpu.memory_space<hbm>>
    tpu.wait_indirect_dma semaphore(%arg9 : memref<!tpu.dma_semaphore, #tpu.memory_space<semaphore_mem>>) src(%dma_wait3A_30 : memref<8192x1024xf32, #tpu.memory_space<hbm>>) dst(%arg7 : memref<32x1024xf32, #tpu.memory_space<vmem>>)
    "tpu.region"() ({
      %run_scoped3A = tpu.sem_alloc : memref<!tpu.dma_semaphore, #tpu.memory_space<semaphore_mem>>
      %dma_start3A_90 = tpu.memref_slice %arg3[%add3A_24] : memref<4096xi32, #tpu.memory_space<hbm>> -> memref<32xi32, #tpu.memory_space<hbm>>
      %dma_start3A_91 = tpu.memref_slice %arg3[%add3A_24] : memref<4096xi32, #tpu.memory_space<hbm>> -> memref<32xi32, #tpu.memory_space<hbm>>
      tpu.enqueue_dma source(%dma_start3A_91 : memref<32xi32, #tpu.memory_space<hbm>>) target(%arg6 : memref<32xi32, #tpu.memory_space<vmem>>) target_semaphore(%run_scoped3A : memref<!tpu.dma_semaphore, #tpu.memory_space<semaphore_mem>>)
      %dma_wait3A_92 = tpu.memref_slice %arg3[%add3A_24] : memref<4096xi32, #tpu.memory_space<hbm>> -> memref<32xi32, #tpu.memory_space<hbm>>
      %dma_wait3A_93 = tpu.memref_slice %arg3[%add3A_24] : memref<4096xi32, #tpu.memory_space<hbm>> -> memref<32xi32, #tpu.memory_space<hbm>>
      tpu.wait_dma2 semaphore(%run_scoped3A : memref<!tpu.dma_semaphore, #tpu.memory_space<semaphore_mem>>) src(%dma_wait3A_93 : memref<32xi32, #tpu.memory_space<hbm>>) dst(%arg6 : memref<32xi32, #tpu.memory_space<vmem>>)
      tpu.yield
    }) : () -> ()
    %dma_start3A_31 = arith.constant 0 : i32
    %dma_start3A_32 = arith.constant 0 : i32
    %dma_start3A_33 = tpu.memref_slice %arg4[%dma_start3A_31, %dma_start3A_32] : memref<8192x1024xf32, #tpu.memory_space<hbm>> -> memref<8192x1024xf32, #tpu.memory_space<hbm>>
    tpu.enqueue_indirect_dma source(%dma_start3A_33 : memref<8192x1024xf32, #tpu.memory_space<hbm>>) target(%arg8 : memref<32x1024xf32, #tpu.memory_space<vmem>>) offsets(%arg6 : memref<32xi32, #tpu.memory_space<vmem>>) semaphore(%arg9 : memref<!tpu.dma_semaphore, #tpu.memory_space<semaphore_mem>>)
    %dma_wait3A_34 = arith.constant 0 : i32
    %dma_wait3A_35 = arith.constant 0 : i32
    %dma_wait3A_36 = tpu.memref_slice %arg4[%dma_wait3A_34, %dma_wait3A_35] : memref<8192x1024xf32, #tpu.memory_space<hbm>> -> memref<8192x1024xf32, #tpu.memory_space<hbm>>
    tpu.wait_indirect_dma semaphore(%arg9 : memref<!tpu.dma_semaphore, #tpu.memory_space<semaphore_mem>>) src(%dma_wait3A_36 : memref<8192x1024xf32, #tpu.memory_space<hbm>>) dst(%arg8 : memref<32x1024xf32, #tpu.memory_space<vmem>>)
    %scan3A_37 = arith.constant 0 : i32
    %scan3A_38 = arith.constant 0 : i32
    %scan3A_39 = arith.constant 32 : i32
    %scan3A_40 = arith.addi %scan3A_38, %scan3A_39 : i32
    %scan3A_41 = arith.constant 1 : i32
    %scan3A_42 = scf.for %scan3A_90 = %scan3A_38 to %scan3A_40 step %scan3A_41 iter_args(%scan3A_91 = %scan3A_37) -> (i32)  : i32 {
      %scan3A_92 = arith.constant 0 : i32
      %scan3A_93 = arith.constant 0 : i32
      %scan3A_94 = arith.constant 64 : i32
      %scan3A_95 = arith.addi %scan3A_93, %scan3A_94 : i32
      %scan3A_96 = arith.constant 1 : i32
      %scan3A_97 = scf.for %scan3A_99 = %scan3A_93 to %scan3A_95 step %scan3A_96 iter_args(%scan3A_100 = %scan3A_92) -> (i32)  : i32 {
        %mul3A_101 = arith.constant 16 : i32
        %mul3A_102 = arith.muli %scan3A_99, %mul3A_101 : i32
        %get3A = arith.index_cast %scan3A_90 : i32 to index
        %get3A_103 = arith.index_cast %mul3A_102 : i32 to index
        %get3A_104 = tpu.vector_load %arg7[%get3A, %get3A_103] {strides = array<i32>} : memref<32x1024xf32, #tpu.memory_space<vmem>>, vector<1x16xf32>,
        %get3A_105 = vector.shape_cast %get3A_104 : vector<1x16xf32> to vector<16xf32>
        %get3A_106 = arith.index_cast %scan3A_90 : i32 to index
        %get3A_107 = arith.index_cast %mul3A_102 : i32 to index
        %get3A_108 = tpu.vector_load %arg8[%get3A_106, %get3A_107] {strides = array<i32>} : memref<32x1024xf32, #tpu.memory_space<vmem>>, vector<1x16xf32>,
        %get3A_109 = vector.shape_cast %get3A_108 : vector<1x16xf32> to vector<16xf32>
        %add3A_110 = arith.addf %get3A_105, %get3A_109 : vector<16xf32>
        %swap3A = arith.index_cast %scan3A_90 : i32 to index
        %swap3A_111 = arith.index_cast %mul3A_102 : i32 to index
        %swap3A_112 = tpu.vector_load %arg7[%swap3A, %swap3A_111] {strides = array<i32>} : memref<32x1024xf32, #tpu.memory_space<vmem>>, vector<1x16xf32>,
        %swap3A_113 = vector.shape_cast %swap3A_112 : vector<1x16xf32> to vector<16xf32>
        %swap3A_114 = vector.shape_cast %add3A_110 : vector<16xf32> to vector<1x16xf32>
        tpu.vector_store %arg7[%swap3A, %swap3A_111], %swap3A_114 {strides = array<i32>} : memref<32x1024xf32, #tpu.memory_space<vmem>>, vector<1x16xf32>,
        %scan3A_115 = arith.constant 0 : i32
        scf.yield %scan3A_115 : i32
      }
      %scan3A_98 = arith.constant 64 : i32
      scf.yield %scan3A_97 : i32
    }
    %scan3A_43 = arith.constant 32 : i32
    "tpu.region"() ({
      %run_scoped3A = tpu.sem_alloc : memref<!tpu.dma_semaphore, #tpu.memory_space<semaphore_mem>>
      %dma_start3A_90 = arith.constant 0 : i32
      %dma_start3A_91 = tpu.memref_slice %arg5[%add3A_24, %dma_start3A_90] : memref<4096x1024xf32, #tpu.memory_space<hbm>> -> memref<32x1024xf32, #tpu.memory_space<hbm>>
      %dma_start3A_92 = arith.constant 0 : i32
      %dma_start3A_93 = tpu.memref_slice %arg5[%add3A_24, %dma_start3A_92] : memref<4096x1024xf32, #tpu.memory_space<hbm>> -> memref<32x1024xf32, #tpu.memory_space<hbm>>
      tpu.enqueue_dma source(%arg7 : memref<32x1024xf32, #tpu.memory_space<vmem>>) target(%dma_start3A_93 : memref<32x1024xf32, #tpu.memory_space<hbm>>) target_semaphore(%run_scoped3A : memref<!tpu.dma_semaphore, #tpu.memory_space<semaphore_mem>>)
      %dma_wait3A_94 = arith.constant 0 : i32
      %dma_wait3A_95 = tpu.memref_slice %arg5[%add3A_24, %dma_wait3A_94] : memref<4096x1024xf32, #tpu.memory_space<hbm>> -> memref<32x1024xf32, #tpu.memory_space<hbm>>
      %dma_wait3A_96 = arith.constant 0 : i32
      %dma_wait3A_97 = tpu.memref_slice %arg5[%add3A_24, %dma_wait3A_96] : memref<4096x1024xf32, #tpu.memory_space<hbm>> -> memref<32x1024xf32, #tpu.memory_space<hbm>>
      tpu.wait_dma2 semaphore(%run_scoped3A : memref<!tpu.dma_semaphore, #tpu.memory_space<semaphore_mem>>) src(%arg7 : memref<32x1024xf32, #tpu.memory_space<vmem>>) dst(%dma_wait3A_97 : memref<32x1024xf32, #tpu.memory_space<hbm>>)
      tpu.yield
    }) : () -> ()
    %mul3A_44 = arith.constant 128 : i32
    %mul3A_45 = arith.muli %add3A, %mul3A_44 : i32
    %add3A_46 = arith.constant 64 : i32
    %add3A_47 = arith.addi %mul3A_45, %add3A_46 : i32
    "tpu.region"() ({
      %run_scoped3A = tpu.sem_alloc : memref<!tpu.dma_semaphore, #tpu.memory_space<semaphore_mem>>
      %dma_start3A_90 = tpu.memref_slice %arg2[%add3A_47] : memref<4096xi32, #tpu.memory_space<hbm>> -> memref<32xi32, #tpu.memory_space<hbm>>
      %dma_start3A_91 = tpu.memref_slice %arg2[%add3A_47] : memref<4096xi32, #tpu.memory_space<hbm>> -> memref<32xi32, #tpu.memory_space<hbm>>
      tpu.enqueue_dma source(%dma_start3A_91 : memref<32xi32, #tpu.memory_space<hbm>>) target(%arg6 : memref<32xi32, #tpu.memory_space<vmem>>) target_semaphore(%run_scoped3A : memref<!tpu.dma_semaphore, #tpu.memory_space<semaphore_mem>>)
      %dma_wait3A_92 = tpu.memref_slice %arg2[%add3A_47] : memref<4096xi32, #tpu.memory_space<hbm>> -> memref<32xi32, #tpu.memory_space<hbm>>
      %dma_wait3A_93 = tpu.memref_slice %arg2[%add3A_47] : memref<4096xi32, #tpu.memory_space<hbm>> -> memref<32xi32, #tpu.memory_space<hbm>>
      tpu.wait_dma2 semaphore(%run_scoped3A : memref<!tpu.dma_semaphore, #tpu.memory_space<semaphore_mem>>) src(%dma_wait3A_93 : memref<32xi32, #tpu.memory_space<hbm>>) dst(%arg6 : memref<32xi32, #tpu.memory_space<vmem>>)
      tpu.yield
    }) : () -> ()
    %dma_start3A_48 = arith.constant 0 : i32
    %dma_start3A_49 = arith.constant 0 : i32
    %dma_start3A_50 = tpu.memref_slice %arg4[%dma_start3A_48, %dma_start3A_49] : memref<8192x1024xf32, #tpu.memory_space<hbm>> -> memref<8192x1024xf32, #tpu.memory_space<hbm>>
    tpu.enqueue_indirect_dma source(%dma_start3A_50 : memref<8192x1024xf32, #tpu.memory_space<hbm>>) target(%arg7 : memref<32x1024xf32, #tpu.memory_space<vmem>>) offsets(%arg6 : memref<32xi32, #tpu.memory_space<vmem>>) semaphore(%arg9 : memref<!tpu.dma_semaphore, #tpu.memory_space<semaphore_mem>>)
    %dma_wait3A_51 = arith.constant 0 : i32
    %dma_wait3A_52 = arith.constant 0 : i32
    %dma_wait3A_53 = tpu.memref_slice %arg4[%dma_wait3A_51, %dma_wait3A_52] : memref<8192x1024xf32, #tpu.memory_space<hbm>> -> memref<8192x1024xf32, #tpu.memory_space<hbm>>
    tpu.wait_indirect_dma semaphore(%arg9 : memref<!tpu.dma_semaphore, #tpu.memory_space<semaphore_mem>>) src(%dma_wait3A_53 : memref<8192x1024xf32, #tpu.memory_space<hbm>>) dst(%arg7 : memref<32x1024xf32, #tpu.memory_space<vmem>>)
    "tpu.region"() ({
      %run_scoped3A = tpu.sem_alloc : memref<!tpu.dma_semaphore, #tpu.memory_space<semaphore_mem>>
      %dma_start3A_90 = tpu.memref_slice %arg3[%add3A_47] : memref<4096xi32, #tpu.memory_space<hbm>> -> memref<32xi32, #tpu.memory_space<hbm>>
      %dma_start3A_91 = tpu.memref_slice %arg3[%add3A_47] : memref<4096xi32, #tpu.memory_space<hbm>> -> memref<32xi32, #tpu.memory_space<hbm>>
      tpu.enqueue_dma source(%dma_start3A_91 : memref<32xi32, #tpu.memory_space<hbm>>) target(%arg6 : memref<32xi32, #tpu.memory_space<vmem>>) target_semaphore(%run_scoped3A : memref<!tpu.dma_semaphore, #tpu.memory_space<semaphore_mem>>)
      %dma_wait3A_92 = tpu.memref_slice %arg3[%add3A_47] : memref<4096xi32, #tpu.memory_space<hbm>> -> memref<32xi32, #tpu.memory_space<hbm>>
      %dma_wait3A_93 = tpu.memref_slice %arg3[%add3A_47] : memref<4096xi32, #tpu.memory_space<hbm>> -> memref<32xi32, #tpu.memory_space<hbm>>
      tpu.wait_dma2 semaphore(%run_scoped3A : memref<!tpu.dma_semaphore, #tpu.memory_space<semaphore_mem>>) src(%dma_wait3A_93 : memref<32xi32, #tpu.memory_space<hbm>>) dst(%arg6 : memref<32xi32, #tpu.memory_space<vmem>>)
      tpu.yield
    }) : () -> ()
    %dma_start3A_54 = arith.constant 0 : i32
    %dma_start3A_55 = arith.constant 0 : i32
    %dma_start3A_56 = tpu.memref_slice %arg4[%dma_start3A_54, %dma_start3A_55] : memref<8192x1024xf32, #tpu.memory_space<hbm>> -> memref<8192x1024xf32, #tpu.memory_space<hbm>>
    tpu.enqueue_indirect_dma source(%dma_start3A_56 : memref<8192x1024xf32, #tpu.memory_space<hbm>>) target(%arg8 : memref<32x1024xf32, #tpu.memory_space<vmem>>) offsets(%arg6 : memref<32xi32, #tpu.memory_space<vmem>>) semaphore(%arg9 : memref<!tpu.dma_semaphore, #tpu.memory_space<semaphore_mem>>)
    %dma_wait3A_57 = arith.constant 0 : i32
    %dma_wait3A_58 = arith.constant 0 : i32
    %dma_wait3A_59 = tpu.memref_slice %arg4[%dma_wait3A_57, %dma_wait3A_58] : memref<8192x1024xf32, #tpu.memory_space<hbm>> -> memref<8192x1024xf32, #tpu.memory_space<hbm>>
    tpu.wait_indirect_dma semaphore(%arg9 : memref<!tpu.dma_semaphore, #tpu.memory_space<semaphore_mem>>) src(%dma_wait3A_59 : memref<8192x1024xf32, #tpu.memory_space<hbm>>) dst(%arg8 : memref<32x1024xf32, #tpu.memory_space<vmem>>)
    %scan3A_60 = arith.constant 0 : i32
    %scan3A_61 = arith.constant 0 : i32
    %scan3A_62 = arith.constant 32 : i32
    %scan3A_63 = arith.addi %scan3A_61, %scan3A_62 : i32
    %scan3A_64 = arith.constant 1 : i32
    %scan3A_65 = scf.for %scan3A_90 = %scan3A_61 to %scan3A_63 step %scan3A_64 iter_args(%scan3A_91 = %scan3A_60) -> (i32)  : i32 {
      %scan3A_92 = arith.constant 0 : i32
      %scan3A_93 = arith.constant 0 : i32
      %scan3A_94 = arith.constant 64 : i32
      %scan3A_95 = arith.addi %scan3A_93, %scan3A_94 : i32
      %scan3A_96 = arith.constant 1 : i32
      %scan3A_97 = scf.for %scan3A_99 = %scan3A_93 to %scan3A_95 step %scan3A_96 iter_args(%scan3A_100 = %scan3A_92) -> (i32)  : i32 {
        %mul3A_101 = arith.constant 16 : i32
        %mul3A_102 = arith.muli %scan3A_99, %mul3A_101 : i32
        %get3A = arith.index_cast %scan3A_90 : i32 to index
        %get3A_103 = arith.index_cast %mul3A_102 : i32 to index
        %get3A_104 = tpu.vector_load %arg7[%get3A, %get3A_103] {strides = array<i32>} : memref<32x1024xf32, #tpu.memory_space<vmem>>, vector<1x16xf32>,
        %get3A_105 = vector.shape_cast %get3A_104 : vector<1x16xf32> to vector<16xf32>
        %get3A_106 = arith.index_cast %scan3A_90 : i32 to index
        %get3A_107 = arith.index_cast %mul3A_102 : i32 to index
        %get3A_108 = tpu.vector_load %arg8[%get3A_106, %get3A_107] {strides = array<i32>} : memref<32x1024xf32, #tpu.memory_space<vmem>>, vector<1x16xf32>,
        %get3A_109 = vector.shape_cast %get3A_108 : vector<1x16xf32> to vector<16xf32>
        %add3A_110 = arith.addf %get3A_105, %get3A_109 : vector<16xf32>
        %swap3A = arith.index_cast %scan3A_90 : i32 to index
        %swap3A_111 = arith.index_cast %mul3A_102 : i32 to index
        %swap3A_112 = tpu.vector_load %arg7[%swap3A, %swap3A_111] {strides = array<i32>} : memref<32x1024xf32, #tpu.memory_space<vmem>>, vector<1x16xf32>,
        %swap3A_113 = vector.shape_cast %swap3A_112 : vector<1x16xf32> to vector<16xf32>
        %swap3A_114 = vector.shape_cast %add3A_110 : vector<16xf32> to vector<1x16xf32>
        tpu.vector_store %arg7[%swap3A, %swap3A_111], %swap3A_114 {strides = array<i32>} : memref<32x1024xf32, #tpu.memory_space<vmem>>, vector<1x16xf32>,
        %scan3A_115 = arith.constant 0 : i32
        scf.yield %scan3A_115 : i32
      }
      %scan3A_98 = arith.constant 64 : i32
      scf.yield %scan3A_97 : i32
    }
    %scan3A_66 = arith.constant 32 : i32
    "tpu.region"() ({
      %run_scoped3A = tpu.sem_alloc : memref<!tpu.dma_semaphore, #tpu.memory_space<semaphore_mem>>
      %dma_start3A_90 = arith.constant 0 : i32
      %dma_start3A_91 = tpu.memref_slice %arg5[%add3A_47, %dma_start3A_90] : memref<4096x1024xf32, #tpu.memory_space<hbm>> -> memref<32x1024xf32, #tpu.memory_space<hbm>>
      %dma_start3A_92 = arith.constant 0 : i32
      %dma_start3A_93 = tpu.memref_slice %arg5[%add3A_47, %dma_start3A_92] : memref<4096x1024xf32, #tpu.memory_space<hbm>> -> memref<32x1024xf32, #tpu.memory_space<hbm>>
      tpu.enqueue_dma source(%arg7 : memref<32x1024xf32, #tpu.memory_space<vmem>>) target(%dma_start3A_93 : memref<32x1024xf32, #tpu.memory_space<hbm>>) target_semaphore(%run_scoped3A : memref<!tpu.dma_semaphore, #tpu.memory_space<semaphore_mem>>)
      %dma_wait3A_94 = arith.constant 0 : i32
      %dma_wait3A_95 = tpu.memref_slice %arg5[%add3A_47, %dma_wait3A_94] : memref<4096x1024xf32, #tpu.memory_space<hbm>> -> memref<32x1024xf32, #tpu.memory_space<hbm>>
      %dma_wait3A_96 = arith.constant 0 : i32
      %dma_wait3A_97 = tpu.memref_slice %arg5[%add3A_47, %dma_wait3A_96] : memref<4096x1024xf32, #tpu.memory_space<hbm>> -> memref<32x1024xf32, #tpu.memory_space<hbm>>
      tpu.wait_dma2 semaphore(%run_scoped3A : memref<!tpu.dma_semaphore, #tpu.memory_space<semaphore_mem>>) src(%arg7 : memref<32x1024xf32, #tpu.memory_space<vmem>>) dst(%dma_wait3A_97 : memref<32x1024xf32, #tpu.memory_space<hbm>>)
      tpu.yield
    }) : () -> ()
    %mul3A_67 = arith.constant 128 : i32
    %mul3A_68 = arith.muli %add3A, %mul3A_67 : i32
    %add3A_69 = arith.constant 96 : i32
    %add3A_70 = arith.addi %mul3A_68, %add3A_69 : i32
    "tpu.region"() ({
      %run_scoped3A = tpu.sem_alloc : memref<!tpu.dma_semaphore, #tpu.memory_space<semaphore_mem>>
      %dma_start3A_90 = tpu.memref_slice %arg2[%add3A_70] : memref<4096xi32, #tpu.memory_space<hbm>> -> memref<32xi32, #tpu.memory_space<hbm>>
      %dma_start3A_91 = tpu.memref_slice %arg2[%add3A_70] : memref<4096xi32, #tpu.memory_space<hbm>> -> memref<32xi32, #tpu.memory_space<hbm>>
      tpu.enqueue_dma source(%dma_start3A_91 : memref<32xi32, #tpu.memory_space<hbm>>) target(%arg6 : memref<32xi32, #tpu.memory_space<vmem>>) target_semaphore(%run_scoped3A : memref<!tpu.dma_semaphore, #tpu.memory_space<semaphore_mem>>)
      %dma_wait3A_92 = tpu.memref_slice %arg2[%add3A_70] : memref<4096xi32, #tpu.memory_space<hbm>> -> memref<32xi32, #tpu.memory_space<hbm>>
      %dma_wait3A_93 = tpu.memref_slice %arg2[%add3A_70] : memref<4096xi32, #tpu.memory_space<hbm>> -> memref<32xi32, #tpu.memory_space<hbm>>
      tpu.wait_dma2 semaphore(%run_scoped3A : memref<!tpu.dma_semaphore, #tpu.memory_space<semaphore_mem>>) src(%dma_wait3A_93 : memref<32xi32, #tpu.memory_space<hbm>>) dst(%arg6 : memref<32xi32, #tpu.memory_space<vmem>>)
      tpu.yield
    }) : () -> ()
    %dma_start3A_71 = arith.constant 0 : i32
    %dma_start3A_72 = arith.constant 0 : i32
    %dma_start3A_73 = tpu.memref_slice %arg4[%dma_start3A_71, %dma_start3A_72] : memref<8192x1024xf32, #tpu.memory_space<hbm>> -> memref<8192x1024xf32, #tpu.memory_space<hbm>>
    tpu.enqueue_indirect_dma source(%dma_start3A_73 : memref<8192x1024xf32, #tpu.memory_space<hbm>>) target(%arg7 : memref<32x1024xf32, #tpu.memory_space<vmem>>) offsets(%arg6 : memref<32xi32, #tpu.memory_space<vmem>>) semaphore(%arg9 : memref<!tpu.dma_semaphore, #tpu.memory_space<semaphore_mem>>)
    %dma_wait3A_74 = arith.constant 0 : i32
    %dma_wait3A_75 = arith.constant 0 : i32
    %dma_wait3A_76 = tpu.memref_slice %arg4[%dma_wait3A_74, %dma_wait3A_75] : memref<8192x1024xf32, #tpu.memory_space<hbm>> -> memref<8192x1024xf32, #tpu.memory_space<hbm>>
    tpu.wait_indirect_dma semaphore(%arg9 : memref<!tpu.dma_semaphore, #tpu.memory_space<semaphore_mem>>) src(%dma_wait3A_76 : memref<8192x1024xf32, #tpu.memory_space<hbm>>) dst(%arg7 : memref<32x1024xf32, #tpu.memory_space<vmem>>)
    "tpu.region"() ({
      %run_scoped3A = tpu.sem_alloc : memref<!tpu.dma_semaphore, #tpu.memory_space<semaphore_mem>>
      %dma_start3A_90 = tpu.memref_slice %arg3[%add3A_70] : memref<4096xi32, #tpu.memory_space<hbm>> -> memref<32xi32, #tpu.memory_space<hbm>>
      %dma_start3A_91 = tpu.memref_slice %arg3[%add3A_70] : memref<4096xi32, #tpu.memory_space<hbm>> -> memref<32xi32, #tpu.memory_space<hbm>>
      tpu.enqueue_dma source(%dma_start3A_91 : memref<32xi32, #tpu.memory_space<hbm>>) target(%arg6 : memref<32xi32, #tpu.memory_space<vmem>>) target_semaphore(%run_scoped3A : memref<!tpu.dma_semaphore, #tpu.memory_space<semaphore_mem>>)
      %dma_wait3A_92 = tpu.memref_slice %arg3[%add3A_70] : memref<4096xi32, #tpu.memory_space<hbm>> -> memref<32xi32, #tpu.memory_space<hbm>>
      %dma_wait3A_93 = tpu.memref_slice %arg3[%add3A_70] : memref<4096xi32, #tpu.memory_space<hbm>> -> memref<32xi32, #tpu.memory_space<hbm>>
      tpu.wait_dma2 semaphore(%run_scoped3A : memref<!tpu.dma_semaphore, #tpu.memory_space<semaphore_mem>>) src(%dma_wait3A_93 : memref<32xi32, #tpu.memory_space<hbm>>) dst(%arg6 : memref<32xi32, #tpu.memory_space<vmem>>)
      tpu.yield
    }) : () -> ()
    %dma_start3A_77 = arith.constant 0 : i32
    %dma_start3A_78 = arith.constant 0 : i32
    %dma_start3A_79 = tpu.memref_slice %arg4[%dma_start3A_77, %dma_start3A_78] : memref<8192x1024xf32, #tpu.memory_space<hbm>> -> memref<8192x1024xf32, #tpu.memory_space<hbm>>
    tpu.enqueue_indirect_dma source(%dma_start3A_79 : memref<8192x1024xf32, #tpu.memory_space<hbm>>) target(%arg8 : memref<32x1024xf32, #tpu.memory_space<vmem>>) offsets(%arg6 : memref<32xi32, #tpu.memory_space<vmem>>) semaphore(%arg9 : memref<!tpu.dma_semaphore, #tpu.memory_space<semaphore_mem>>)
    %dma_wait3A_80 = arith.constant 0 : i32
    %dma_wait3A_81 = arith.constant 0 : i32
    %dma_wait3A_82 = tpu.memref_slice %arg4[%dma_wait3A_80, %dma_wait3A_81] : memref<8192x1024xf32, #tpu.memory_space<hbm>> -> memref<8192x1024xf32, #tpu.memory_space<hbm>>
    tpu.wait_indirect_dma semaphore(%arg9 : memref<!tpu.dma_semaphore, #tpu.memory_space<semaphore_mem>>) src(%dma_wait3A_82 : memref<8192x1024xf32, #tpu.memory_space<hbm>>) dst(%arg8 : memref<32x1024xf32, #tpu.memory_space<vmem>>)
    %scan3A_83 = arith.constant 0 : i32
    %scan3A_84 = arith.constant 0 : i32
    %scan3A_85 = arith.constant 32 : i32
    %scan3A_86 = arith.addi %scan3A_84, %scan3A_85 : i32
    %scan3A_87 = arith.constant 1 : i32
    %scan3A_88 = scf.for %scan3A_90 = %scan3A_84 to %scan3A_86 step %scan3A_87 iter_args(%scan3A_91 = %scan3A_83) -> (i32)  : i32 {
      %scan3A_92 = arith.constant 0 : i32
      %scan3A_93 = arith.constant 0 : i32
      %scan3A_94 = arith.constant 64 : i32
      %scan3A_95 = arith.addi %scan3A_93, %scan3A_94 : i32
      %scan3A_96 = arith.constant 1 : i32
      %scan3A_97 = scf.for %scan3A_99 = %scan3A_93 to %scan3A_95 step %scan3A_96 iter_args(%scan3A_100 = %scan3A_92) -> (i32)  : i32 {
        %mul3A_101 = arith.constant 16 : i32
        %mul3A_102 = arith.muli %scan3A_99, %mul3A_101 : i32
        %get3A = arith.index_cast %scan3A_90 : i32 to index
        %get3A_103 = arith.index_cast %mul3A_102 : i32 to index
        %get3A_104 = tpu.vector_load %arg7[%get3A, %get3A_103] {strides = array<i32>} : memref<32x1024xf32, #tpu.memory_space<vmem>>, vector<1x16xf32>,
        %get3A_105 = vector.shape_cast %get3A_104 : vector<1x16xf32> to vector<16xf32>
        %get3A_106 = arith.index_cast %scan3A_90 : i32 to index
        %get3A_107 = arith.index_cast %mul3A_102 : i32 to index
        %get3A_108 = tpu.vector_load %arg8[%get3A_106, %get3A_107] {strides = array<i32>} : memref<32x1024xf32, #tpu.memory_space<vmem>>, vector<1x16xf32>,
        %get3A_109 = vector.shape_cast %get3A_108 : vector<1x16xf32> to vector<16xf32>
        %add3A_110 = arith.addf %get3A_105, %get3A_109 : vector<16xf32>
        %swap3A = arith.index_cast %scan3A_90 : i32 to index
        %swap3A_111 = arith.index_cast %mul3A_102 : i32 to index
        %swap3A_112 = tpu.vector_load %arg7[%swap3A, %swap3A_111] {strides = array<i32>} : memref<32x1024xf32, #tpu.memory_space<vmem>>, vector<1x16xf32>,
        %swap3A_113 = vector.shape_cast %swap3A_112 : vector<1x16xf32> to vector<16xf32>
        %swap3A_114 = vector.shape_cast %add3A_110 : vector<16xf32> to vector<1x16xf32>
        tpu.vector_store %arg7[%swap3A, %swap3A_111], %swap3A_114 {strides = array<i32>} : memref<32x1024xf32, #tpu.memory_space<vmem>>, vector<1x16xf32>,
        %scan3A_115 = arith.constant 0 : i32
        scf.yield %scan3A_115 : i32
      }
      %scan3A_98 = arith.constant 64 : i32
      scf.yield %scan3A_97 : i32
    }
    %scan3A_89 = arith.constant 32 : i32
    "tpu.region"() ({
      %run_scoped3A = tpu.sem_alloc : memref<!tpu.dma_semaphore, #tpu.memory_space<semaphore_mem>>
      %dma_start3A_90 = arith.constant 0 : i32
      %dma_start3A_91 = tpu.memref_slice %arg5[%add3A_70, %dma_start3A_90] : memref<4096x1024xf32, #tpu.memory_space<hbm>> -> memref<32x1024xf32, #tpu.memory_space<hbm>>
      %dma_start3A_92 = arith.constant 0 : i32
      %dma_start3A_93 = tpu.memref_slice %arg5[%add3A_70, %dma_start3A_92] : memref<4096x1024xf32, #tpu.memory_space<hbm>> -> memref<32x1024xf32, #tpu.memory_space<hbm>>
      tpu.enqueue_dma source(%arg7 : memref<32x1024xf32, #tpu.memory_space<vmem>>) target(%dma_start3A_93 : memref<32x1024xf32, #tpu.memory_space<hbm>>) target_semaphore(%run_scoped3A : memref<!tpu.dma_semaphore, #tpu.memory_space<semaphore_mem>>)
      %dma_wait3A_94 = arith.constant 0 : i32
      %dma_wait3A_95 = tpu.memref_slice %arg5[%add3A_70, %dma_wait3A_94] : memref<4096x1024xf32, #tpu.memory_space<hbm>> -> memref<32x1024xf32, #tpu.memory_space<hbm>>
      %dma_wait3A_96 = arith.constant 0 : i32
      %dma_wait3A_97 = tpu.memref_slice %arg5[%add3A_70, %dma_wait3A_96] : memref<4096x1024xf32, #tpu.memory_space<hbm>> -> memref<32x1024xf32, #tpu.memory_space<hbm>>
      tpu.wait_dma2 semaphore(%run_scoped3A : memref<!tpu.dma_semaphore, #tpu.memory_space<semaphore_mem>>) src(%arg7 : memref<32x1024xf32, #tpu.memory_space<vmem>>) dst(%dma_wait3A_97 : memref<32x1024xf32, #tpu.memory_space<hbm>>)
      tpu.yield
    }) : () -> ()
    return
  }
}

#map = affine_map<(d0, d1) -> (0)>
module attributes {stable_mosaic.version = 14 : i64} {
  func.func @_dispatch_body(%arg0: i32, %arg1: i32, %arg2: memref<8192xi32, #tpu.memory_space<hbm>>, %arg3: memref<8192xf32, #tpu.memory_space<hbm>>, %arg4: memref<8192xi32, #tpu.memory_space<hbm>>, %arg5: memref<8192xf32, #tpu.memory_space<hbm>>, %arg6: memref<4096xi32, #tpu.memory_space<hbm>>, %arg7: memref<4096xi32, #tpu.memory_space<hbm>>, %arg8: memref<16xi32, #tpu.memory_space<hbm>>, %arg9: memref<512xi32, #tpu.memory_space<vmem>>, %arg10: memref<512xf32, #tpu.memory_space<vmem>>, %arg11: memref<512xi32, #tpu.memory_space<vmem>>, %arg12: memref<512xi32, #tpu.memory_space<vmem>>, %arg13: memref<512xi32, #tpu.memory_space<vmem>>, %arg14: memref<16xi32, #tpu.memory_space<vmem>>, %arg15: memref<16x16xi32, #tpu.memory_space<vmem>>, %arg16: memref<16x16xi32, #tpu.memory_space<vmem_shared>>, %arg17: memref<8192xi32, #tpu.memory_space<vmem_shared>>, %arg18: memref<8192xf32, #tpu.memory_space<vmem_shared>>) attributes {dimension_semantics = [#tpu.dimension_semantics<core_parallel>, #tpu.dimension_semantics<subcore_parallel>], iteration_bounds = array<i64: 1, 16>, scalar_prefetch = 0 : i64, scratch_operands = 10 : i64, tpu.core_type = #tpu.core_type<sc_vector_subcore>, window_params = [{transform_indices = #map}, {transform_indices = #map}, {transform_indices = #map}, {transform_indices = #map}, {transform_indices = #map}, {transform_indices = #map}, {transform_indices = #map}]} {
    %mul3A = arith.constant 512 : i32
    %mul3A_0 = arith.muli %arg1, %mul3A : i32
    %iota3A = tpu.iota {dimensions = array<i32: 0>} : vector<16xi32>
    %broadcast_in_dim3A = arith.constant 0 : i32
    %broadcast_in_dim3A_1 = vector.broadcast %broadcast_in_dim3A : i32 to vector<16xi32>
    "tpu.region"() ({
      %run_scoped3A = tpu.sem_alloc : memref<!tpu.dma_semaphore, #tpu.memory_space<semaphore_mem>>
      %dma_start3A = tpu.memref_slice %arg2[%mul3A_0] : memref<8192xi32, #tpu.memory_space<hbm>> -> memref<512xi32, #tpu.memory_space<hbm>>
      %dma_start3A_27 = tpu.memref_slice %arg2[%mul3A_0] : memref<8192xi32, #tpu.memory_space<hbm>> -> memref<512xi32, #tpu.memory_space<hbm>>
      tpu.enqueue_dma source(%dma_start3A_27 : memref<512xi32, #tpu.memory_space<hbm>>) target(%arg9 : memref<512xi32, #tpu.memory_space<vmem>>) target_semaphore(%run_scoped3A : memref<!tpu.dma_semaphore, #tpu.memory_space<semaphore_mem>>)
      %dma_wait3A = tpu.memref_slice %arg2[%mul3A_0] : memref<8192xi32, #tpu.memory_space<hbm>> -> memref<512xi32, #tpu.memory_space<hbm>>
      %dma_wait3A_28 = tpu.memref_slice %arg2[%mul3A_0] : memref<8192xi32, #tpu.memory_space<hbm>> -> memref<512xi32, #tpu.memory_space<hbm>>
      tpu.wait_dma2 semaphore(%run_scoped3A : memref<!tpu.dma_semaphore, #tpu.memory_space<semaphore_mem>>) src(%dma_wait3A_28 : memref<512xi32, #tpu.memory_space<hbm>>) dst(%arg9 : memref<512xi32, #tpu.memory_space<vmem>>)
      tpu.yield
    }) : () -> ()
    "tpu.region"() ({
      %run_scoped3A = tpu.sem_alloc : memref<!tpu.dma_semaphore, #tpu.memory_space<semaphore_mem>>
      %dma_start3A = tpu.memref_slice %arg3[%mul3A_0] : memref<8192xf32, #tpu.memory_space<hbm>> -> memref<512xf32, #tpu.memory_space<hbm>>
      %dma_start3A_27 = tpu.memref_slice %arg3[%mul3A_0] : memref<8192xf32, #tpu.memory_space<hbm>> -> memref<512xf32, #tpu.memory_space<hbm>>
      tpu.enqueue_dma source(%dma_start3A_27 : memref<512xf32, #tpu.memory_space<hbm>>) target(%arg10 : memref<512xf32, #tpu.memory_space<vmem>>) target_semaphore(%run_scoped3A : memref<!tpu.dma_semaphore, #tpu.memory_space<semaphore_mem>>)
      %dma_wait3A = tpu.memref_slice %arg3[%mul3A_0] : memref<8192xf32, #tpu.memory_space<hbm>> -> memref<512xf32, #tpu.memory_space<hbm>>
      %dma_wait3A_28 = tpu.memref_slice %arg3[%mul3A_0] : memref<8192xf32, #tpu.memory_space<hbm>> -> memref<512xf32, #tpu.memory_space<hbm>>
      tpu.wait_dma2 semaphore(%run_scoped3A : memref<!tpu.dma_semaphore, #tpu.memory_space<semaphore_mem>>) src(%dma_wait3A_28 : memref<512xf32, #tpu.memory_space<hbm>>) dst(%arg10 : memref<512xf32, #tpu.memory_space<vmem>>)
      tpu.yield
    }) : () -> ()
    %scan3A = arith.constant 0 : i32
    %scan3A_2 = arith.constant 32 : i32
    %scan3A_3 = arith.addi %scan3A, %scan3A_2 : i32
    %scan3A_4 = arith.constant 1 : i32
    %scan3A_5 = scf.for %scan3A_27 = %scan3A to %scan3A_3 step %scan3A_4 iter_args(%scan3A_28 = %broadcast_in_dim3A_1) -> (vector<16xi32>)  : i32 {
      %mul3A_29 = arith.constant 16 : i32
      %mul3A_30 = arith.muli %scan3A_27, %mul3A_29 : i32
      %get3A = arith.index_cast %mul3A_30 : i32 to index
      %get3A_31 = tpu.vector_load %arg9[%get3A] {strides = array<i32>} : memref<512xi32, #tpu.memory_space<vmem>>, vector<16xi32>,
      %eq3A_32 = arith.constant 0 : i32
      %eq3A_33 = vector.broadcast %eq3A_32 : i32 to vector<16xi32>
      %eq3A_34 = arith.cmpi eq, %get3A_31, %eq3A_33 : vector<16xi32>
      %all_reduce_population_count3A = tpu.all_reduce %eq3A_34 {dim = 0 : i64, kind = #tpu.reduction_kind<sum>} : vector<16xi1> -> vector<16xi32>
      %eq3A_35 = arith.constant 0 : i32
      %eq3A_36 = vector.broadcast %eq3A_35 : i32 to vector<16xi32>
      %eq3A_37 = arith.cmpi eq, %iota3A, %eq3A_36 : vector<16xi32>
      %select_n3A = arith.select %eq3A_37, %all_reduce_population_count3A, %broadcast_in_dim3A_1 : vector<16xi1>, vector<16xi32>
      %add3A_38 = arith.addi %scan3A_28, %select_n3A : vector<16xi32>
      %eq3A_39 = arith.constant 1 : i32
      %eq3A_40 = vector.broadcast %eq3A_39 : i32 to vector<16xi32>
      %eq3A_41 = arith.cmpi eq, %get3A_31, %eq3A_40 : vector<16xi32>
      %all_reduce_population_count3A_42 = tpu.all_reduce %eq3A_41 {dim = 0 : i64, kind = #tpu.reduction_kind<sum>} : vector<16xi1> -> vector<16xi32>
      %eq3A_43 = arith.constant 1 : i32
      %eq3A_44 = vector.broadcast %eq3A_43 : i32 to vector<16xi32>
      %eq3A_45 = arith.cmpi eq, %iota3A, %eq3A_44 : vector<16xi32>
      %select_n3A_46 = arith.select %eq3A_45, %all_reduce_population_count3A_42, %broadcast_in_dim3A_1 : vector<16xi1>, vector<16xi32>
      %add3A_47 = arith.addi %add3A_38, %select_n3A_46 : vector<16xi32>
      %eq3A_48 = arith.constant 2 : i32
      %eq3A_49 = vector.broadcast %eq3A_48 : i32 to vector<16xi32>
      %eq3A_50 = arith.cmpi eq, %get3A_31, %eq3A_49 : vector<16xi32>
      %all_reduce_population_count3A_51 = tpu.all_reduce %eq3A_50 {dim = 0 : i64, kind = #tpu.reduction_kind<sum>} : vector<16xi1> -> vector<16xi32>
      %eq3A_52 = arith.constant 2 : i32
      %eq3A_53 = vector.broadcast %eq3A_52 : i32 to vector<16xi32>
      %eq3A_54 = arith.cmpi eq, %iota3A, %eq3A_53 : vector<16xi32>
      %select_n3A_55 = arith.select %eq3A_54, %all_reduce_population_count3A_51, %broadcast_in_dim3A_1 : vector<16xi1>, vector<16xi32>
      %add3A_56 = arith.addi %add3A_47, %select_n3A_55 : vector<16xi32>
      %eq3A_57 = arith.constant 3 : i32
      %eq3A_58 = vector.broadcast %eq3A_57 : i32 to vector<16xi32>
      %eq3A_59 = arith.cmpi eq, %get3A_31, %eq3A_58 : vector<16xi32>
      %all_reduce_population_count3A_60 = tpu.all_reduce %eq3A_59 {dim = 0 : i64, kind = #tpu.reduction_kind<sum>} : vector<16xi1> -> vector<16xi32>
      %eq3A_61 = arith.constant 3 : i32
      %eq3A_62 = vector.broadcast %eq3A_61 : i32 to vector<16xi32>
      %eq3A_63 = arith.cmpi eq, %iota3A, %eq3A_62 : vector<16xi32>
      %select_n3A_64 = arith.select %eq3A_63, %all_reduce_population_count3A_60, %broadcast_in_dim3A_1 : vector<16xi1>, vector<16xi32>
      %add3A_65 = arith.addi %add3A_56, %select_n3A_64 : vector<16xi32>
      %eq3A_66 = arith.constant 4 : i32
      %eq3A_67 = vector.broadcast %eq3A_66 : i32 to vector<16xi32>
      %eq3A_68 = arith.cmpi eq, %get3A_31, %eq3A_67 : vector<16xi32>
      %all_reduce_population_count3A_69 = tpu.all_reduce %eq3A_68 {dim = 0 : i64, kind = #tpu.reduction_kind<sum>} : vector<16xi1> -> vector<16xi32>
      %eq3A_70 = arith.constant 4 : i32
      %eq3A_71 = vector.broadcast %eq3A_70 : i32 to vector<16xi32>
      %eq3A_72 = arith.cmpi eq, %iota3A, %eq3A_71 : vector<16xi32>
      %select_n3A_73 = arith.select %eq3A_72, %all_reduce_population_count3A_69, %broadcast_in_dim3A_1 : vector<16xi1>, vector<16xi32>
      %add3A_74 = arith.addi %add3A_65, %select_n3A_73 : vector<16xi32>
      %eq3A_75 = arith.constant 5 : i32
      %eq3A_76 = vector.broadcast %eq3A_75 : i32 to vector<16xi32>
      %eq3A_77 = arith.cmpi eq, %get3A_31, %eq3A_76 : vector<16xi32>
      %all_reduce_population_count3A_78 = tpu.all_reduce %eq3A_77 {dim = 0 : i64, kind = #tpu.reduction_kind<sum>} : vector<16xi1> -> vector<16xi32>
      %eq3A_79 = arith.constant 5 : i32
      %eq3A_80 = vector.broadcast %eq3A_79 : i32 to vector<16xi32>
      %eq3A_81 = arith.cmpi eq, %iota3A, %eq3A_80 : vector<16xi32>
      %select_n3A_82 = arith.select %eq3A_81, %all_reduce_population_count3A_78, %broadcast_in_dim3A_1 : vector<16xi1>, vector<16xi32>
      %add3A_83 = arith.addi %add3A_74, %select_n3A_82 : vector<16xi32>
      %eq3A_84 = arith.constant 6 : i32
      %eq3A_85 = vector.broadcast %eq3A_84 : i32 to vector<16xi32>
      %eq3A_86 = arith.cmpi eq, %get3A_31, %eq3A_85 : vector<16xi32>
      %all_reduce_population_count3A_87 = tpu.all_reduce %eq3A_86 {dim = 0 : i64, kind = #tpu.reduction_kind<sum>} : vector<16xi1> -> vector<16xi32>
      %eq3A_88 = arith.constant 6 : i32
      %eq3A_89 = vector.broadcast %eq3A_88 : i32 to vector<16xi32>
      %eq3A_90 = arith.cmpi eq, %iota3A, %eq3A_89 : vector<16xi32>
      %select_n3A_91 = arith.select %eq3A_90, %all_reduce_population_count3A_87, %broadcast_in_dim3A_1 : vector<16xi1>, vector<16xi32>
      %add3A_92 = arith.addi %add3A_83, %select_n3A_91 : vector<16xi32>
      %eq3A_93 = arith.constant 7 : i32
      %eq3A_94 = vector.broadcast %eq3A_93 : i32 to vector<16xi32>
      %eq3A_95 = arith.cmpi eq, %get3A_31, %eq3A_94 : vector<16xi32>
      %all_reduce_population_count3A_96 = tpu.all_reduce %eq3A_95 {dim = 0 : i64, kind = #tpu.reduction_kind<sum>} : vector<16xi1> -> vector<16xi32>
      %eq3A_97 = arith.constant 7 : i32
      %eq3A_98 = vector.broadcast %eq3A_97 : i32 to vector<16xi32>
      %eq3A_99 = arith.cmpi eq, %iota3A, %eq3A_98 : vector<16xi32>
      %select_n3A_100 = arith.select %eq3A_99, %all_reduce_population_count3A_96, %broadcast_in_dim3A_1 : vector<16xi1>, vector<16xi32>
      %add3A_101 = arith.addi %add3A_92, %select_n3A_100 : vector<16xi32>
      scf.yield %add3A_101 : vector<16xi32>
    }
    %scan3A_6 = arith.constant 32 : i32
    %swap3A = arith.constant 0 : index
    %swap3A_7 = tpu.vector_load %arg14[%swap3A] {strides = array<i32>} : memref<16xi32, #tpu.memory_space<vmem>>, vector<16xi32>,
    tpu.vector_store %arg14[%swap3A], %scan3A_5 {strides = array<i32>} : memref<16xi32, #tpu.memory_space<vmem>>, vector<16xi32>,
    "tpu.region"() ({
      %run_scoped3A = tpu.sem_alloc : memref<!tpu.dma_semaphore, #tpu.memory_space<semaphore_mem>>
      %dma_start3A = arith.constant 0 : i32
      %dma_start3A_27 = tpu.memref_slice %arg16[%arg1, %dma_start3A] : memref<16x16xi32, #tpu.memory_space<vmem_shared>> -> memref<1x16xi32, #tpu.memory_space<vmem_shared>>
      %dma_start3A_28 = tpu.memref_squeeze %dma_start3A_27 : memref<1x16xi32, #tpu.memory_space<vmem_shared>> -> memref<16xi32, #tpu.memory_space<vmem_shared>>
      %dma_start3A_29 = arith.constant 0 : i32
      %dma_start3A_30 = tpu.memref_slice %arg16[%arg1, %dma_start3A_29] : memref<16x16xi32, #tpu.memory_space<vmem_shared>> -> memref<1x16xi32, #tpu.memory_space<vmem_shared>>
      %dma_start3A_31 = tpu.memref_squeeze %dma_start3A_30 : memref<1x16xi32, #tpu.memory_space<vmem_shared>> -> memref<16xi32, #tpu.memory_space<vmem_shared>>
      tpu.enqueue_dma source(%arg14 : memref<16xi32, #tpu.memory_space<vmem>>) target(%dma_start3A_31 : memref<16xi32, #tpu.memory_space<vmem_shared>>) target_semaphore(%run_scoped3A : memref<!tpu.dma_semaphore, #tpu.memory_space<semaphore_mem>>)
      %dma_wait3A = arith.constant 0 : i32
      %dma_wait3A_32 = tpu.memref_slice %arg16[%arg1, %dma_wait3A] : memref<16x16xi32, #tpu.memory_space<vmem_shared>> -> memref<1x16xi32, #tpu.memory_space<vmem_shared>>
      %dma_wait3A_33 = tpu.memref_squeeze %dma_wait3A_32 : memref<1x16xi32, #tpu.memory_space<vmem_shared>> -> memref<16xi32, #tpu.memory_space<vmem_shared>>
      %dma_wait3A_34 = arith.constant 0 : i32
      %dma_wait3A_35 = tpu.memref_slice %arg16[%arg1, %dma_wait3A_34] : memref<16x16xi32, #tpu.memory_space<vmem_shared>> -> memref<1x16xi32, #tpu.memory_space<vmem_shared>>
      %dma_wait3A_36 = tpu.memref_squeeze %dma_wait3A_35 : memref<1x16xi32, #tpu.memory_space<vmem_shared>> -> memref<16xi32, #tpu.memory_space<vmem_shared>>
      tpu.wait_dma2 semaphore(%run_scoped3A : memref<!tpu.dma_semaphore, #tpu.memory_space<semaphore_mem>>) src(%arg14 : memref<16xi32, #tpu.memory_space<vmem>>) dst(%dma_wait3A_36 : memref<16xi32, #tpu.memory_space<vmem_shared>>)
      tpu.yield
    }) : () -> ()
    %barrier3A = arith.constant 0 : index
    tpu.barrier barrier_id(%barrier3A)
    "tpu.region"() ({
      %run_scoped3A = tpu.sem_alloc : memref<!tpu.dma_semaphore, #tpu.memory_space<semaphore_mem>>
      tpu.enqueue_dma source(%arg16 : memref<16x16xi32, #tpu.memory_space<vmem_shared>>) target(%arg15 : memref<16x16xi32, #tpu.memory_space<vmem>>) target_semaphore(%run_scoped3A : memref<!tpu.dma_semaphore, #tpu.memory_space<semaphore_mem>>)
      tpu.wait_dma2 semaphore(%run_scoped3A : memref<!tpu.dma_semaphore, #tpu.memory_space<semaphore_mem>>) src(%arg16 : memref<16x16xi32, #tpu.memory_space<vmem_shared>>) dst(%arg15 : memref<16x16xi32, #tpu.memory_space<vmem>>)
      tpu.yield
    }) : () -> ()
    %scan3A_8 = arith.constant 0 : i32
    %scan3A_9 = arith.constant 16 : i32
    %scan3A_10 = arith.addi %scan3A_8, %scan3A_9 : i32
    %scan3A_11 = arith.constant 1 : i32
    %scan3A_12:2 = scf.for %scan3A_27 = %scan3A_8 to %scan3A_10 step %scan3A_11 iter_args(%scan3A_28 = %broadcast_in_dim3A_1, %scan3A_29 = %broadcast_in_dim3A_1) -> (vector<16xi32>, vector<16xi32>)  : i32 {
      %get3A = arith.index_cast %scan3A_27 : i32 to index
      %get3A_30 = arith.constant 0 : index
      %get3A_31 = tpu.vector_load %arg15[%get3A, %get3A_30] {strides = array<i32>} : memref<16x16xi32, #tpu.memory_space<vmem>>, vector<16xi32>,
      %lt3A = arith.cmpi slt, %scan3A_27, %arg1 : i32
      %convert_element_type3A_32 = arith.extui %lt3A : i1 to i32
      %add3A_33 = arith.addi %scan3A_28, %get3A_31 : vector<16xi32>
      %mul3A_34 = vector.broadcast %convert_element_type3A_32 : i32 to vector<16xi32>
      %mul3A_35 = arith.muli %get3A_31, %mul3A_34 : vector<16xi32>
      %add3A_36 = arith.addi %scan3A_29, %mul3A_35 : vector<16xi32>
      scf.yield %add3A_33, %add3A_36 : vector<16xi32>, vector<16xi32>
    }
    %scan3A_13 = arith.constant 16 : i32
    %broadcast_in_dim3A_14 = arith.constant true
    %broadcast_in_dim3A_15 = vector.broadcast %broadcast_in_dim3A_14 : i1 to vector<16xi1>
    %masked_cumsum3A = tpu.scan <sum>, %scan3A_12#0 masked %broadcast_in_dim3A_15 : vector<16xi32>, vector<16xi1> -> vector<16xi32>
    %sub3A = arith.subi %masked_cumsum3A, %scan3A_12#0 : vector<16xi32>
    %add3A = arith.addi %sub3A, %scan3A_12#1 : vector<16xi32>
    %eq3A = arith.constant 0 : i32
    %eq3A_16 = arith.cmpi eq, %arg1, %eq3A : i32
    %convert_element_type3A = arith.extui %eq3A_16 : i1 to i32
    %cond3A = arith.constant 0 : i32
    %cond3A_17 = arith.cmpi ne, %convert_element_type3A, %cond3A : i32
    scf.if %cond3A_17 {
      %swap3A_27 = arith.constant 0 : index
      %swap3A_28 = tpu.vector_load %arg14[%swap3A_27] {strides = array<i32>} : memref<16xi32, #tpu.memory_space<vmem>>, vector<16xi32>,
      tpu.vector_store %arg14[%swap3A_27], %scan3A_12#0 {strides = array<i32>} : memref<16xi32, #tpu.memory_space<vmem>>, vector<16xi32>,
      "tpu.region"() ({
        %run_scoped3A = tpu.sem_alloc : memref<!tpu.dma_semaphore, #tpu.memory_space<semaphore_mem>>
        tpu.enqueue_dma source(%arg14 : memref<16xi32, #tpu.memory_space<vmem>>) target(%arg8 : memref<16xi32, #tpu.memory_space<hbm>>) target_semaphore(%run_scoped3A : memref<!tpu.dma_semaphore, #tpu.memory_space<semaphore_mem>>)
        tpu.wait_dma2 semaphore(%run_scoped3A : memref<!tpu.dma_semaphore, #tpu.memory_space<semaphore_mem>>) src(%arg14 : memref<16xi32, #tpu.memory_space<vmem>>) dst(%arg8 : memref<16xi32, #tpu.memory_space<hbm>>)
        tpu.yield
      }) : () -> ()
    } else {
    }
    %scan3A_18 = arith.constant 0 : i32
    %scan3A_19 = arith.constant 32 : i32
    %scan3A_20 = arith.addi %scan3A_18, %scan3A_19 : i32
    %scan3A_21 = arith.constant 1 : i32
    %scan3A_22 = scf.for %scan3A_27 = %scan3A_18 to %scan3A_20 step %scan3A_21 iter_args(%scan3A_28 = %broadcast_in_dim3A_1) -> (vector<16xi32>)  : i32 {
      %mul3A_29 = arith.constant 16 : i32
      %mul3A_30 = arith.muli %scan3A_27, %mul3A_29 : i32
      %get3A = arith.index_cast %mul3A_30 : i32 to index
      %get3A_31 = tpu.vector_load %arg9[%get3A] {strides = array<i32>} : memref<512xi32, #tpu.memory_space<vmem>>, vector<16xi32>,
      %mul3A_32 = arith.constant 16 : i32
      %mul3A_33 = arith.muli %scan3A_27, %mul3A_32 : i32
      %add3A_34 = arith.addi %mul3A_0, %mul3A_33 : i32
      %add3A_35 = vector.broadcast %add3A_34 : i32 to vector<16xi32>
      %add3A_36 = arith.addi %add3A_35, %iota3A : vector<16xi32>
      %lt3A = arith.constant 0 : i32
      %lt3A_37 = vector.broadcast %lt3A : i32 to vector<16xi32>
      %lt3A_38 = arith.cmpi slt, %get3A_31, %lt3A_37 : vector<16xi32>
      %add3A_39 = arith.constant 16 : i32
      %add3A_40 = vector.broadcast %add3A_39 : i32 to vector<16xi32>
      %add3A_41 = arith.addi %get3A_31, %add3A_40 : vector<16xi32>
      %select_n3A = arith.select %lt3A_38, %add3A_41, %get3A_31 : vector<16xi1>, vector<16xi32>
      %broadcast_in_dim3A_42 = vector.shape_cast %select_n3A : vector<16xi32> to vector<16x1xi32>
      %gather3A = vector.shape_cast %broadcast_in_dim3A_42 : vector<16x1xi32> to vector<16xi32>
      %gather3A_43 = tpu.dynamic_gather %add3A[%gather3A] in [0] : vector<16xi32>, vector<16xi32> -> vector<16xi32>
      %lt3A_44 = arith.constant 0 : i32
      %lt3A_45 = vector.broadcast %lt3A_44 : i32 to vector<16xi32>
      %lt3A_46 = arith.cmpi slt, %get3A_31, %lt3A_45 : vector<16xi32>
      %add3A_47 = arith.constant 16 : i32
      %add3A_48 = vector.broadcast %add3A_47 : i32 to vector<16xi32>
      %add3A_49 = arith.addi %get3A_31, %add3A_48 : vector<16xi32>
      %select_n3A_50 = arith.select %lt3A_46, %add3A_49, %get3A_31 : vector<16xi1>, vector<16xi32>
      %broadcast_in_dim3A_51 = vector.shape_cast %select_n3A_50 : vector<16xi32> to vector<16x1xi32>
      %gather3A_52 = vector.shape_cast %broadcast_in_dim3A_51 : vector<16x1xi32> to vector<16xi32>
      %gather3A_53 = tpu.dynamic_gather %scan3A_28[%gather3A_52] in [0] : vector<16xi32>, vector<16xi32> -> vector<16xi32>
      %eq3A_54 = arith.constant 0 : i32
      %eq3A_55 = vector.broadcast %eq3A_54 : i32 to vector<16xi32>
      %eq3A_56 = arith.cmpi eq, %get3A_31, %eq3A_55 : vector<16xi32>
      %convert_element_type3A_57 = arith.extui %eq3A_56 : vector<16xi1> to vector<16xi32>
      %broadcast_in_dim3A_58 = arith.constant true
      %broadcast_in_dim3A_59 = vector.broadcast %broadcast_in_dim3A_58 : i1 to vector<16xi1>
      %masked_cumsum3A_60 = tpu.scan <sum>, %convert_element_type3A_57 masked %broadcast_in_dim3A_59 : vector<16xi32>, vector<16xi1> -> vector<16xi32>
      %sub3A_61 = arith.constant 1 : i32
      %sub3A_62 = vector.broadcast %sub3A_61 : i32 to vector<16xi32>
      %sub3A_63 = arith.subi %masked_cumsum3A_60, %sub3A_62 : vector<16xi32>
      %select_n3A_64 = arith.select %eq3A_56, %sub3A_63, %broadcast_in_dim3A_1 : vector<16xi1>, vector<16xi32>
      %all_reduce_population_count3A = tpu.all_reduce %eq3A_56 {dim = 0 : i64, kind = #tpu.reduction_kind<sum>} : vector<16xi1> -> vector<16xi32>
      %eq3A_65 = arith.constant 0 : i32
      %eq3A_66 = vector.broadcast %eq3A_65 : i32 to vector<16xi32>
      %eq3A_67 = arith.cmpi eq, %iota3A, %eq3A_66 : vector<16xi32>
      %select_n3A_68 = arith.select %eq3A_67, %all_reduce_population_count3A, %broadcast_in_dim3A_1 : vector<16xi1>, vector<16xi32>
      %add3A_69 = arith.addi %scan3A_28, %select_n3A_68 : vector<16xi32>
      %eq3A_70 = arith.constant 1 : i32
      %eq3A_71 = vector.broadcast %eq3A_70 : i32 to vector<16xi32>
      %eq3A_72 = arith.cmpi eq, %get3A_31, %eq3A_71 : vector<16xi32>
      %convert_element_type3A_73 = arith.extui %eq3A_72 : vector<16xi1> to vector<16xi32>
      %broadcast_in_dim3A_74 = arith.constant true
      %broadcast_in_dim3A_75 = vector.broadcast %broadcast_in_dim3A_74 : i1 to vector<16xi1>
      %masked_cumsum3A_76 = tpu.scan <sum>, %convert_element_type3A_73 masked %broadcast_in_dim3A_75 : vector<16xi32>, vector<16xi1> -> vector<16xi32>
      %sub3A_77 = arith.constant 1 : i32
      %sub3A_78 = vector.broadcast %sub3A_77 : i32 to vector<16xi32>
      %sub3A_79 = arith.subi %masked_cumsum3A_76, %sub3A_78 : vector<16xi32>
      %select_n3A_80 = arith.select %eq3A_72, %sub3A_79, %select_n3A_64 : vector<16xi1>, vector<16xi32>
      %all_reduce_population_count3A_81 = tpu.all_reduce %eq3A_72 {dim = 0 : i64, kind = #tpu.reduction_kind<sum>} : vector<16xi1> -> vector<16xi32>
      %eq3A_82 = arith.constant 1 : i32
      %eq3A_83 = vector.broadcast %eq3A_82 : i32 to vector<16xi32>
      %eq3A_84 = arith.cmpi eq, %iota3A, %eq3A_83 : vector<16xi32>
      %select_n3A_85 = arith.select %eq3A_84, %all_reduce_population_count3A_81, %broadcast_in_dim3A_1 : vector<16xi1>, vector<16xi32>
      %add3A_86 = arith.addi %add3A_69, %select_n3A_85 : vector<16xi32>
      %eq3A_87 = arith.constant 2 : i32
      %eq3A_88 = vector.broadcast %eq3A_87 : i32 to vector<16xi32>
      %eq3A_89 = arith.cmpi eq, %get3A_31, %eq3A_88 : vector<16xi32>
      %convert_element_type3A_90 = arith.extui %eq3A_89 : vector<16xi1> to vector<16xi32>
      %broadcast_in_dim3A_91 = arith.constant true
      %broadcast_in_dim3A_92 = vector.broadcast %broadcast_in_dim3A_91 : i1 to vector<16xi1>
      %masked_cumsum3A_93 = tpu.scan <sum>, %convert_element_type3A_90 masked %broadcast_in_dim3A_92 : vector<16xi32>, vector<16xi1> -> vector<16xi32>
      %sub3A_94 = arith.constant 1 : i32
      %sub3A_95 = vector.broadcast %sub3A_94 : i32 to vector<16xi32>
      %sub3A_96 = arith.subi %masked_cumsum3A_93, %sub3A_95 : vector<16xi32>
      %select_n3A_97 = arith.select %eq3A_89, %sub3A_96, %select_n3A_80 : vector<16xi1>, vector<16xi32>
      %all_reduce_population_count3A_98 = tpu.all_reduce %eq3A_89 {dim = 0 : i64, kind = #tpu.reduction_kind<sum>} : vector<16xi1> -> vector<16xi32>
      %eq3A_99 = arith.constant 2 : i32
      %eq3A_100 = vector.broadcast %eq3A_99 : i32 to vector<16xi32>
      %eq3A_101 = arith.cmpi eq, %iota3A, %eq3A_100 : vector<16xi32>
      %select_n3A_102 = arith.select %eq3A_101, %all_reduce_population_count3A_98, %broadcast_in_dim3A_1 : vector<16xi1>, vector<16xi32>
      %add3A_103 = arith.addi %add3A_86, %select_n3A_102 : vector<16xi32>
      %eq3A_104 = arith.constant 3 : i32
      %eq3A_105 = vector.broadcast %eq3A_104 : i32 to vector<16xi32>
      %eq3A_106 = arith.cmpi eq, %get3A_31, %eq3A_105 : vector<16xi32>
      %convert_element_type3A_107 = arith.extui %eq3A_106 : vector<16xi1> to vector<16xi32>
      %broadcast_in_dim3A_108 = arith.constant true
      %broadcast_in_dim3A_109 = vector.broadcast %broadcast_in_dim3A_108 : i1 to vector<16xi1>
      %masked_cumsum3A_110 = tpu.scan <sum>, %convert_element_type3A_107 masked %broadcast_in_dim3A_109 : vector<16xi32>, vector<16xi1> -> vector<16xi32>
      %sub3A_111 = arith.constant 1 : i32
      %sub3A_112 = vector.broadcast %sub3A_111 : i32 to vector<16xi32>
      %sub3A_113 = arith.subi %masked_cumsum3A_110, %sub3A_112 : vector<16xi32>
      %select_n3A_114 = arith.select %eq3A_106, %sub3A_113, %select_n3A_97 : vector<16xi1>, vector<16xi32>
      %all_reduce_population_count3A_115 = tpu.all_reduce %eq3A_106 {dim = 0 : i64, kind = #tpu.reduction_kind<sum>} : vector<16xi1> -> vector<16xi32>
      %eq3A_116 = arith.constant 3 : i32
      %eq3A_117 = vector.broadcast %eq3A_116 : i32 to vector<16xi32>
      %eq3A_118 = arith.cmpi eq, %iota3A, %eq3A_117 : vector<16xi32>
      %select_n3A_119 = arith.select %eq3A_118, %all_reduce_population_count3A_115, %broadcast_in_dim3A_1 : vector<16xi1>, vector<16xi32>
      %add3A_120 = arith.addi %add3A_103, %select_n3A_119 : vector<16xi32>
      %eq3A_121 = arith.constant 4 : i32
      %eq3A_122 = vector.broadcast %eq3A_121 : i32 to vector<16xi32>
      %eq3A_123 = arith.cmpi eq, %get3A_31, %eq3A_122 : vector<16xi32>
      %convert_element_type3A_124 = arith.extui %eq3A_123 : vector<16xi1> to vector<16xi32>
      %broadcast_in_dim3A_125 = arith.constant true
      %broadcast_in_dim3A_126 = vector.broadcast %broadcast_in_dim3A_125 : i1 to vector<16xi1>
      %masked_cumsum3A_127 = tpu.scan <sum>, %convert_element_type3A_124 masked %broadcast_in_dim3A_126 : vector<16xi32>, vector<16xi1> -> vector<16xi32>
      %sub3A_128 = arith.constant 1 : i32
      %sub3A_129 = vector.broadcast %sub3A_128 : i32 to vector<16xi32>
      %sub3A_130 = arith.subi %masked_cumsum3A_127, %sub3A_129 : vector<16xi32>
      %select_n3A_131 = arith.select %eq3A_123, %sub3A_130, %select_n3A_114 : vector<16xi1>, vector<16xi32>
      %all_reduce_population_count3A_132 = tpu.all_reduce %eq3A_123 {dim = 0 : i64, kind = #tpu.reduction_kind<sum>} : vector<16xi1> -> vector<16xi32>
      %eq3A_133 = arith.constant 4 : i32
      %eq3A_134 = vector.broadcast %eq3A_133 : i32 to vector<16xi32>
      %eq3A_135 = arith.cmpi eq, %iota3A, %eq3A_134 : vector<16xi32>
      %select_n3A_136 = arith.select %eq3A_135, %all_reduce_population_count3A_132, %broadcast_in_dim3A_1 : vector<16xi1>, vector<16xi32>
      %add3A_137 = arith.addi %add3A_120, %select_n3A_136 : vector<16xi32>
      %eq3A_138 = arith.constant 5 : i32
      %eq3A_139 = vector.broadcast %eq3A_138 : i32 to vector<16xi32>
      %eq3A_140 = arith.cmpi eq, %get3A_31, %eq3A_139 : vector<16xi32>
      %convert_element_type3A_141 = arith.extui %eq3A_140 : vector<16xi1> to vector<16xi32>
      %broadcast_in_dim3A_142 = arith.constant true
      %broadcast_in_dim3A_143 = vector.broadcast %broadcast_in_dim3A_142 : i1 to vector<16xi1>
      %masked_cumsum3A_144 = tpu.scan <sum>, %convert_element_type3A_141 masked %broadcast_in_dim3A_143 : vector<16xi32>, vector<16xi1> -> vector<16xi32>
      %sub3A_145 = arith.constant 1 : i32
      %sub3A_146 = vector.broadcast %sub3A_145 : i32 to vector<16xi32>
      %sub3A_147 = arith.subi %masked_cumsum3A_144, %sub3A_146 : vector<16xi32>
      %select_n3A_148 = arith.select %eq3A_140, %sub3A_147, %select_n3A_131 : vector<16xi1>, vector<16xi32>
      %all_reduce_population_count3A_149 = tpu.all_reduce %eq3A_140 {dim = 0 : i64, kind = #tpu.reduction_kind<sum>} : vector<16xi1> -> vector<16xi32>
      %eq3A_150 = arith.constant 5 : i32
      %eq3A_151 = vector.broadcast %eq3A_150 : i32 to vector<16xi32>
      %eq3A_152 = arith.cmpi eq, %iota3A, %eq3A_151 : vector<16xi32>
      %select_n3A_153 = arith.select %eq3A_152, %all_reduce_population_count3A_149, %broadcast_in_dim3A_1 : vector<16xi1>, vector<16xi32>
      %add3A_154 = arith.addi %add3A_137, %select_n3A_153 : vector<16xi32>
      %eq3A_155 = arith.constant 6 : i32
      %eq3A_156 = vector.broadcast %eq3A_155 : i32 to vector<16xi32>
      %eq3A_157 = arith.cmpi eq, %get3A_31, %eq3A_156 : vector<16xi32>
      %convert_element_type3A_158 = arith.extui %eq3A_157 : vector<16xi1> to vector<16xi32>
      %broadcast_in_dim3A_159 = arith.constant true
      %broadcast_in_dim3A_160 = vector.broadcast %broadcast_in_dim3A_159 : i1 to vector<16xi1>
      %masked_cumsum3A_161 = tpu.scan <sum>, %convert_element_type3A_158 masked %broadcast_in_dim3A_160 : vector<16xi32>, vector<16xi1> -> vector<16xi32>
      %sub3A_162 = arith.constant 1 : i32
      %sub3A_163 = vector.broadcast %sub3A_162 : i32 to vector<16xi32>
      %sub3A_164 = arith.subi %masked_cumsum3A_161, %sub3A_163 : vector<16xi32>
      %select_n3A_165 = arith.select %eq3A_157, %sub3A_164, %select_n3A_148 : vector<16xi1>, vector<16xi32>
      %all_reduce_population_count3A_166 = tpu.all_reduce %eq3A_157 {dim = 0 : i64, kind = #tpu.reduction_kind<sum>} : vector<16xi1> -> vector<16xi32>
      %eq3A_167 = arith.constant 6 : i32
      %eq3A_168 = vector.broadcast %eq3A_167 : i32 to vector<16xi32>
      %eq3A_169 = arith.cmpi eq, %iota3A, %eq3A_168 : vector<16xi32>
      %select_n3A_170 = arith.select %eq3A_169, %all_reduce_population_count3A_166, %broadcast_in_dim3A_1 : vector<16xi1>, vector<16xi32>
      %add3A_171 = arith.addi %add3A_154, %select_n3A_170 : vector<16xi32>
      %eq3A_172 = arith.constant 7 : i32
      %eq3A_173 = vector.broadcast %eq3A_172 : i32 to vector<16xi32>
      %eq3A_174 = arith.cmpi eq, %get3A_31, %eq3A_173 : vector<16xi32>
      %convert_element_type3A_175 = arith.extui %eq3A_174 : vector<16xi1> to vector<16xi32>
      %broadcast_in_dim3A_176 = arith.constant true
      %broadcast_in_dim3A_177 = vector.broadcast %broadcast_in_dim3A_176 : i1 to vector<16xi1>
      %masked_cumsum3A_178 = tpu.scan <sum>, %convert_element_type3A_175 masked %broadcast_in_dim3A_177 : vector<16xi32>, vector<16xi1> -> vector<16xi32>
      %sub3A_179 = arith.constant 1 : i32
      %sub3A_180 = vector.broadcast %sub3A_179 : i32 to vector<16xi32>
      %sub3A_181 = arith.subi %masked_cumsum3A_178, %sub3A_180 : vector<16xi32>
      %select_n3A_182 = arith.select %eq3A_174, %sub3A_181, %select_n3A_165 : vector<16xi1>, vector<16xi32>
      %all_reduce_population_count3A_183 = tpu.all_reduce %eq3A_174 {dim = 0 : i64, kind = #tpu.reduction_kind<sum>} : vector<16xi1> -> vector<16xi32>
      %eq3A_184 = arith.constant 7 : i32
      %eq3A_185 = vector.broadcast %eq3A_184 : i32 to vector<16xi32>
      %eq3A_186 = arith.cmpi eq, %iota3A, %eq3A_185 : vector<16xi32>
      %select_n3A_187 = arith.select %eq3A_186, %all_reduce_population_count3A_183, %broadcast_in_dim3A_1 : vector<16xi1>, vector<16xi32>
      %add3A_188 = arith.addi %add3A_171, %select_n3A_187 : vector<16xi32>
      %add3A_189 = arith.addi %gather3A_43, %gather3A_53 : vector<16xi32>
      %add3A_190 = arith.addi %add3A_189, %select_n3A_182 : vector<16xi32>
      %mul3A_191 = arith.constant 16 : i32
      %mul3A_192 = arith.muli %scan3A_27, %mul3A_191 : i32
      %swap3A_193 = arith.index_cast %mul3A_192 : i32 to index
      %swap3A_194 = tpu.vector_load %arg12[%swap3A_193] {strides = array<i32>} : memref<512xi32, #tpu.memory_space<vmem>>, vector<16xi32>,
      tpu.vector_store %arg12[%swap3A_193], %add3A_190 {strides = array<i32>} : memref<512xi32, #tpu.memory_space<vmem>>, vector<16xi32>,
      %shift_right_arithmetic3A = arith.constant 1 : i32
      %shift_right_arithmetic3A_195 = vector.broadcast %shift_right_arithmetic3A : i32 to vector<16xi32>
      %shift_right_arithmetic3A_196 = arith.shrsi %add3A_36, %shift_right_arithmetic3A_195 : vector<16xi32>
      %mul3A_197 = arith.constant 16 : i32
      %mul3A_198 = arith.muli %scan3A_27, %mul3A_197 : i32
      %swap3A_199 = arith.index_cast %mul3A_198 : i32 to index
      %swap3A_200 = tpu.vector_load %arg11[%swap3A_199] {strides = array<i32>} : memref<512xi32, #tpu.memory_space<vmem>>, vector<16xi32>,
      tpu.vector_store %arg11[%swap3A_199], %shift_right_arithmetic3A_196 {strides = array<i32>} : memref<512xi32, #tpu.memory_space<vmem>>, vector<16xi32>,
      %and3A = arith.constant 1 : i32
      %and3A_201 = vector.broadcast %and3A : i32 to vector<16xi32>
      %and3A_202 = arith.andi %add3A_36, %and3A_201 : vector<16xi32>
      %mul3A_203 = arith.constant 256 : i32
      %mul3A_204 = vector.broadcast %mul3A_203 : i32 to vector<16xi32>
      %mul3A_205 = arith.muli %and3A_202, %mul3A_204 : vector<16xi32>
      %sub3A_206 = vector.broadcast %mul3A_0 : i32 to vector<16xi32>
      %sub3A_207 = arith.subi %add3A_36, %sub3A_206 : vector<16xi32>
      %shift_right_arithmetic3A_208 = arith.constant 1 : i32
      %shift_right_arithmetic3A_209 = vector.broadcast %shift_right_arithmetic3A_208 : i32 to vector<16xi32>
      %shift_right_arithmetic3A_210 = arith.shrsi %sub3A_207, %shift_right_arithmetic3A_209 : vector<16xi32>
      %add3A_211 = arith.addi %mul3A_205, %shift_right_arithmetic3A_210 : vector<16xi32>
      tpu.vector_store_idx %arg13[%add3A_211], %add3A_190 : memref<512xi32, #tpu.memory_space<vmem>>[vector<16xi32>], vector<16xi32>,
      scf.yield %add3A_188 : vector<16xi32>
    }
    %scan3A_23 = arith.constant 32 : i32
    "tpu.region"() ({
      %run_scoped3A = tpu.sem_alloc : memref<!tpu.dma_semaphore, #tpu.memory_space<semaphore_mem>>
      %dma_start3A = arith.constant 0 : i32
      %dma_start3A_27 = tpu.memref_slice %arg17[%dma_start3A] : memref<8192xi32, #tpu.memory_space<vmem_shared>> -> memref<8192xi32, #tpu.memory_space<vmem_shared>>
      tpu.enqueue_indirect_dma source(%arg11 : memref<512xi32, #tpu.memory_space<vmem>>) target(%dma_start3A_27 : memref<8192xi32, #tpu.memory_space<vmem_shared>>) offsets(%arg12 : memref<512xi32, #tpu.memory_space<vmem>>) semaphore(%run_scoped3A : memref<!tpu.dma_semaphore, #tpu.memory_space<semaphore_mem>>)
      %dma_wait3A = arith.constant 0 : i32
      %dma_wait3A_28 = tpu.memref_slice %arg17[%dma_wait3A] : memref<8192xi32, #tpu.memory_space<vmem_shared>> -> memref<8192xi32, #tpu.memory_space<vmem_shared>>
      tpu.wait_indirect_dma semaphore(%run_scoped3A : memref<!tpu.dma_semaphore, #tpu.memory_space<semaphore_mem>>) src(%arg11 : memref<512xi32, #tpu.memory_space<vmem>>) dst(%dma_wait3A_28 : memref<8192xi32, #tpu.memory_space<vmem_shared>>)
      tpu.yield
    }) : () -> ()
    "tpu.region"() ({
      %run_scoped3A = tpu.sem_alloc : memref<!tpu.dma_semaphore, #tpu.memory_space<semaphore_mem>>
      %dma_start3A = arith.constant 0 : i32
      %dma_start3A_27 = tpu.memref_slice %arg18[%dma_start3A] : memref<8192xf32, #tpu.memory_space<vmem_shared>> -> memref<8192xf32, #tpu.memory_space<vmem_shared>>
      tpu.enqueue_indirect_dma source(%arg10 : memref<512xf32, #tpu.memory_space<vmem>>) target(%dma_start3A_27 : memref<8192xf32, #tpu.memory_space<vmem_shared>>) offsets(%arg12 : memref<512xi32, #tpu.memory_space<vmem>>) semaphore(%run_scoped3A : memref<!tpu.dma_semaphore, #tpu.memory_space<semaphore_mem>>)
      %dma_wait3A = arith.constant 0 : i32
      %dma_wait3A_28 = tpu.memref_slice %arg18[%dma_wait3A] : memref<8192xf32, #tpu.memory_space<vmem_shared>> -> memref<8192xf32, #tpu.memory_space<vmem_shared>>
      tpu.wait_indirect_dma semaphore(%run_scoped3A : memref<!tpu.dma_semaphore, #tpu.memory_space<semaphore_mem>>) src(%arg10 : memref<512xf32, #tpu.memory_space<vmem>>) dst(%dma_wait3A_28 : memref<8192xf32, #tpu.memory_space<vmem_shared>>)
      tpu.yield
    }) : () -> ()
    %barrier3A_24 = arith.constant 0 : index
    tpu.barrier barrier_id(%barrier3A_24)
    "tpu.region"() ({
      %run_scoped3A = tpu.sem_alloc : memref<!tpu.dma_semaphore, #tpu.memory_space<semaphore_mem>>
      %dma_start3A = tpu.memref_slice %arg17[%mul3A_0] : memref<8192xi32, #tpu.memory_space<vmem_shared>> -> memref<512xi32, #tpu.memory_space<vmem_shared>>
      %dma_start3A_27 = tpu.memref_slice %arg17[%mul3A_0] : memref<8192xi32, #tpu.memory_space<vmem_shared>> -> memref<512xi32, #tpu.memory_space<vmem_shared>>
      tpu.enqueue_dma source(%dma_start3A_27 : memref<512xi32, #tpu.memory_space<vmem_shared>>) target(%arg11 : memref<512xi32, #tpu.memory_space<vmem>>) target_semaphore(%run_scoped3A : memref<!tpu.dma_semaphore, #tpu.memory_space<semaphore_mem>>)
      %dma_wait3A = tpu.memref_slice %arg17[%mul3A_0] : memref<8192xi32, #tpu.memory_space<vmem_shared>> -> memref<512xi32, #tpu.memory_space<vmem_shared>>
      %dma_wait3A_28 = tpu.memref_slice %arg17[%mul3A_0] : memref<8192xi32, #tpu.memory_space<vmem_shared>> -> memref<512xi32, #tpu.memory_space<vmem_shared>>
      tpu.wait_dma2 semaphore(%run_scoped3A : memref<!tpu.dma_semaphore, #tpu.memory_space<semaphore_mem>>) src(%dma_wait3A_28 : memref<512xi32, #tpu.memory_space<vmem_shared>>) dst(%arg11 : memref<512xi32, #tpu.memory_space<vmem>>)
      tpu.yield
    }) : () -> ()
    "tpu.region"() ({
      %run_scoped3A = tpu.sem_alloc : memref<!tpu.dma_semaphore, #tpu.memory_space<semaphore_mem>>
      %dma_start3A = tpu.memref_slice %arg4[%mul3A_0] : memref<8192xi32, #tpu.memory_space<hbm>> -> memref<512xi32, #tpu.memory_space<hbm>>
      %dma_start3A_27 = tpu.memref_slice %arg4[%mul3A_0] : memref<8192xi32, #tpu.memory_space<hbm>> -> memref<512xi32, #tpu.memory_space<hbm>>
      tpu.enqueue_dma source(%arg11 : memref<512xi32, #tpu.memory_space<vmem>>) target(%dma_start3A_27 : memref<512xi32, #tpu.memory_space<hbm>>) target_semaphore(%run_scoped3A : memref<!tpu.dma_semaphore, #tpu.memory_space<semaphore_mem>>)
      %dma_wait3A = tpu.memref_slice %arg4[%mul3A_0] : memref<8192xi32, #tpu.memory_space<hbm>> -> memref<512xi32, #tpu.memory_space<hbm>>
      %dma_wait3A_28 = tpu.memref_slice %arg4[%mul3A_0] : memref<8192xi32, #tpu.memory_space<hbm>> -> memref<512xi32, #tpu.memory_space<hbm>>
      tpu.wait_dma2 semaphore(%run_scoped3A : memref<!tpu.dma_semaphore, #tpu.memory_space<semaphore_mem>>) src(%arg11 : memref<512xi32, #tpu.memory_space<vmem>>) dst(%dma_wait3A_28 : memref<512xi32, #tpu.memory_space<hbm>>)
      tpu.yield
    }) : () -> ()
    "tpu.region"() ({
      %run_scoped3A = tpu.sem_alloc : memref<!tpu.dma_semaphore, #tpu.memory_space<semaphore_mem>>
      %dma_start3A = tpu.memref_slice %arg18[%mul3A_0] : memref<8192xf32, #tpu.memory_space<vmem_shared>> -> memref<512xf32, #tpu.memory_space<vmem_shared>>
      %dma_start3A_27 = tpu.memref_slice %arg18[%mul3A_0] : memref<8192xf32, #tpu.memory_space<vmem_shared>> -> memref<512xf32, #tpu.memory_space<vmem_shared>>
      tpu.enqueue_dma source(%dma_start3A_27 : memref<512xf32, #tpu.memory_space<vmem_shared>>) target(%arg10 : memref<512xf32, #tpu.memory_space<vmem>>) target_semaphore(%run_scoped3A : memref<!tpu.dma_semaphore, #tpu.memory_space<semaphore_mem>>)
      %dma_wait3A = tpu.memref_slice %arg18[%mul3A_0] : memref<8192xf32, #tpu.memory_space<vmem_shared>> -> memref<512xf32, #tpu.memory_space<vmem_shared>>
      %dma_wait3A_28 = tpu.memref_slice %arg18[%mul3A_0] : memref<8192xf32, #tpu.memory_space<vmem_shared>> -> memref<512xf32, #tpu.memory_space<vmem_shared>>
      tpu.wait_dma2 semaphore(%run_scoped3A : memref<!tpu.dma_semaphore, #tpu.memory_space<semaphore_mem>>) src(%dma_wait3A_28 : memref<512xf32, #tpu.memory_space<vmem_shared>>) dst(%arg10 : memref<512xf32, #tpu.memory_space<vmem>>)
      tpu.yield
    }) : () -> ()
    "tpu.region"() ({
      %run_scoped3A = tpu.sem_alloc : memref<!tpu.dma_semaphore, #tpu.memory_space<semaphore_mem>>
      %dma_start3A = tpu.memref_slice %arg5[%mul3A_0] : memref<8192xf32, #tpu.memory_space<hbm>> -> memref<512xf32, #tpu.memory_space<hbm>>
      %dma_start3A_27 = tpu.memref_slice %arg5[%mul3A_0] : memref<8192xf32, #tpu.memory_space<hbm>> -> memref<512xf32, #tpu.memory_space<hbm>>
      tpu.enqueue_dma source(%arg10 : memref<512xf32, #tpu.memory_space<vmem>>) target(%dma_start3A_27 : memref<512xf32, #tpu.memory_space<hbm>>) target_semaphore(%run_scoped3A : memref<!tpu.dma_semaphore, #tpu.memory_space<semaphore_mem>>)
      %dma_wait3A = tpu.memref_slice %arg5[%mul3A_0] : memref<8192xf32, #tpu.memory_space<hbm>> -> memref<512xf32, #tpu.memory_space<hbm>>
      %dma_wait3A_28 = tpu.memref_slice %arg5[%mul3A_0] : memref<8192xf32, #tpu.memory_space<hbm>> -> memref<512xf32, #tpu.memory_space<hbm>>
      tpu.wait_dma2 semaphore(%run_scoped3A : memref<!tpu.dma_semaphore, #tpu.memory_space<semaphore_mem>>) src(%arg10 : memref<512xf32, #tpu.memory_space<vmem>>) dst(%dma_wait3A_28 : memref<512xf32, #tpu.memory_space<hbm>>)
      tpu.yield
    }) : () -> ()
    %mul3A_25 = arith.constant 256 : i32
    %mul3A_26 = arith.muli %arg1, %mul3A_25 : i32
    "tpu.region"() ({
      %run_scoped3A = tpu.sem_alloc : memref<!tpu.dma_semaphore, #tpu.memory_space<semaphore_mem>>
      %dma_start3A = arith.constant 0 : i32
      %dma_start3A_27 = tpu.memref_slice %arg13[%dma_start3A] : memref<512xi32, #tpu.memory_space<vmem>> -> memref<256xi32, #tpu.memory_space<vmem>>
      %dma_start3A_28 = tpu.memref_slice %arg6[%mul3A_26] : memref<4096xi32, #tpu.memory_space<hbm>> -> memref<256xi32, #tpu.memory_space<hbm>>
      %dma_start3A_29 = tpu.memref_slice %arg6[%mul3A_26] : memref<4096xi32, #tpu.memory_space<hbm>> -> memref<256xi32, #tpu.memory_space<hbm>>
      %dma_start3A_30 = arith.constant 0 : i32
      %dma_start3A_31 = tpu.memref_slice %arg13[%dma_start3A_30] : memref<512xi32, #tpu.memory_space<vmem>> -> memref<256xi32, #tpu.memory_space<vmem>>
      tpu.enqueue_dma source(%dma_start3A_31 : memref<256xi32, #tpu.memory_space<vmem>>) target(%dma_start3A_29 : memref<256xi32, #tpu.memory_space<hbm>>) target_semaphore(%run_scoped3A : memref<!tpu.dma_semaphore, #tpu.memory_space<semaphore_mem>>)
      %dma_wait3A = arith.constant 0 : i32
      %dma_wait3A_32 = tpu.memref_slice %arg13[%dma_wait3A] : memref<512xi32, #tpu.memory_space<vmem>> -> memref<256xi32, #tpu.memory_space<vmem>>
      %dma_wait3A_33 = tpu.memref_slice %arg6[%mul3A_26] : memref<4096xi32, #tpu.memory_space<hbm>> -> memref<256xi32, #tpu.memory_space<hbm>>
      %dma_wait3A_34 = tpu.memref_slice %arg6[%mul3A_26] : memref<4096xi32, #tpu.memory_space<hbm>> -> memref<256xi32, #tpu.memory_space<hbm>>
      %dma_wait3A_35 = arith.constant 0 : i32
      %dma_wait3A_36 = tpu.memref_slice %arg13[%dma_wait3A_35] : memref<512xi32, #tpu.memory_space<vmem>> -> memref<256xi32, #tpu.memory_space<vmem>>
      tpu.wait_dma2 semaphore(%run_scoped3A : memref<!tpu.dma_semaphore, #tpu.memory_space<semaphore_mem>>) src(%dma_wait3A_36 : memref<256xi32, #tpu.memory_space<vmem>>) dst(%dma_wait3A_34 : memref<256xi32, #tpu.memory_space<hbm>>)
      tpu.yield
    }) : () -> ()
    "tpu.region"() ({
      %run_scoped3A = tpu.sem_alloc : memref<!tpu.dma_semaphore, #tpu.memory_space<semaphore_mem>>
      %dma_start3A = arith.constant 256 : i32
      %dma_start3A_27 = tpu.memref_slice %arg13[%dma_start3A] : memref<512xi32, #tpu.memory_space<vmem>> -> memref<256xi32, #tpu.memory_space<vmem>>
      %dma_start3A_28 = tpu.memref_slice %arg7[%mul3A_26] : memref<4096xi32, #tpu.memory_space<hbm>> -> memref<256xi32, #tpu.memory_space<hbm>>
      %dma_start3A_29 = tpu.memref_slice %arg7[%mul3A_26] : memref<4096xi32, #tpu.memory_space<hbm>> -> memref<256xi32, #tpu.memory_space<hbm>>
      %dma_start3A_30 = arith.constant 256 : i32
      %dma_start3A_31 = tpu.memref_slice %arg13[%dma_start3A_30] : memref<512xi32, #tpu.memory_space<vmem>> -> memref<256xi32, #tpu.memory_space<vmem>>
      tpu.enqueue_dma source(%dma_start3A_31 : memref<256xi32, #tpu.memory_space<vmem>>) target(%dma_start3A_29 : memref<256xi32, #tpu.memory_space<hbm>>) target_semaphore(%run_scoped3A : memref<!tpu.dma_semaphore, #tpu.memory_space<semaphore_mem>>)
      %dma_wait3A = arith.constant 256 : i32
      %dma_wait3A_32 = tpu.memref_slice %arg13[%dma_wait3A] : memref<512xi32, #tpu.memory_space<vmem>> -> memref<256xi32, #tpu.memory_space<vmem>>
      %dma_wait3A_33 = tpu.memref_slice %arg7[%mul3A_26] : memref<4096xi32, #tpu.memory_space<hbm>> -> memref<256xi32, #tpu.memory_space<hbm>>
      %dma_wait3A_34 = tpu.memref_slice %arg7[%mul3A_26] : memref<4096xi32, #tpu.memory_space<hbm>> -> memref<256xi32, #tpu.memory_space<hbm>>
      %dma_wait3A_35 = arith.constant 256 : i32
      %dma_wait3A_36 = tpu.memref_slice %arg13[%dma_wait3A_35] : memref<512xi32, #tpu.memory_space<vmem>> -> memref<256xi32, #tpu.memory_space<vmem>>
      tpu.wait_dma2 semaphore(%run_scoped3A : memref<!tpu.dma_semaphore, #tpu.memory_space<semaphore_mem>>) src(%dma_wait3A_36 : memref<256xi32, #tpu.memory_space<vmem>>) dst(%dma_wait3A_34 : memref<256xi32, #tpu.memory_space<hbm>>)
      tpu.yield
    }) : () -> ()
    return
  }
}

#map = affine_map<(d0, d1) -> (0)>
#map1 = affine_map<(d0, d1) -> (0, 0)>
module attributes {stable_mosaic.version = 14 : i64} {
  func.func @_xgather_body(%arg0: i32, %arg1: i32, %arg2: memref<8192xi32, #tpu.memory_space<hbm>>, %arg3: memref<4096x512xi32, #tpu.memory_space<hbm>>, %arg4: memref<8192x512xi32, #tpu.memory_space<hbm>>, %arg5: memref<128xi32, #tpu.memory_space<vmem>>, %arg6: memref<128x512xi32, #tpu.memory_space<vmem>>, %arg7: memref<!tpu.dma_semaphore, #tpu.memory_space<semaphore_mem>>) attributes {dimension_semantics = [#tpu.dimension_semantics<core_parallel>, #tpu.dimension_semantics<subcore_parallel>], iteration_bounds = array<i64: 2, 16>, scalar_prefetch = 0 : i64, scratch_operands = 3 : i64, tpu.core_type = #tpu.core_type<sc_vector_subcore>, window_params = [{transform_indices = #map}, {transform_indices = #map1}, {transform_indices = #map1}]} {
    %mul3A = arith.constant 2 : i32
    %mul3A_0 = arith.muli %arg1, %mul3A : i32
    %add3A = arith.addi %mul3A_0, %arg0 : i32
    %mul3A_1 = arith.constant 256 : i32
    %mul3A_2 = arith.muli %add3A, %mul3A_1 : i32
    %add3A_3 = arith.constant 0 : i32
    %add3A_4 = arith.addi %mul3A_2, %add3A_3 : i32
    "tpu.region"() ({
      %run_scoped3A = tpu.sem_alloc : memref<!tpu.dma_semaphore, #tpu.memory_space<semaphore_mem>>
      %dma_start3A_19 = tpu.memref_slice %arg2[%add3A_4] : memref<8192xi32, #tpu.memory_space<hbm>> -> memref<128xi32, #tpu.memory_space<hbm>>
      %dma_start3A_20 = tpu.memref_slice %arg2[%add3A_4] : memref<8192xi32, #tpu.memory_space<hbm>> -> memref<128xi32, #tpu.memory_space<hbm>>
      tpu.enqueue_dma source(%dma_start3A_20 : memref<128xi32, #tpu.memory_space<hbm>>) target(%arg5 : memref<128xi32, #tpu.memory_space<vmem>>) target_semaphore(%run_scoped3A : memref<!tpu.dma_semaphore, #tpu.memory_space<semaphore_mem>>)
      %dma_wait3A_21 = tpu.memref_slice %arg2[%add3A_4] : memref<8192xi32, #tpu.memory_space<hbm>> -> memref<128xi32, #tpu.memory_space<hbm>>
      %dma_wait3A_22 = tpu.memref_slice %arg2[%add3A_4] : memref<8192xi32, #tpu.memory_space<hbm>> -> memref<128xi32, #tpu.memory_space<hbm>>
      tpu.wait_dma2 semaphore(%run_scoped3A : memref<!tpu.dma_semaphore, #tpu.memory_space<semaphore_mem>>) src(%dma_wait3A_22 : memref<128xi32, #tpu.memory_space<hbm>>) dst(%arg5 : memref<128xi32, #tpu.memory_space<vmem>>)
      tpu.yield
    }) : () -> ()
    %dma_start3A = arith.constant 0 : i32
    %dma_start3A_5 = arith.constant 0 : i32
    %dma_start3A_6 = tpu.memref_slice %arg3[%dma_start3A, %dma_start3A_5] : memref<4096x512xi32, #tpu.memory_space<hbm>> -> memref<4096x512xi32, #tpu.memory_space<hbm>>
    tpu.enqueue_indirect_dma source(%dma_start3A_6 : memref<4096x512xi32, #tpu.memory_space<hbm>>) target(%arg6 : memref<128x512xi32, #tpu.memory_space<vmem>>) offsets(%arg5 : memref<128xi32, #tpu.memory_space<vmem>>) semaphore(%arg7 : memref<!tpu.dma_semaphore, #tpu.memory_space<semaphore_mem>>)
    %dma_wait3A = arith.constant 0 : i32
    %dma_wait3A_7 = arith.constant 0 : i32
    %dma_wait3A_8 = tpu.memref_slice %arg3[%dma_wait3A, %dma_wait3A_7] : memref<4096x512xi32, #tpu.memory_space<hbm>> -> memref<4096x512xi32, #tpu.memory_space<hbm>>
    tpu.wait_indirect_dma semaphore(%arg7 : memref<!tpu.dma_semaphore, #tpu.memory_space<semaphore_mem>>) src(%dma_wait3A_8 : memref<4096x512xi32, #tpu.memory_space<hbm>>) dst(%arg6 : memref<128x512xi32, #tpu.memory_space<vmem>>)
    "tpu.region"() ({
      %run_scoped3A = tpu.sem_alloc : memref<!tpu.dma_semaphore, #tpu.memory_space<semaphore_mem>>
      %dma_start3A_19 = arith.constant 0 : i32
      %dma_start3A_20 = tpu.memref_slice %arg4[%add3A_4, %dma_start3A_19] : memref<8192x512xi32, #tpu.memory_space<hbm>> -> memref<128x512xi32, #tpu.memory_space<hbm>>
      %dma_start3A_21 = arith.constant 0 : i32
      %dma_start3A_22 = tpu.memref_slice %arg4[%add3A_4, %dma_start3A_21] : memref<8192x512xi32, #tpu.memory_space<hbm>> -> memref<128x512xi32, #tpu.memory_space<hbm>>
      tpu.enqueue_dma source(%arg6 : memref<128x512xi32, #tpu.memory_space<vmem>>) target(%dma_start3A_22 : memref<128x512xi32, #tpu.memory_space<hbm>>) target_semaphore(%run_scoped3A : memref<!tpu.dma_semaphore, #tpu.memory_space<semaphore_mem>>)
      %dma_wait3A_23 = arith.constant 0 : i32
      %dma_wait3A_24 = tpu.memref_slice %arg4[%add3A_4, %dma_wait3A_23] : memref<8192x512xi32, #tpu.memory_space<hbm>> -> memref<128x512xi32, #tpu.memory_space<hbm>>
      %dma_wait3A_25 = arith.constant 0 : i32
      %dma_wait3A_26 = tpu.memref_slice %arg4[%add3A_4, %dma_wait3A_25] : memref<8192x512xi32, #tpu.memory_space<hbm>> -> memref<128x512xi32, #tpu.memory_space<hbm>>
      tpu.wait_dma2 semaphore(%run_scoped3A : memref<!tpu.dma_semaphore, #tpu.memory_space<semaphore_mem>>) src(%arg6 : memref<128x512xi32, #tpu.memory_space<vmem>>) dst(%dma_wait3A_26 : memref<128x512xi32, #tpu.memory_space<hbm>>)
      tpu.yield
    }) : () -> ()
    %mul3A_9 = arith.constant 256 : i32
    %mul3A_10 = arith.muli %add3A, %mul3A_9 : i32
    %add3A_11 = arith.constant 128 : i32
    %add3A_12 = arith.addi %mul3A_10, %add3A_11 : i32
    "tpu.region"() ({
      %run_scoped3A = tpu.sem_alloc : memref<!tpu.dma_semaphore, #tpu.memory_space<semaphore_mem>>
      %dma_start3A_19 = tpu.memref_slice %arg2[%add3A_12] : memref<8192xi32, #tpu.memory_space<hbm>> -> memref<128xi32, #tpu.memory_space<hbm>>
      %dma_start3A_20 = tpu.memref_slice %arg2[%add3A_12] : memref<8192xi32, #tpu.memory_space<hbm>> -> memref<128xi32, #tpu.memory_space<hbm>>
      tpu.enqueue_dma source(%dma_start3A_20 : memref<128xi32, #tpu.memory_space<hbm>>) target(%arg5 : memref<128xi32, #tpu.memory_space<vmem>>) target_semaphore(%run_scoped3A : memref<!tpu.dma_semaphore, #tpu.memory_space<semaphore_mem>>)
      %dma_wait3A_21 = tpu.memref_slice %arg2[%add3A_12] : memref<8192xi32, #tpu.memory_space<hbm>> -> memref<128xi32, #tpu.memory_space<hbm>>
      %dma_wait3A_22 = tpu.memref_slice %arg2[%add3A_12] : memref<8192xi32, #tpu.memory_space<hbm>> -> memref<128xi32, #tpu.memory_space<hbm>>
      tpu.wait_dma2 semaphore(%run_scoped3A : memref<!tpu.dma_semaphore, #tpu.memory_space<semaphore_mem>>) src(%dma_wait3A_22 : memref<128xi32, #tpu.memory_space<hbm>>) dst(%arg5 : memref<128xi32, #tpu.memory_space<vmem>>)
      tpu.yield
    }) : () -> ()
    %dma_start3A_13 = arith.constant 0 : i32
    %dma_start3A_14 = arith.constant 0 : i32
    %dma_start3A_15 = tpu.memref_slice %arg3[%dma_start3A_13, %dma_start3A_14] : memref<4096x512xi32, #tpu.memory_space<hbm>> -> memref<4096x512xi32, #tpu.memory_space<hbm>>
    tpu.enqueue_indirect_dma source(%dma_start3A_15 : memref<4096x512xi32, #tpu.memory_space<hbm>>) target(%arg6 : memref<128x512xi32, #tpu.memory_space<vmem>>) offsets(%arg5 : memref<128xi32, #tpu.memory_space<vmem>>) semaphore(%arg7 : memref<!tpu.dma_semaphore, #tpu.memory_space<semaphore_mem>>)
    %dma_wait3A_16 = arith.constant 0 : i32
    %dma_wait3A_17 = arith.constant 0 : i32
    %dma_wait3A_18 = tpu.memref_slice %arg3[%dma_wait3A_16, %dma_wait3A_17] : memref<4096x512xi32, #tpu.memory_space<hbm>> -> memref<4096x512xi32, #tpu.memory_space<hbm>>
    tpu.wait_indirect_dma semaphore(%arg7 : memref<!tpu.dma_semaphore, #tpu.memory_space<semaphore_mem>>) src(%dma_wait3A_18 : memref<4096x512xi32, #tpu.memory_space<hbm>>) dst(%arg6 : memref<128x512xi32, #tpu.memory_space<vmem>>)
    "tpu.region"() ({
      %run_scoped3A = tpu.sem_alloc : memref<!tpu.dma_semaphore, #tpu.memory_space<semaphore_mem>>
      %dma_start3A_19 = arith.constant 0 : i32
      %dma_start3A_20 = tpu.memref_slice %arg4[%add3A_12, %dma_start3A_19] : memref<8192x512xi32, #tpu.memory_space<hbm>> -> memref<128x512xi32, #tpu.memory_space<hbm>>
      %dma_start3A_21 = arith.constant 0 : i32
      %dma_start3A_22 = tpu.memref_slice %arg4[%add3A_12, %dma_start3A_21] : memref<8192x512xi32, #tpu.memory_space<hbm>> -> memref<128x512xi32, #tpu.memory_space<hbm>>
      tpu.enqueue_dma source(%arg6 : memref<128x512xi32, #tpu.memory_space<vmem>>) target(%dma_start3A_22 : memref<128x512xi32, #tpu.memory_space<hbm>>) target_semaphore(%run_scoped3A : memref<!tpu.dma_semaphore, #tpu.memory_space<semaphore_mem>>)
      %dma_wait3A_23 = arith.constant 0 : i32
      %dma_wait3A_24 = tpu.memref_slice %arg4[%add3A_12, %dma_wait3A_23] : memref<8192x512xi32, #tpu.memory_space<hbm>> -> memref<128x512xi32, #tpu.memory_space<hbm>>
      %dma_wait3A_25 = arith.constant 0 : i32
      %dma_wait3A_26 = tpu.memref_slice %arg4[%add3A_12, %dma_wait3A_25] : memref<8192x512xi32, #tpu.memory_space<hbm>> -> memref<128x512xi32, #tpu.memory_space<hbm>>
      tpu.wait_dma2 semaphore(%run_scoped3A : memref<!tpu.dma_semaphore, #tpu.memory_space<semaphore_mem>>) src(%arg6 : memref<128x512xi32, #tpu.memory_space<vmem>>) dst(%dma_wait3A_26 : memref<128x512xi32, #tpu.memory_space<hbm>>)
      tpu.yield
    }) : () -> ()
    return
  }
}

module attributes {stable_mosaic.version = 14 : i64} {
  func.func @_router_body(%arg0: i32, %arg1: memref<256x1024xf32, #tpu.memory_space<vmem>>, %arg2: memref<256x128xf32, #tpu.memory_space<vmem>>, %arg3: memref<1024x128xf32, #tpu.memory_space<vmem>>, %arg4: memref<128x128xf32, #tpu.memory_space<vmem>>, %arg5: memref<1x128xf32, #tpu.memory_space<vmem>>, %arg6: memref<256x128xi32, #tpu.memory_space<vmem>>, %arg7: memref<256x128xf32, #tpu.memory_space<vmem>>) attributes {dimension_semantics = [#tpu.dimension_semantics<arbitrary>], iteration_bounds = array<i64: 16>, scalar_prefetch = 0 : i64, scratch_operands = 0 : i64, tpu.core_type = #tpu.core_type<tc>, window_params = [{transform_indices = @transform_0, window_bounds = array<i64: 256, 1024>}, {transform_indices = @transform_1, window_bounds = array<i64: 256, 128>}, {pipeline_mode = #tpu.pipeline_mode<synchronous>, transform_indices = @transform_2, window_bounds = array<i64: 1024, 128>}, {pipeline_mode = #tpu.pipeline_mode<synchronous>, transform_indices = @transform_3, window_bounds = array<i64: 128, 128>}, {pipeline_mode = #tpu.pipeline_mode<synchronous>, transform_indices = @transform_4, window_bounds = array<i64: 1, 128>}, {transform_indices = @transform_5, window_bounds = array<i64: 256, 128>}, {transform_indices = @transform_6, window_bounds = array<i64: 256, 128>}]} {
    %get3A = arith.constant 0 : index
    %get3A_0 = arith.constant 0 : index
    %get3A_1 = vector.load %arg1[%get3A, %get3A_0] : memref<256x1024xf32, #tpu.memory_space<vmem>>, vector<256x1024xf32>
    %get3A_2 = arith.constant 0 : index
    %get3A_3 = arith.constant 0 : index
    %get3A_4 = vector.load %arg3[%get3A_2, %get3A_3] : memref<1024x128xf32, #tpu.memory_space<vmem>>, vector<1024x128xf32>
    %dot_general3A = arith.constant dense<0.000000e+00> : vector<256x128xf32>
    %dot_general3A_5 = tpu.matmul %get3A_1, %get3A_4, %dot_general3A {dimension_numbers = #tpu.dot_dimension_numbers<[1], [0], [0], [1], [0, 0, 1, 1], [], []>, transpose_lhs_hint = false} : vector<256x1024xf32>, vector<1024x128xf32>, vector<256x128xf32> -> vector<256x128xf32>
    %get3A_6 = arith.constant 0 : index
    %get3A_7 = arith.constant 0 : index
    %get3A_8 = vector.load %arg2[%get3A_6, %get3A_7] : memref<256x128xf32, #tpu.memory_space<vmem>>, vector<256x128xf32>
    %get3A_9 = arith.constant 0 : index
    %get3A_10 = arith.constant 0 : index
    %get3A_11 = vector.load %arg4[%get3A_9, %get3A_10] : memref<128x128xf32, #tpu.memory_space<vmem>>, vector<128x128xf32>
    %dot_general3A_12 = arith.constant dense<0.000000e+00> : vector<256x128xf32>
    %dot_general3A_13 = tpu.matmul %get3A_8, %get3A_11, %dot_general3A_12 {dimension_numbers = #tpu.dot_dimension_numbers<[1], [0], [0], [1], [0, 0, 1, 1], [], []>, transpose_lhs_hint = false} : vector<256x128xf32>, vector<128x128xf32>, vector<256x128xf32> -> vector<256x128xf32>
    %add3A = arith.addf %dot_general3A_5, %dot_general3A_13 : vector<256x128xf32>
    %get3A_14 = arith.constant 0 : index
    %get3A_15 = arith.constant 0 : index
    %get3A_16 = vector.load %arg5[%get3A_14, %get3A_15] : memref<1x128xf32, #tpu.memory_space<vmem>>, vector<1x128xf32>
    %add3A_17 = vector.broadcast %get3A_16 : vector<1x128xf32> to vector<256x128xf32>
    %add3A_18 = arith.addf %add3A, %add3A_17 : vector<256x128xf32>
    %iota3A = tpu.iota {dimensions = array<i32: 1>} : vector<256x128xi32>
    %lt3A = arith.constant 8 : i32
    %lt3A_19 = vector.broadcast %lt3A : i32 to vector<256x128xi32>
    %lt3A_20 = arith.cmpi slt, %iota3A, %lt3A_19 : vector<256x128xi32>
    %jit3A = arith.constant -1.000000e+30 : f32
    %broadcast_in_dim3A = vector.broadcast %jit3A : f32 to vector<256x128xf32>
    %select_n3A = arith.select %lt3A_20, %add3A_18, %broadcast_in_dim3A : vector<256x128xi1>, vector<256x128xf32>
    %reduce_max3A = arith.constant dense<0xFF800000> : vector<256xf32>
    %reduce_max3A_21 = vector.multi_reduction <maximumf>, %select_n3A, %reduce_max3A [1] : vector<256x128xf32> to vector<256xf32>
    %broadcast_in_dim3A_22 = vector.shape_cast %reduce_max3A_21 : vector<256xf32> to vector<256x1xf32>
    %eq3A = vector.broadcast %broadcast_in_dim3A_22 : vector<256x1xf32> to vector<256x128xf32>
    %eq3A_23 = arith.cmpf oeq, %select_n3A, %eq3A : vector<256x128xf32>
    %jit3A_24 = arith.constant 128 : i32
    %broadcast_in_dim3A_25 = vector.broadcast %jit3A_24 : i32 to vector<256x128xi32>
    %select_n3A_26 = arith.select %eq3A_23, %iota3A, %broadcast_in_dim3A_25 : vector<256x128xi1>, vector<256x128xi32>
    %reduce_min3A = arith.constant dense<2147483647> : vector<256xi32>
    %reduce_min3A_27 = vector.multi_reduction <minsi>, %select_n3A_26, %reduce_min3A [1] : vector<256x128xi32> to vector<256xi32>
    %broadcast_in_dim3A_28 = vector.shape_cast %reduce_min3A_27 : vector<256xi32> to vector<256x1xi32>
    %eq3A_29 = vector.broadcast %broadcast_in_dim3A_28 : vector<256x1xi32> to vector<256x128xi32>
    %eq3A_30 = arith.cmpi eq, %iota3A, %eq3A_29 : vector<256x128xi32>
    %jit3A_31 = arith.constant -1.000000e+30 : f32
    %broadcast_in_dim3A_32 = vector.broadcast %jit3A_31 : f32 to vector<256x128xf32>
    %select_n3A_33 = arith.select %eq3A_30, %broadcast_in_dim3A_32, %select_n3A : vector<256x128xi1>, vector<256x128xf32>
    %reduce_max3A_34 = arith.constant dense<0xFF800000> : vector<256xf32>
    %reduce_max3A_35 = vector.multi_reduction <maximumf>, %select_n3A_33, %reduce_max3A_34 [1] : vector<256x128xf32> to vector<256xf32>
    %broadcast_in_dim3A_36 = vector.shape_cast %reduce_max3A_35 : vector<256xf32> to vector<256x1xf32>
    %eq3A_37 = vector.broadcast %broadcast_in_dim3A_36 : vector<256x1xf32> to vector<256x128xf32>
    %eq3A_38 = arith.cmpf oeq, %select_n3A_33, %eq3A_37 : vector<256x128xf32>
    %jit3A_39 = arith.constant 128 : i32
    %broadcast_in_dim3A_40 = vector.broadcast %jit3A_39 : i32 to vector<256x128xi32>
    %select_n3A_41 = arith.select %eq3A_38, %iota3A, %broadcast_in_dim3A_40 : vector<256x128xi1>, vector<256x128xi32>
    %reduce_min3A_42 = arith.constant dense<2147483647> : vector<256xi32>
    %reduce_min3A_43 = vector.multi_reduction <minsi>, %select_n3A_41, %reduce_min3A_42 [1] : vector<256x128xi32> to vector<256xi32>
    %broadcast_in_dim3A_44 = vector.shape_cast %reduce_min3A_43 : vector<256xi32> to vector<256x1xi32>
    %sub3A = arith.subf %broadcast_in_dim3A_36, %broadcast_in_dim3A_22 : vector<256x1xf32>
    %exp3A = math.exp %sub3A : vector<256x1xf32>
    %add3A_45 = arith.constant 1.000000e+00 : f32
    %add3A_46 = vector.broadcast %add3A_45 : f32 to vector<256x1xf32>
    %add3A_47 = arith.addf %add3A_46, %exp3A : vector<256x1xf32>
    %div3A = arith.constant 1.000000e+00 : f32
    %div3A_48 = vector.broadcast %div3A : f32 to vector<256x1xf32>
    %div3A_49 = arith.divf %div3A_48, %add3A_47 : vector<256x1xf32>
    %sub3A_50 = arith.constant 1.000000e+00 : f32
    %sub3A_51 = vector.broadcast %sub3A_50 : f32 to vector<256x1xf32>
    %sub3A_52 = arith.subf %sub3A_51, %div3A_49 : vector<256x1xf32>
    %eq3A_53 = arith.constant 0 : i32
    %eq3A_54 = vector.broadcast %eq3A_53 : i32 to vector<256x128xi32>
    %eq3A_55 = arith.cmpi eq, %iota3A, %eq3A_54 : vector<256x128xi32>
    %eq3A_56 = arith.constant 1 : i32
    %eq3A_57 = vector.broadcast %eq3A_56 : i32 to vector<256x128xi32>
    %eq3A_58 = arith.cmpi eq, %iota3A, %eq3A_57 : vector<256x128xi32>
    %jit3A_59 = arith.constant 0 : i32
    %broadcast_in_dim3A_60 = vector.shape_cast %broadcast_in_dim3A_44 : vector<256x1xi32> to vector<256x1xi32>
    %broadcast_in_dim3A_61 = vector.broadcast %broadcast_in_dim3A_60 : vector<256x1xi32> to vector<256x128xi32>
    %broadcast_in_dim3A_62 = vector.broadcast %jit3A_59 : i32 to vector<256x128xi32>
    %select_n3A_63 = arith.select %eq3A_58, %broadcast_in_dim3A_61, %broadcast_in_dim3A_62 : vector<256x128xi1>, vector<256x128xi32>
    %broadcast_in_dim3A_64 = vector.shape_cast %broadcast_in_dim3A_28 : vector<256x1xi32> to vector<256x1xi32>
    %broadcast_in_dim3A_65 = vector.broadcast %broadcast_in_dim3A_64 : vector<256x1xi32> to vector<256x128xi32>
    %select_n3A_66 = arith.select %eq3A_55, %broadcast_in_dim3A_65, %select_n3A_63 : vector<256x128xi1>, vector<256x128xi32>
    %swap3A = arith.constant 0 : index
    %swap3A_67 = arith.constant 0 : index
    %swap3A_68 = vector.load %arg6[%swap3A, %swap3A_67] : memref<256x128xi32, #tpu.memory_space<vmem>>, vector<256x128xi32>
    tpu.vector_store %arg6[%swap3A, %swap3A_67], %select_n3A_66 {strides = array<i32>} : memref<256x128xi32, #tpu.memory_space<vmem>>, vector<256x128xi32>,
    %eq3A_69 = arith.constant 0 : i32
    %eq3A_70 = vector.broadcast %eq3A_69 : i32 to vector<256x128xi32>
    %eq3A_71 = arith.cmpi eq, %iota3A, %eq3A_70 : vector<256x128xi32>
    %eq3A_72 = arith.constant 1 : i32
    %eq3A_73 = vector.broadcast %eq3A_72 : i32 to vector<256x128xi32>
    %eq3A_74 = arith.cmpi eq, %iota3A, %eq3A_73 : vector<256x128xi32>
    %jit3A_75 = arith.constant 0.000000e+00 : f32
    %broadcast_in_dim3A_76 = vector.shape_cast %sub3A_52 : vector<256x1xf32> to vector<256x1xf32>
    %broadcast_in_dim3A_77 = vector.broadcast %broadcast_in_dim3A_76 : vector<256x1xf32> to vector<256x128xf32>
    %broadcast_in_dim3A_78 = vector.broadcast %jit3A_75 : f32 to vector<256x128xf32>
    %select_n3A_79 = arith.select %eq3A_74, %broadcast_in_dim3A_77, %broadcast_in_dim3A_78 : vector<256x128xi1>, vector<256x128xf32>
    %broadcast_in_dim3A_80 = vector.shape_cast %div3A_49 : vector<256x1xf32> to vector<256x1xf32>
    %broadcast_in_dim3A_81 = vector.broadcast %broadcast_in_dim3A_80 : vector<256x1xf32> to vector<256x128xf32>
    %select_n3A_82 = arith.select %eq3A_71, %broadcast_in_dim3A_81, %select_n3A_79 : vector<256x128xi1>, vector<256x128xf32>
    %swap3A_83 = arith.constant 0 : index
    %swap3A_84 = arith.constant 0 : index
    %swap3A_85 = vector.load %arg7[%swap3A_83, %swap3A_84] : memref<256x128xf32, #tpu.memory_space<vmem>>, vector<256x128xf32>
    tpu.vector_store %arg7[%swap3A_83, %swap3A_84], %select_n3A_82 {strides = array<i32>} : memref<256x128xf32, #tpu.memory_space<vmem>>, vector<256x128xf32>,
    return
  }
  func.func @transform_0(%arg0: i32) -> (i32, i32) {
    %c0_i32 = arith.constant 0 : i32
    %c0_i32_0 = arith.constant 0 : i32
    return %arg0, %c0_i32 : i32, i32
  }
  func.func @transform_1(%arg0: i32) -> (i32, i32) {
    %c0_i32 = arith.constant 0 : i32
    %c0_i32_0 = arith.constant 0 : i32
    return %arg0, %c0_i32 : i32, i32
  }
  func.func @transform_2(%arg0: i32) -> (i32, i32) {
    %c0_i32 = arith.constant 0 : i32
    %c0_i32_0 = arith.constant 0 : i32
    %c0_i32_1 = arith.constant 0 : i32
    return %c0_i32, %c0_i32_0 : i32, i32
  }
  func.func @transform_3(%arg0: i32) -> (i32, i32) {
    %c0_i32 = arith.constant 0 : i32
    %c0_i32_0 = arith.constant 0 : i32
    %c0_i32_1 = arith.constant 0 : i32
    return %c0_i32, %c0_i32_0 : i32, i32
  }
  func.func @transform_4(%arg0: i32) -> (i32, i32) {
    %c0_i32 = arith.constant 0 : i32
    %c0_i32_0 = arith.constant 0 : i32
    %c0_i32_1 = arith.constant 0 : i32
    return %c0_i32, %c0_i32_0 : i32, i32
  }
  func.func @transform_5(%arg0: i32) -> (i32, i32) {
    %c0_i32 = arith.constant 0 : i32
    %c0_i32_0 = arith.constant 0 : i32
    return %arg0, %c0_i32 : i32, i32
  }
  func.func @transform_6(%arg0: i32) -> (i32, i32) {
    %c0_i32 = arith.constant 0 : i32
    %c0_i32_0 = arith.constant 0 : i32
    return %arg0, %c0_i32 : i32, i32
  }
}

module attributes {stable_mosaic.version = 14 : i64} {
  func.func @_ggemm_body(%arg0: i32, %arg1: memref<39xi32, #tpu.memory_space<smem>>, %arg2: memref<39xi32, #tpu.memory_space<smem>>, %arg3: memref<39xi32, #tpu.memory_space<smem>>, %arg4: memref<39xi32, #tpu.memory_space<smem>>, %arg5: memref<39xi32, #tpu.memory_space<smem>>, %arg6: memref<256x1024xbf16, #tpu.memory_space<vmem>>, %arg7: memref<1x1024x2048xbf16, #tpu.memory_space<vmem>>, %arg8: memref<1x1x2048xf32, #tpu.memory_space<vmem>>, %arg9: memref<1x2048x1024xbf16, #tpu.memory_space<vmem>>, %arg10: memref<1x1x1024xf32, #tpu.memory_space<vmem>>, %arg11: memref<256x1xf32, #tpu.memory_space<vmem>>, %arg12: memref<256x1024xf32, #tpu.memory_space<vmem>>) attributes {dimension_semantics = [#tpu.dimension_semantics<arbitrary>], iteration_bounds = array<i64: 39>, scalar_prefetch = 5 : i64, scratch_operands = 0 : i64, tpu.core_type = #tpu.core_type<tc>, window_params = [{transform_indices = @transform_0, window_bounds = array<i64: 256, 1024>}, {transform_indices = @transform_1, window_bounds = array<i64: 1, 1024, 2048>}, {transform_indices = @transform_2, window_bounds = array<i64: 1, 1, 2048>}, {transform_indices = @transform_3, window_bounds = array<i64: 1, 2048, 1024>}, {transform_indices = @transform_4, window_bounds = array<i64: 1, 1, 1024>}, {transform_indices = @transform_5, window_bounds = array<i64: 256, 1>}, {transform_indices = @transform_6, window_bounds = array<i64: 256, 1024>}]} {
    %get3A = arith.constant 0 : index
    %get3A_0 = arith.constant 0 : index
    %get3A_1 = vector.load %arg6[%get3A, %get3A_0] : memref<256x1024xbf16, #tpu.memory_space<vmem>>, vector<256x1024xbf16>
    %get3A_2 = arith.constant 0 : index
    %get3A_3 = arith.constant 0 : index
    %get3A_4 = arith.constant 0 : index
    %get3A_5 = vector.load %arg7[%get3A_2, %get3A_3, %get3A_4] : memref<1x1024x2048xbf16, #tpu.memory_space<vmem>>, vector<1x1024x2048xbf16>
    %get3A_6 = vector.shape_cast %get3A_5 : vector<1x1024x2048xbf16> to vector<1024x2048xbf16>
    %dot_general3A = arith.constant dense<0.000000e+00> : vector<256x2048xf32>
    %dot_general3A_7 = tpu.matmul %get3A_1, %get3A_6, %dot_general3A {dimension_numbers = #tpu.dot_dimension_numbers<[1], [0], [0], [1], [0, 0, 1, 1], [], []>, transpose_lhs_hint = false} : vector<256x1024xbf16>, vector<1024x2048xbf16>, vector<256x2048xf32> -> vector<256x2048xf32>
    %get3A_8 = arith.constant 0 : index
    %get3A_9 = arith.constant 0 : index
    %get3A_10 = arith.constant 0 : index
    %get3A_11 = vector.load %arg8[%get3A_8, %get3A_9, %get3A_10] : memref<1x1x2048xf32, #tpu.memory_space<vmem>>, vector<1x1x2048xf32>
    %get3A_12 = vector.shape_cast %get3A_11 : vector<1x1x2048xf32> to vector<1x2048xf32>
    %add3A = vector.broadcast %get3A_12 : vector<1x2048xf32> to vector<256x2048xf32>
    %add3A_13 = arith.addf %dot_general3A_7, %add3A : vector<256x2048xf32>
    %integer_pow3A = arith.mulf %add3A_13, %add3A_13 : vector<256x2048xf32>
    %integer_pow3A_14 = arith.mulf %add3A_13, %integer_pow3A : vector<256x2048xf32>
    %mul3A = arith.constant 4.471500e-02 : f32
    %mul3A_15 = vector.broadcast %mul3A : f32 to vector<256x2048xf32>
    %mul3A_16 = arith.mulf %mul3A_15, %integer_pow3A_14 : vector<256x2048xf32>
    %add3A_17 = arith.addf %add3A_13, %mul3A_16 : vector<256x2048xf32>
    %mul3A_18 = arith.constant 0.797884583 : f32
    %mul3A_19 = vector.broadcast %mul3A_18 : f32 to vector<256x2048xf32>
    %mul3A_20 = arith.mulf %mul3A_19, %add3A_17 : vector<256x2048xf32>
    %tanh3A = math.tanh %mul3A_20 : vector<256x2048xf32>
    %add3A_21 = arith.constant 1.000000e+00 : f32
    %add3A_22 = vector.broadcast %add3A_21 : f32 to vector<256x2048xf32>
    %add3A_23 = arith.addf %add3A_22, %tanh3A : vector<256x2048xf32>
    %mul3A_24 = arith.constant 5.000000e-01 : f32
    %mul3A_25 = vector.broadcast %mul3A_24 : f32 to vector<256x2048xf32>
    %mul3A_26 = arith.mulf %mul3A_25, %add3A_23 : vector<256x2048xf32>
    %mul3A_27 = arith.mulf %add3A_13, %mul3A_26 : vector<256x2048xf32>
    %convert_element_type3A = arith.truncf %mul3A_27 : vector<256x2048xf32> to vector<256x2048xbf16>
    %get3A_28 = arith.constant 0 : index
    %get3A_29 = arith.constant 0 : index
    %get3A_30 = arith.constant 0 : index
    %get3A_31 = vector.load %arg9[%get3A_28, %get3A_29, %get3A_30] : memref<1x2048x1024xbf16, #tpu.memory_space<vmem>>, vector<1x2048x1024xbf16>
    %get3A_32 = vector.shape_cast %get3A_31 : vector<1x2048x1024xbf16> to vector<2048x1024xbf16>
    %dot_general3A_33 = arith.constant dense<0.000000e+00> : vector<256x1024xf32>
    %dot_general3A_34 = tpu.matmul %convert_element_type3A, %get3A_32, %dot_general3A_33 {dimension_numbers = #tpu.dot_dimension_numbers<[1], [0], [0], [1], [0, 0, 1, 1], [], []>, transpose_lhs_hint = false} : vector<256x2048xbf16>, vector<2048x1024xbf16>, vector<256x1024xf32> -> vector<256x1024xf32>
    %get3A_35 = arith.constant 0 : index
    %get3A_36 = arith.constant 0 : index
    %get3A_37 = arith.constant 0 : index
    %get3A_38 = vector.load %arg10[%get3A_35, %get3A_36, %get3A_37] : memref<1x1x1024xf32, #tpu.memory_space<vmem>>, vector<1x1x1024xf32>
    %get3A_39 = vector.shape_cast %get3A_38 : vector<1x1x1024xf32> to vector<1x1024xf32>
    %add3A_40 = vector.broadcast %get3A_39 : vector<1x1024xf32> to vector<256x1024xf32>
    %add3A_41 = arith.addf %dot_general3A_34, %add3A_40 : vector<256x1024xf32>
    %get3A_42 = arith.constant 0 : index
    %get3A_43 = arith.constant 0 : index
    %get3A_44 = vector.load %arg11[%get3A_42, %get3A_43] : memref<256x1xf32, #tpu.memory_space<vmem>>, vector<256x1xf32>
    %mul3A_45 = vector.broadcast %get3A_44 : vector<256x1xf32> to vector<256x1024xf32>
    %mul3A_46 = arith.mulf %add3A_41, %mul3A_45 : vector<256x1024xf32>
    %get3A_47 = arith.index_cast %arg0 : i32 to index
    %get3A_48 = memref.load %arg1[%get3A_47] : memref<39xi32, #tpu.memory_space<smem>>
    %mul3A_49 = arith.constant 256 : i32
    %mul3A_50 = arith.muli %get3A_48, %mul3A_49 : i32
    %iota3A = tpu.iota {dimensions = array<i32: 0>} : vector<256x1xi32>
    %add3A_51 = vector.broadcast %mul3A_50 : i32 to vector<256x1xi32>
    %add3A_52 = arith.addi %add3A_51, %iota3A : vector<256x1xi32>
    %get3A_53 = arith.index_cast %arg0 : i32 to index
    %get3A_54 = memref.load %arg3[%get3A_53] : memref<39xi32, #tpu.memory_space<smem>>
    %ge3A = vector.broadcast %get3A_54 : i32 to vector<256x1xi32>
    %ge3A_55 = arith.cmpi sge, %add3A_52, %ge3A : vector<256x1xi32>
    %get3A_56 = arith.index_cast %arg0 : i32 to index
    %get3A_57 = memref.load %arg4[%get3A_56] : memref<39xi32, #tpu.memory_space<smem>>
    %lt3A = vector.broadcast %get3A_57 : i32 to vector<256x1xi32>
    %lt3A_58 = arith.cmpi slt, %add3A_52, %lt3A : vector<256x1xi32>
    %and3A = arith.andi %ge3A_55, %lt3A_58 : vector<256x1xi1>
    %jit3A = arith.constant 0.000000e+00 : f32
    %broadcast_in_dim3A = vector.shape_cast %and3A : vector<256x1xi1> to vector<256x1xi1>
    %broadcast_in_dim3A_59 = vector.broadcast %broadcast_in_dim3A : vector<256x1xi1> to vector<256x1024xi1>
    %broadcast_in_dim3A_60 = vector.broadcast %jit3A : f32 to vector<256x1024xf32>
    %select_n3A = arith.select %broadcast_in_dim3A_59, %mul3A_46, %broadcast_in_dim3A_60 : vector<256x1024xi1>, vector<256x1024xf32>
    %get3A_61 = arith.index_cast %arg0 : i32 to index
    %get3A_62 = memref.load %arg5[%get3A_61] : memref<39xi32, #tpu.memory_space<smem>>
    %ne3A = arith.constant 0 : i32
    %ne3A_63 = arith.cmpi ne, %get3A_62, %ne3A : i32
    %convert_element_type3A_64 = arith.extui %ne3A_63 : i1 to i32
    %cond3A = arith.constant 0 : i32
    %cond3A_65 = arith.cmpi ne, %convert_element_type3A_64, %cond3A : i32
    scf.if %cond3A_65 {
      %swap3A = arith.constant 0 : index
      %swap3A_72 = arith.constant 0 : index
      %swap3A_73 = vector.load %arg12[%swap3A, %swap3A_72] : memref<256x1024xf32, #tpu.memory_space<vmem>>, vector<256x1024xf32>
      tpu.vector_store %arg12[%swap3A, %swap3A_72], %select_n3A {strides = array<i32>} : memref<256x1024xf32, #tpu.memory_space<vmem>>, vector<256x1024xf32>,
    } else {
    }
    %get3A_66 = arith.index_cast %arg0 : i32 to index
    %get3A_67 = memref.load %arg5[%get3A_66] : memref<39xi32, #tpu.memory_space<smem>>
    %eq3A = arith.constant 0 : i32
    %eq3A_68 = arith.cmpi eq, %get3A_67, %eq3A : i32
    %convert_element_type3A_69 = arith.extui %eq3A_68 : i1 to i32
    %cond3A_70 = arith.constant 0 : i32
    %cond3A_71 = arith.cmpi ne, %convert_element_type3A_69, %cond3A_70 : i32
    scf.if %cond3A_71 {
      %get3A_72 = arith.constant 0 : index
      %get3A_73 = arith.constant 0 : index
      %get3A_74 = vector.load %arg12[%get3A_72, %get3A_73] : memref<256x1024xf32, #tpu.memory_space<vmem>>, vector<256x1024xf32>
      %add3A_75 = arith.addf %get3A_74, %select_n3A : vector<256x1024xf32>
      %swap3A = arith.constant 0 : index
      %swap3A_76 = arith.constant 0 : index
      %swap3A_77 = vector.load %arg12[%swap3A, %swap3A_76] : memref<256x1024xf32, #tpu.memory_space<vmem>>, vector<256x1024xf32>
      tpu.vector_store %arg12[%swap3A, %swap3A_76], %add3A_75 {strides = array<i32>} : memref<256x1024xf32, #tpu.memory_space<vmem>>, vector<256x1024xf32>,
    } else {
    }
    return
  }
  func.func @transform_0(%arg0: i32, %arg1: memref<39xi32, #tpu.memory_space<smem>>, %arg2: memref<39xi32, #tpu.memory_space<smem>>, %arg3: memref<39xi32, #tpu.memory_space<smem>>, %arg4: memref<39xi32, #tpu.memory_space<smem>>, %arg5: memref<39xi32, #tpu.memory_space<smem>>) -> (i32, i32) {
    %get3A = arith.index_cast %arg0 : i32 to index
    %get3A_0 = memref.load %arg1[%get3A] : memref<39xi32, #tpu.memory_space<smem>>
    %c0_i32 = arith.constant 0 : i32
    %c0_i32_1 = arith.constant 0 : i32
    return %get3A_0, %c0_i32 : i32, i32
  }
  func.func @transform_1(%arg0: i32, %arg1: memref<39xi32, #tpu.memory_space<smem>>, %arg2: memref<39xi32, #tpu.memory_space<smem>>, %arg3: memref<39xi32, #tpu.memory_space<smem>>, %arg4: memref<39xi32, #tpu.memory_space<smem>>, %arg5: memref<39xi32, #tpu.memory_space<smem>>) -> (i32, i32, i32) {
    %get3A = arith.index_cast %arg0 : i32 to index
    %get3A_0 = memref.load %arg2[%get3A] : memref<39xi32, #tpu.memory_space<smem>>
    %c0_i32 = arith.constant 0 : i32
    %c0_i32_1 = arith.constant 0 : i32
    %c0_i32_2 = arith.constant 0 : i32
    return %get3A_0, %c0_i32, %c0_i32_1 : i32, i32, i32
  }
  func.func @transform_2(%arg0: i32, %arg1: memref<39xi32, #tpu.memory_space<smem>>, %arg2: memref<39xi32, #tpu.memory_space<smem>>, %arg3: memref<39xi32, #tpu.memory_space<smem>>, %arg4: memref<39xi32, #tpu.memory_space<smem>>, %arg5: memref<39xi32, #tpu.memory_space<smem>>) -> (i32, i32, i32) {
    %get3A = arith.index_cast %arg0 : i32 to index
    %get3A_0 = memref.load %arg2[%get3A] : memref<39xi32, #tpu.memory_space<smem>>
    %c0_i32 = arith.constant 0 : i32
    %c0_i32_1 = arith.constant 0 : i32
    %c0_i32_2 = arith.constant 0 : i32
    return %get3A_0, %c0_i32, %c0_i32_1 : i32, i32, i32
  }
  func.func @transform_3(%arg0: i32, %arg1: memref<39xi32, #tpu.memory_space<smem>>, %arg2: memref<39xi32, #tpu.memory_space<smem>>, %arg3: memref<39xi32, #tpu.memory_space<smem>>, %arg4: memref<39xi32, #tpu.memory_space<smem>>, %arg5: memref<39xi32, #tpu.memory_space<smem>>) -> (i32, i32, i32) {
    %get3A = arith.index_cast %arg0 : i32 to index
    %get3A_0 = memref.load %arg2[%get3A] : memref<39xi32, #tpu.memory_space<smem>>
    %c0_i32 = arith.constant 0 : i32
    %c0_i32_1 = arith.constant 0 : i32
    %c0_i32_2 = arith.constant 0 : i32
    return %get3A_0, %c0_i32, %c0_i32_1 : i32, i32, i32
  }
  func.func @transform_4(%arg0: i32, %arg1: memref<39xi32, #tpu.memory_space<smem>>, %arg2: memref<39xi32, #tpu.memory_space<smem>>, %arg3: memref<39xi32, #tpu.memory_space<smem>>, %arg4: memref<39xi32, #tpu.memory_space<smem>>, %arg5: memref<39xi32, #tpu.memory_space<smem>>) -> (i32, i32, i32) {
    %get3A = arith.index_cast %arg0 : i32 to index
    %get3A_0 = memref.load %arg2[%get3A] : memref<39xi32, #tpu.memory_space<smem>>
    %c0_i32 = arith.constant 0 : i32
    %c0_i32_1 = arith.constant 0 : i32
    %c0_i32_2 = arith.constant 0 : i32
    return %get3A_0, %c0_i32, %c0_i32_1 : i32, i32, i32
  }
  func.func @transform_5(%arg0: i32, %arg1: memref<39xi32, #tpu.memory_space<smem>>, %arg2: memref<39xi32, #tpu.memory_space<smem>>, %arg3: memref<39xi32, #tpu.memory_space<smem>>, %arg4: memref<39xi32, #tpu.memory_space<smem>>, %arg5: memref<39xi32, #tpu.memory_space<smem>>) -> (i32, i32) {
    %get3A = arith.index_cast %arg0 : i32 to index
    %get3A_0 = memref.load %arg1[%get3A] : memref<39xi32, #tpu.memory_space<smem>>
    %c0_i32 = arith.constant 0 : i32
    %c0_i32_1 = arith.constant 0 : i32
    return %get3A_0, %c0_i32 : i32, i32
  }
  func.func @transform_6(%arg0: i32, %arg1: memref<39xi32, #tpu.memory_space<smem>>, %arg2: memref<39xi32, #tpu.memory_space<smem>>, %arg3: memref<39xi32, #tpu.memory_space<smem>>, %arg4: memref<39xi32, #tpu.memory_space<smem>>, %arg5: memref<39xi32, #tpu.memory_space<smem>>) -> (i32, i32) {
    %get3A = arith.index_cast %arg0 : i32 to index
    %get3A_0 = memref.load %arg1[%get3A] : memref<39xi32, #tpu.memory_space<smem>>
    %c0_i32 = arith.constant 0 : i32
    %c0_i32_1 = arith.constant 0 : i32
    return %get3A_0, %c0_i32 : i32, i32
  }
}

</mosaic_0001>

<sc_bundles>
// kernel: kernel.10.cloned.1.call-start
scs
__scs_entry_jumppad:
0x0: {  	(pc) =	sbr.rel $0x88, $3  }
0x1: {  	(tag) =	ssettag $0x0;
	lr =	simm.s32 $0x1  }
0x2: {  	[smem:$0x3F98] =	sst lr;
	_ =	strace $0xD0000000  }
0x3: {  	_ = 	snop  }
0x4: {  	_ = 	snop  }
0x5: {  	_ = 	snop  }
0x6: {  	_ = 	snop  }
0x7: {  	_ = 	snop  }
__scs_overlays_trampoline_lowered:
0x8: {  	[smem:$0x3FA7] =	sst s0  }
0x9: {  	[smem:$0x3FA8] =	sst s1  }
0xa: {  	[smem:$0x3FA9] =	sst s2  }
0xb: {  	[smem:$0x3FAA] =	sst s3  }
0xc: {  	[smem:$0x3FAB] =	sst s4  }
0xd: {  	[smem:$0x3FAC] =	sst s5  }
0xe: {  	[smem:$0x3FAD] =	sst s6  }
0xf: {  	[smem:$0x3FAE] =	sst s7  }
0x10: {  	[smem:$0x3FAF] =	sst s8  }
0x11: {  	[smem:$0x3FB0] =	sst s9;
	s0 =	simm.s32 @!p0 $0x0  }
0x12: {  	s1 =	sld [smem:$0x3F96];
	s0 =	simm.s32 @p0 $0x1  }
0x13: {  	[smem:$0x3FB1] =	sst s0;
	s0 =	simm.s32 @!p1 $0x0  }
0x14: {  	s2 =	sld [smem:$0x3F95];
	s0 =	simm.s32 @p1 $0x1  }
0x15: {  	[smem:$0x3FB2] =	sst s0;
	s0 =	simm.s32 @!p2 $0x0  }
0x16: {  	s3 =	sld [smem:$0x3FDB];
	s0 =	simm.s32 @p2 $0x1  }
0x17: {  	s4 =	simm.s32 $0x1BF5;
	[smem:$0x3FB4] =	sst s0  }
0x18: {  	s0 =	sld [smem:$0x3F97];
	_ =	swait.ge [sflag:s4], $0x0  }
0x19: {  	s7 =	sld [smem:$0x3F98]  }
0x1a: {  	s8 =	sadd.s32 $0xFFFFE003, lr  }
0x1b: {  	s9 =	sadd.s32 $0xFFFFFEF7, lr;
	s5 =	simm.s32 $0xFFFFFFFF;
	p2 =	slt.u32 s8, $0xFFFFF086  }
0x1c: {  	p1 =	slt.u32 s9, $0xF7A;
	s5 =	simm.s32 @!p2 $0x0  }
0x1d: {  	s5 =	simm.s32 @p1 $0x1;
	p0 =	seq.s32 s7, s2  }
0x1e: {  	s7 =	smul.u32 @!p0 $0xF7A, s2;
	p2 =	seq.s32 @!p0 s5, $0x0  }
0x1f: {  	s9 =	smul.u32 $0xF7A, s1;
	s8 =	simm.s32 @!p0 $0x1BF5;
	p2 =	por !p2, p0  }
0x20: {  	[sflag:s8] =	ssyncset.s32 @!p0 $0xFFFFF086;
	s6 =	sadd.s32 @!p0 s3, s7;
	s7 =	simm.s32 @!p0 $0x108  }
0x21: {  	s3 =	sadd.s32 s3, s9;
	s6 =	sadd.s32 @!p0 $0x88, s6;
	s7 =	simm.s32 @p2 $0x1082  }
0x22: {  	[simem:s7], [sflag:s8] =	dma.local @!p0 [hbm:s6], $0xF7A  }
0x23: {  	s9 =	sor.u32 $0xD0000000, s2;
	s6 =	simm.s32 $0x108;
	_ =	swait.ge @!p0 [sflag:s8], $0x0  }
0x24: {  	s3 =	sadd.s32 $0x88, s3;
	s6 =	simm.s32 @!p1 $0x1082;
	[sflag:s4] =	ssyncset.s32 $0xFFFFF086  }
0x25: {  	[simem:s6], [sflag:s4] =	dma.local [hbm:s3], $0xF7A  }
0x26: {  	[smem:$0x3F98] =	sst s1;
	(tag) =	ssettag s2;
	_ =	strace s9  }
0x27: {  	s1 =	sld [smem:$0x3FA8]  }
0x28: {  	s2 =	sld [smem:$0x3FA9]  }
0x29: {  	s4 =	sld [smem:$0x3FAB]  }
0x2a: {  	p0 =	seq.s32 s5, $0x0;
	s5 =	sld [smem:$0x3FAC]  }
0x2b: {  	s6 =	sld [smem:$0x3FAD]  }
0x2c: {  	s7 =	sld [smem:$0x3FAE]  }
0x2d: {  	s3 =	simm.s32 $0x108;
	s8 =	sld [smem:$0x3FAF]  }
0x2e: {  	s3 =	simm.s32 @!p0 $0x1082;
	s9 =	sld [smem:$0x3FB0]  }
0x2f: {  	lr =	sadd.s32 s0, s3;
	s0 =	sld [smem:$0x3FA7]  }
0x30: {  	s3 =	sld [smem:$0x3FAA]  }
0x31: {  	[smem:$0x3FB3] =	sst s10  }
0x32: {  	s10 =	sld [smem:$0x3FB1];
	_ =	sdelay $0x3  }
0x33: {  	p0 =	seq.s32 s10, $0x1;
	s10 =	sld [smem:$0x3FB3];
	_ =	sdelay $0x3  }
0x34: {  	[smem:$0x3FB3] =	sst s10  }
0x35: {  	s10 =	sld [smem:$0x3FB2];
	_ =	sdelay $0x3  }
0x36: {  	p1 =	seq.s32 s10, $0x1;
	s10 =	sld [smem:$0x3FB3];
	_ =	sdelay $0x3  }
0x37: {  	[smem:$0x3FB3] =	sst s10  }
0x38: {  	s10 =	sld [smem:$0x3FB4]  }
0x39: {  	_ = 	snop;
	(pc) =	sbr.ind lr, $3  }
0x3a: {  	_ = 	snop  }
0x3b: {  	_ = 	snop  }
0x3c: {  	p2 =	seq.s32 s10, $0x1;
	s10 =	sld [smem:$0x3FB3]  }
0x3d: {  	_ =	shalt  }
0x3e: {  	_ =	shalt  }
0x3f: {  	_ =	shalt  }
0x40: {  	_ =	shalt  }
0x41: {  	_ =	shalt  }
0x42: {  	_ =	shalt  }
0x43: {  	_ =	shalt  }
0x44: {  	_ =	shalt  }
0x45: {  	_ =	shalt  }
0x46: {  	_ =	shalt  }
0x47: {  	_ =	shalt  }
0x48: {  	_ =	shalt  }
0x49: {  	_ =	shalt  }
0x4a: {  	_ =	shalt  }
0x4b: {  	_ =	shalt  }
0x4c: {  	_ =	shalt  }
0x4d: {  	_ =	shalt  }
0x4e: {  	_ =	shalt  }
0x4f: {  	_ =	shalt  }
0x50: {  	_ =	shalt  }
0x51: {  	_ =	shalt  }
0x52: {  	_ =	shalt  }
0x53: {  	_ =	shalt  }
0x54: {  	_ =	shalt  }
0x55: {  	_ =	shalt  }
0x56: {  	_ =	shalt  }
0x57: {  	_ =	shalt  }
0x58: {  	_ =	shalt  }
0x59: {  	_ =	shalt  }
0x5a: {  	_ =	shalt  }
0x5b: {  	_ =	shalt  }
0x5c: {  	_ =	shalt  }
0x5d: {  	_ =	shalt  }
0x5e: {  	_ =	shalt  }
0x5f: {  	_ =	shalt  }
0x60: {  	_ =	shalt  }
0x61: {  	_ =	shalt  }
0x62: {  	_ =	shalt  }
0x63: {  	_ =	shalt  }
0x64: {  	_ =	shalt  }
0x65: {  	_ =	shalt  }
0x66: {  	_ =	shalt  }
0x67: {  	_ =	shalt  }
0x68: {  	_ =	shalt  }
0x69: {  	_ =	shalt  }
0x6a: {  	_ =	shalt  }
0x6b: {  	_ =	shalt  }
0x6c: {  	_ =	shalt  }
0x6d: {  	_ =	shalt  }
0x6e: {  	_ =	shalt  }
0x6f: {  	_ =	shalt  }
0x70: {  	_ =	shalt  }
0x71: {  	_ =	shalt  }
0x72: {  	_ =	shalt  }
0x73: {  	_ =	shalt  }
0x74: {  	_ =	shalt  }
0x75: {  	_ =	shalt  }
0x76: {  	_ =	shalt  }
0x77: {  	_ =	shalt  }
0x78: {  	_ =	shalt  }
0x79: {  	_ =	shalt  }
0x7a: {  	_ =	shalt  }
0x7b: {  	_ =	shalt  }
0x7c: {  	_ =	shalt  }
0x7d: {  	_ =	shalt  }
0x7e: {  	_ =	shalt  }
0x7f: {  	_ =	shalt  }
0x80: {  	_ =	shalt  }
0x81: {  	_ =	shalt  }
0x82: {  	_ =	shalt  }
0x83: {  	_ =	shalt  }
0x84: {  	_ =	shalt  }
0x85: {  	_ =	shalt  }
0x86: {  	_ =	shalt  }
0x87: {  	_ =	shalt  }
.Lfunc_end0:
.L_simem_size_0:
called_computation.2_lowered:
.L_overlay_start_0:
0x88: {  	s2 =	sld [smem:$0x3FD9]  }
0x89: {  	s3 =	sld [smem:$0x3FFE];
	_ =	sdelay $0x1  }
0x8a: {  	s1 =	srdreg.scid  }
0x8b: {  	s0 =	sand.u32 $0x1, s1  }
0x8c: {  	s17 =	sshll.u32 s0, $0xA;
	s2 =	sadd.s32 s3, s2  }
0x8d: {  	s2 =	sadd.s32 s2, s17  }
0x8e: {  	[smem:$0x3FBF] =	sst s2  }
0x8f: {  	_ = 	snop  }
0x90: {  	s2 =	sld [smem:$0x3FD0];
	(tm) =	ssettm $0x1  }
0x91: {  	s18 =	sld [smem:$0x3FFB];
	_ =	sdelay $0x3  }
0x92: {  	_ =	strace s18  }
0x93: {  	s3 =	sld [smem:$0x3FFC];
	_ =	sdelay $0x3  }
0x94: {  	_ =	strace s3  }
0x95: {  	s3 =	sld [smem:$0x3FFD];
	_ =	sdelay $0x3  }
0x96: {  	_ =	strace s3  }
0x97: {  	_ =	strace $0x8FFFFFFF  }
0x98: {  	s19 =	sld [smem:$0x3FDB];
	_ =	sdelay $0x1  }
0x99: {  	s4 =	simm.s32 $_scs_section_size  }
0x9a: {  	s5 =	simm.s32 $_size__tile_overlayer_lowered;
	s6 =	simm.s32 $_tile_overlayer_lowered  }
0x9b: {  	s22 =	simm.s32 $0x1BFF;
	s21 =	sshll.u32 s6, $0x1;
	s3 =	sadd.s32 s4, s19  }
0x9c: {  	s7 =	simm.s32 $0x0;
	s20 =	sshll.u32 s5, $0x1;
	s5 =	sadd.s32 s21, s3  }
0x9d: {  	[timem:s7], [sflag:s22] =	dma.local [hbm:s5], s20  }
0x9e: {  	_ =	swait.ge [sflag:s22], s20  }
0x9f: {  	s4 =	ssub.s32 $0x0, s20;
	[sflag:s22] =	ssyncset.done $0x0  }
0xa0: {  	[sflag:s22] =	ssyncadd.s32 s4;
	_ =	sdelay $0x1  }
0xa1: {  	s23 =	simm.s32 $0x1B8B  }
0xa2: {  	_ =	swait.ge [sflag:s23], $0x1  }
0xa3: {  	[sflag:s23] =	ssyncset.done $0x0  }
0xa4: {  	s25 =	simm.s32 $0x1B8E;
	s24 =	sld [smem:$0x3FFE];
	[sflag:s23] =	ssyncadd.s32 $0xFFFFFFFF  }
0xa5: {  	s26 =	simm.s32 $execute0_lowered;
	[smem:$0x3FD2] =	sst s25  }
0xa6: {  	s5 =	sshll.u32 s26, $0x1;
	_ =	strace $0x80000049;
	[dreg:$0x1] =	wrdreg $0xFFFFFFFF  }
0xa7: {  	s28 =	simm.s32 $_size_execute0_lowered;
	s3 =	sadd.s32 s3, s5;
	[dreg:$0x0] =	wrdreg $0x0  }
0xa8: {  	s5 =	sshll.u32 s28, $0x1;
	[dreg:$0x2] =	wrdreg s3  }
0xa9: {  	[dreg:$0x3] =	wrdreg s5  }
0xaa: {  	[dreg:$0x4] =	wrdreg $0xC0  }
0xab: {  	_ =	task [dreg:s7], $0x5FFFF  }
0xac: {  	[dreg:$0x1] =	wrdreg $0xFFFFFFFF  }
0xad: {  	[dreg:$0x0] =	wrdreg $0x60  }
0xae: {  	[dreg:$0x2] =	wrdreg s24  }
0xaf: {  	[dreg:$0x3] =	wrdreg s2  }
0xb0: {  	[dreg:$0x4] =	wrdreg $0x9  }
0xb1: {  	_ =	task.clear_ibuf [dreg:s7], $0x5FFFF;
	_ =	strace $0x90000049  }
0xb2: {  	s29 =	simm.s32 $0x9;
	_ =	strace $0x8000004B  }
0xb3: {  	_ =	swait.ge [sflag:s29], $0x1  }
0xb4: {  	[sflag:s29] =	ssyncadd.s32 $0xFFFFFFFF  }
0xb5: {  	_ =	strace $0x9000004B  }
0xb6: {  	_ =	sfence  }
0xb7: {  	s30 =	sld [smem:$0x0];
	_ =	sdelay $0x2  }
0xb8: {  	s31 =	sshll.u32 s1, $0xD;
	s1 =	sshrl.u32 s1, $0x2  }
0xb9: {  	s3 =	sand.u32 $0x4000, s31;
	s1 =	sadd.s32 s1, s30  }
0xba: {  	s0 =	sor.u32 s3, s0;
	s1 =	sshll.u32 s1, $0x11  }
0xbb: {  	s0 =	sor.u32 s1, s0  }
0xbc: {  	s0 =	sadd.s32 $0x8F2B, s0  }
0xbd: {  	[sflag:s0] =	ssyncadd.remote.s32 $0x1  }
0xbe: {  	_ =	sfence.sel $0xFFFF  }
0xbf: {  	[dreg:$0x0] =	wrdreg $0xFFFFFFFF;
	(pc) =	sbr.abs _section_cstart, $3  }
0xc0: {  	[dreg:$0x1] =	wrdreg $0xFFFFFFFF  }
0xc1: {  	_ =	task.clear_ibuf [dreg:s7], $0x2FFFF;
	_ =	strace $0x9FFFFFFF  }
0xc2: {  	(tm) =	ssettm $0x7FFFFFFF  }
0xc3: {  	_ =	shalt  }
tec
execute0_lowered:
.L_overlay_start_1:
0x0: {  	(tag) =	ssettag $0x1  }
0x1: {  	s0 =	rddreg [dreg:$0x0]  }
0x2: {  	s1 =	rddreg [dreg:$0x1]  }
0x3: {  	s3 =	simm.s32 $0x0;
	s2 =	srdreg.scid;
	s5 =	stileid.u32  }
0x4: {  	s14 =	simm.s32 $0x1;
	s16 =	simm.s32 $0x880;
	s17 =	simm.s32 $0x1080  }
0x5: {  	s18 =	simm.s32 $0x1880;
	s19 =	simm.s32 $0x2080;
	s20 =	simm.s32 $0x2880  }
0x6: {  	s21 =	simm.s32 $0x3080;
	s28 =	simm.s32 $0x6080;
	s29 =	simm.s32 $0x6880  }
0x7: {  	s30 =	simm.s32 $0x7080;
	s31 =	simm.s32 $0x7880;
	s8 =	simm.s32 $0x9080  }
0x8: {  	s9 =	simm.s32 $0x9880;
	s10 =	simm.s32 $0xA080;
	s11 =	simm.s32 $0xA880  }
0x9: {  	s12 =	simm.s32 $0xB080;
	s13 =	simm.s32 $0xB880;
	[smem:$0x7FF] =	sst s3  }
0xa: {  	s2 =	sand.u32 $0x1, s2;
	s5 =	sshll.u32 s5, $0x9;
	s6 =	sadd.s32 $0x2E00, s0  }
0xb: {  	s0 =	sadd.s32 $0x3A00, s0;
	s4 =	ssub.s32 $0x2, s2;
	s2 =	sshll.u32 s2, $0x8  }
0xc: {  	_ =	strace $0x8000004A;
	s7 =	sshrl.u32 s4, $0x1;
	s2 =	sor.u32 s2, s5  }
0xd: {  	s22 =	ssub.s32 s4, s7;
	s23 =	sshrl.u32 s2, $0x3;
	s24 =	sshll.u32 s2, $0x6  }
0xe: {  	s2 =	sor.u32 $0x80, s2;
	s7 =	simm.s32 $0xC080;
	s4 =	sadd.s32 s6, s23  }
0xf: {  	s25 =	sadd.s32 s0, s24;
	s26 =	sshrl.u32 s2, $0x3;
	s2 =	sshll.u32 s2, $0x6  }
0x10: {  	s5 =	smax.u32 s22, $0x1;
	s22 =	simm.s32 $0x3880;
	[dreg:$0x3] =	wrdreg s4  }
0x11: {  	s23 =	simm.s32 $0x4080;
	s24 =	simm.s32 $0x4880;
	[dreg:$0x4] =	wrdreg s25  }
0x12: {  	v2 =	vlaneseq.u32;
	s6 =	sadd.s32 s6, s26;
	s4 =	sadd.s32 $0x100, s1;
	s0 =	sadd.s32 s0, s2  }
0x13: {  	vm0 =	vmmov $0xffff;
	v1 =	vshrl.u32 v2, $0x3;
	s25 =	simm.s32 $0x5080;
	s26 =	simm.s32 $0x5880;
	[dreg:$0x5] =	wrdreg s6  }
0x14: {  	v0 =	vand.u32 $0x7, v2;
	v2 =	vor.u32 $0x8, v2;
	v1 =	vmul.u32 $0x8, v1;
	s2 =	simm.s32 $0x8880;
	[dreg:$0x6] =	wrdreg s0;
	s6 =	simm.s32 $0x2  }
.LBB2_1:
0x15: {  	s15 =	rddreg [dreg:$0x3]  }
0x16: {  	[tilespmem:s3], [sflag:$0x2] =	stream.linear.gather [hbm4b:s15+s3], $0x80, $0x38;
	[tilespmem:$0x10080] =	vst v63  }
0x17: {  	_ =	swait.ge [sflag:s6], $0x80  }
0x18: {  	[sflag:s6] =	ssyncset.done $0x0  }
0x19: {  	[sflag:s6] =	ssyncadd.s32 $0xFFFFFF80  }
0x1a: {  	v3 =	vld [tilespmem:$0x0];
	_ =	sdelay $0x4  }
0x1b: {  	v4 =	vshll.u32 v3, $0x2  }
0x1c: {  	v3 =	vand.u32 $0x7, v3;
	v4 =	vand.u32 $0xFFFFFFE0, v4  }
0x1d: {  	v3 =	vor.u32 v3, v4  }
0x1e: {  	v4 =	vperm.xlane v3, v0;
	_ =	sdelay $0x1  }
0x1f: {  	v4 =	vadd.s32 v1, v4;
	_ =	sdelay $0x1  }
0x20: {  	v3 =	vperm.xlane v3, v2;
	_ =	sdelay $0x1  }
0x21: {  	s0 =	simm.s32 $0x80;
	v3 =	vadd.s32 v1, v3  }
0x22: {  	[tilespmem:s0], [sflag:$0x1] =	stream.indirect_vreg.gather [hbm4b:s1+s3], $0x80, v4, vm0, $0xb8;
	[tilespmem:$0x10080] =	vst v63  }
0x23: {  	_ = 	snop  }
0x24: {  	[tilespmem:s16], [sflag:$0x1] =	stream.indirect_vreg.gather [hbm4b:s4+s3], $0x80, v4, vm0, $0xb8;
	[tilespmem:$0x10080] =	vst v63  }
0x25: {  	_ = 	snop  }
0x26: {  	[tilespmem:s17], [sflag:$0x1] =	stream.indirect_vreg.gather [hbm4b:s1+s3], $0x80, v3, vm0, $0xb8;
	[tilespmem:$0x10080] =	vst v63  }
0x27: {  	_ = 	snop  }
0x28: {  	[tilespmem:s18], [sflag:$0x1] =	stream.indirect_vreg.gather [hbm4b:s4+s3], $0x80, v3, vm0, $0xb8;
	[tilespmem:$0x10080] =	vst v63  }
0x29: {  	v3 =	vld [tilespmem:$0x10];
	_ =	sdelay $0x4  }
0x2a: {  	v49 =	vshll.u32 v3, $0x2  }
0x2b: {  	v3 =	vand.u32 $0x7, v3;
	v4 =	vand.u32 $0xFFFFFFE0, v49  }
0x2c: {  	v3 =	vor.u32 v3, v4  }
0x2d: {  	v4 =	vperm.xlane v3, v0;
	_ =	sdelay $0x1  }
0x2e: {  	v4 =	vadd.s32 v1, v4;
	_ =	sdelay $0x1  }
0x2f: {  	v3 =	vperm.xlane v3, v2;
	_ =	sdelay $0x1  }
0x30: {  	v3 =	vadd.s32 v1, v3  }
0x31: {  	[tilespmem:s19], [sflag:$0x1] =	stream.indirect_vreg.gather [hbm4b:s1+s3], $0x80, v4, vm0, $0xb8;
	[tilespmem:$0x10080] =	vst v63  }
0x32: {  	_ = 	snop  }
0x33: {  	[tilespmem:s20], [sflag:$0x1] =	stream.indirect_vreg.gather [hbm4b:s4+s3], $0x80, v4, vm0, $0xb8;
	[tilespmem:$0x10080] =	vst v63  }
0x34: {  	_ = 	snop  }
0x35: {  	[tilespmem:s21], [sflag:$0x1] =	stream.indirect_vreg.gather [hbm4b:s1+s3], $0x80, v3, vm0, $0xb8;
	[tilespmem:$0x10080] =	vst v63  }
0x36: {  	_ = 	snop  }
0x37: {  	[tilespmem:s22], [sflag:$0x1] =	stream.indirect_vreg.gather [hbm4b:s4+s3], $0x80, v3, vm0, $0xb8;
	[tilespmem:$0x10080] =	vst v63  }
0x38: {  	v3 =	vld [tilespmem:$0x20];
	_ =	sdelay $0x4  }
0x39: {  	v50 =	vshll.u32 v3, $0x2  }
0x3a: {  	v3 =	vand.u32 $0x7, v3;
	v4 =	vand.u32 $0xFFFFFFE0, v50  }
0x3b: {  	v3 =	vor.u32 v3, v4  }
0x3c: {  	v4 =	vperm.xlane v3, v0;
	_ =	sdelay $0x1  }
0x3d: {  	v4 =	vadd.s32 v1, v4;
	_ =	sdelay $0x1  }
0x3e: {  	v3 =	vperm.xlane v3, v2;
	_ =	sdelay $0x1  }
0x3f: {  	v3 =	vadd.s32 v1, v3  }
0x40: {  	[tilespmem:s23], [sflag:$0x1] =	stream.indirect_vreg.gather [hbm4b:s1+s3], $0x80, v4, vm0, $0xb8;
	[tilespmem:$0x10080] =	vst v63  }
0x41: {  	_ = 	snop  }
0x42: {  	[tilespmem:s24], [sflag:$0x1] =	stream.indirect_vreg.gather [hbm4b:s4+s3], $0x80, v4, vm0, $0xb8;
	[tilespmem:$0x10080] =	vst v63  }
0x43: {  	_ = 	snop  }
0x44: {  	[tilespmem:s25], [sflag:$0x1] =	stream.indirect_vreg.gather [hbm4b:s1+s3], $0x80, v3, vm0, $0xb8;
	[tilespmem:$0x10080] =	vst v63  }
0x45: {  	_ = 	snop  }
0x46: {  	[tilespmem:s26], [sflag:$0x1] =	stream.indirect_vreg.gather [hbm4b:s4+s3], $0x80, v3, vm0, $0xb8;
	[tilespmem:$0x10080] =	vst v63  }
0x47: {  	v3 =	vld [tilespmem:$0x30];
	_ =	sdelay $0x4  }
0x48: {  	v51 =	vshll.u32 v3, $0x2  }
0x49: {  	v3 =	vand.u32 $0x7, v3;
	v4 =	vand.u32 $0xFFFFFFE0, v51  }
0x4a: {  	v3 =	vor.u32 v3, v4  }
0x4b: {  	v4 =	vperm.xlane v3, v0;
	_ =	sdelay $0x1  }
0x4c: {  	v4 =	vadd.s32 v1, v4;
	_ =	sdelay $0x1  }
0x4d: {  	v3 =	vperm.xlane v3, v2;
	_ =	sdelay $0x1  }
0x4e: {  	v3 =	vadd.s32 v1, v3  }
0x4f: {  	[tilespmem:s28], [sflag:$0x1] =	stream.indirect_vreg.gather [hbm4b:s1+s3], $0x80, v4, vm0, $0xb8;
	[tilespmem:$0x10080] =	vst v63  }
0x50: {  	_ = 	snop  }
0x51: {  	[tilespmem:s29], [sflag:$0x1] =	stream.indirect_vreg.gather [hbm4b:s4+s3], $0x80, v4, vm0, $0xb8;
	[tilespmem:$0x10080] =	vst v63  }
0x52: {  	_ = 	snop  }
0x53: {  	[tilespmem:s30], [sflag:$0x1] =	stream.indirect_vreg.gather [hbm4b:s1+s3], $0x80, v3, vm0, $0xb8;
	[tilespmem:$0x10080] =	vst v63  }
0x54: {  	_ = 	snop  }
0x55: {  	[tilespmem:s31], [sflag:$0x1] =	stream.indirect_vreg.gather [hbm4b:s4+s3], $0x80, v3, vm0, $0xb8;
	[tilespmem:$0x10080] =	vst v63  }
0x56: {  	v3 =	vld [tilespmem:$0x40];
	_ =	sdelay $0x4  }
0x57: {  	v52 =	vshll.u32 v3, $0x2  }
0x58: {  	v3 =	vand.u32 $0x7, v3;
	v4 =	vand.u32 $0xFFFFFFE0, v52  }
0x59: {  	v3 =	vor.u32 v3, v4  }
0x5a: {  	v4 =	vperm.xlane v3, v0;
	_ =	sdelay $0x1  }
0x5b: {  	v4 =	vadd.s32 v1, v4;
	_ =	sdelay $0x1  }
0x5c: {  	v3 =	vperm.xlane v3, v2;
	_ =	sdelay $0x1  }
0x5d: {  	s15 =	simm.s32 $0x8080;
	v3 =	vadd.s32 v1, v3  }
0x5e: {  	[tilespmem:s15], [sflag:$0x1] =	stream.indirect_vreg.gather [hbm4b:s1+s3], $0x80, v4, vm0, $0xb8;
	[tilespmem:$0x10080] =	vst v63  }
0x5f: {  	_ = 	snop  }
0x60: {  	[tilespmem:s2], [sflag:$0x1] =	stream.indirect_vreg.gather [hbm4b:s4+s3], $0x80, v4, vm0, $0xb8;
	[tilespmem:$0x10080] =	vst v63  }
0x61: {  	_ = 	snop  }
0x62: {  	[tilespmem:s8], [sflag:$0x1] =	stream.indirect_vreg.gather [hbm4b:s1+s3], $0x80, v3, vm0, $0xb8;
	[tilespmem:$0x10080] =	vst v63  }
0x63: {  	_ = 	snop  }
0x64: {  	[tilespmem:s9], [sflag:$0x1] =	stream.indirect_vreg.gather [hbm4b:s4+s3], $0x80, v3, vm0, $0xb8;
	[tilespmem:$0x10080] =	vst v63  }
0x65: {  	v3 =	vld [tilespmem:$0x50];
	_ =	sdelay $0x4  }
0x66: {  	v53 =	vshll.u32 v3, $0x2  }
0x67: {  	v3 =	vand.u32 $0x7, v3;
	v4 =	vand.u32 $0xFFFFFFE0, v53  }
0x68: {  	v3 =	vor.u32 v3, v4  }
0x69: {  	v4 =	vperm.xlane v3, v0;
	_ =	sdelay $0x1  }
0x6a: {  	v4 =	vadd.s32 v1, v4;
	_ =	sdelay $0x1  }
0x6b: {  	v3 =	vperm.xlane v3, v2;
	_ =	sdelay $0x1  }
0x6c: {  	v3 =	vadd.s32 v1, v3  }
0x6d: {  	[tilespmem:s10], [sflag:$0x1] =	stream.indirect_vreg.gather [hbm4b:s1+s3], $0x80, v4, vm0, $0xb8;
	[tilespmem:$0x10080] =	vst v63  }
0x6e: {  	_ = 	snop  }
0x6f: {  	[tilespmem:s11], [sflag:$0x1] =	stream.indirect_vreg.gather [hbm4b:s4+s3], $0x80, v4, vm0, $0xb8;
	[tilespmem:$0x10080] =	vst v63  }
0x70: {  	_ = 	snop  }
0x71: {  	[tilespmem:s12], [sflag:$0x1] =	stream.indirect_vreg.gather [hbm4b:s1+s3], $0x80, v3, vm0, $0xb8;
	[tilespmem:$0x10080] =	vst v63  }
0x72: {  	_ = 	snop  }
0x73: {  	[tilespmem:s13], [sflag:$0x1] =	stream.indirect_vreg.gather [hbm4b:s4+s3], $0x80, v3, vm0, $0xb8;
	[tilespmem:$0x10080] =	vst v63  }
0x74: {  	v3 =	vld [tilespmem:$0x60];
	_ =	sdelay $0x4  }
0x75: {  	v54 =	vshll.u32 v3, $0x2  }
0x76: {  	v3 =	vand.u32 $0x7, v3;
	v4 =	vand.u32 $0xFFFFFFE0, v54  }
0x77: {  	v3 =	vor.u32 v3, v4  }
0x78: {  	v4 =	vperm.xlane v3, v0;
	_ =	sdelay $0x1  }
0x79: {  	v4 =	vadd.s32 v1, v4;
	_ =	sdelay $0x1  }
0x7a: {  	v3 =	vperm.xlane v3, v2;
	_ =	sdelay $0x1  }
0x7b: {  	v3 =	vadd.s32 v1, v3  }
0x7c: {  	[tilespmem:s7], [sflag:$0x1] =	stream.indirect_vreg.gather [hbm4b:s1+s3], $0x80, v4, vm0, $0xb8;
	[tilespmem:$0x10080] =	vst v63  }
0x7d: {  	s15 =	simm.s32 $0xC880  }
0x7e: {  	[tilespmem:s15], [sflag:$0x1] =	stream.indirect_vreg.gather [hbm4b:s4+s3], $0x80, v4, vm0, $0xb8;
	[tilespmem:$0x10080] =	vst v63  }
0x7f: {  	s15 =	simm.s32 $0xD080  }
0x80: {  	[tilespmem:s15], [sflag:$0x1] =	stream.indirect_vreg.gather [hbm4b:s1+s3], $0x80, v3, vm0, $0xb8;
	[tilespmem:$0x10080] =	vst v63  }
0x81: {  	s15 =	simm.s32 $0xD880  }
0x82: {  	[tilespmem:s15], [sflag:$0x1] =	stream.indirect_vreg.gather [hbm4b:s4+s3], $0x80, v3, vm0, $0xb8;
	[tilespmem:$0x10080] =	vst v63  }
0x83: {  	v3 =	vld [tilespmem:$0x70];
	_ =	sdelay $0x4  }
0x84: {  	v55 =	vshll.u32 v3, $0x2  }
0x85: {  	v3 =	vand.u32 $0x7, v3;
	v4 =	vand.u32 $0xFFFFFFE0, v55  }
0x86: {  	v3 =	vor.u32 v3, v4  }
0x87: {  	v4 =	vperm.xlane v3, v0;
	_ =	sdelay $0x1  }
0x88: {  	v4 =	vadd.s32 v1, v4;
	_ =	sdelay $0x1  }
0x89: {  	v3 =	vperm.xlane v3, v2;
	_ =	sdelay $0x1  }
0x8a: {  	s15 =	simm.s32 $0xE080;
	v3 =	vadd.s32 v1, v3  }
0x8b: {  	[tilespmem:s15], [sflag:$0x1] =	stream.indirect_vreg.gather [hbm4b:s1+s3], $0x80, v4, vm0, $0xb8;
	[tilespmem:$0x10080] =	vst v63  }
0x8c: {  	s15 =	simm.s32 $0xE880  }
0x8d: {  	[tilespmem:s15], [sflag:$0x1] =	stream.indirect_vreg.gather [hbm4b:s4+s3], $0x80, v4, vm0, $0xb8;
	[tilespmem:$0x10080] =	vst v63  }
0x8e: {  	s15 =	simm.s32 $0xF080  }
0x8f: {  	[tilespmem:s15], [sflag:$0x1] =	stream.indirect_vreg.gather [hbm4b:s1+s3], $0x80, v3, vm0, $0xb8;
	[tilespmem:$0x10080] =	vst v63  }
0x90: {  	s15 =	simm.s32 $0xF880  }
0x91: {  	[tilespmem:s15], [sflag:$0x1] =	stream.indirect_vreg.gather [hbm4b:s4+s3], $0x80, v3, vm0, $0xb8;
	[tilespmem:$0x10080] =	vst v63  }
0x92: {  	_ =	swait.ge [sflag:s14], $0x10000  }
0x93: {  	[sflag:s14] =	ssyncset.done $0x0  }
0x94: {  	s0 =	simm.s32 $0x80;
	s15 =	rddreg [dreg:$0x4];
	[sflag:s14] =	ssyncadd.s32 $0xFFFF0000  }
0x95: {  	[hbm4b:s15+s3] =	stream.linear.scatter [tilespmem:s0], [sflag:$0x2], $0x10000, $0x38;
	[tilespmem:$0x10080] =	vst v63  }
0x96: {  	_ =	swait.ge [sflag:s6], $0x10000  }
0x97: {  	[sflag:s6] =	ssyncset.done $0x0  }
0x98: {  	s15 =	rddreg [dreg:$0x5];
	[sflag:s6] =	ssyncadd.s32 $0xFFFF0000  }
0x99: {  	[tilespmem:s3], [sflag:$0x2] =	stream.linear.gather [hbm4b:s15+s3], $0x80, $0x38;
	[tilespmem:$0x10080] =	vst v63  }
0x9a: {  	_ =	swait.ge [sflag:s6], $0x80  }
0x9b: {  	[sflag:s6] =	ssyncset.done $0x0  }
0x9c: {  	[sflag:s6] =	ssyncadd.s32 $0xFFFFFF80  }
0x9d: {  	v3 =	vld [tilespmem:$0x0];
	_ =	sdelay $0x4  }
0x9e: {  	v56 =	vshll.u32 v3, $0x2  }
0x9f: {  	v3 =	vand.u32 $0x7, v3;
	v4 =	vand.u32 $0xFFFFFFE0, v56  }
0xa0: {  	v3 =	vor.u32 v3, v4  }
0xa1: {  	v4 =	vperm.xlane v3, v0;
	_ =	sdelay $0x1  }
0xa2: {  	v4 =	vadd.s32 v1, v4;
	_ =	sdelay $0x1  }
0xa3: {  	v3 =	vperm.xlane v3, v2;
	_ =	sdelay $0x1  }
0xa4: {  	v3 =	vadd.s32 v1, v3  }
0xa5: {  	[tilespmem:s0], [sflag:$0x1] =	stream.indirect_vreg.gather [hbm4b:s1+s3], $0x80, v4, vm0, $0xb8;
	[tilespmem:$0x10080] =	vst v63  }
0xa6: {  	_ = 	snop  }
0xa7: {  	[tilespmem:s16], [sflag:$0x1] =	stream.indirect_vreg.gather [hbm4b:s4+s3], $0x80, v4, vm0, $0xb8;
	[tilespmem:$0x10080] =	vst v63  }
0xa8: {  	_ = 	snop  }
0xa9: {  	[tilespmem:s17], [sflag:$0x1] =	stream.indirect_vreg.gather [hbm4b:s1+s3], $0x80, v3, vm0, $0xb8;
	[tilespmem:$0x10080] =	vst v63  }
0xaa: {  	_ = 	snop  }
0xab: {  	[tilespmem:s18], [sflag:$0x1] =	stream.indirect_vreg.gather [hbm4b:s4+s3], $0x80, v3, vm0, $0xb8;
	[tilespmem:$0x10080] =	vst v63  }
0xac: {  	v3 =	vld [tilespmem:$0x10];
	_ =	sdelay $0x4  }
0xad: {  	v57 =	vshll.u32 v3, $0x2  }
0xae: {  	v3 =	vand.u32 $0x7, v3;
	v4 =	vand.u32 $0xFFFFFFE0, v57  }
0xaf: {  	v3 =	vor.u32 v3, v4  }
0xb0: {  	v4 =	vperm.xlane v3, v0;
	_ =	sdelay $0x1  }
0xb1: {  	v4 =	vadd.s32 v1, v4;
	_ =	sdelay $0x1  }
0xb2: {  	v3 =	vperm.xlane v3, v2;
	_ =	sdelay $0x1  }
0xb3: {  	v3 =	vadd.s32 v1, v3  }
0xb4: {  	[tilespmem:s19], [sflag:$0x1] =	stream.indirect_vreg.gather [hbm4b:s1+s3], $0x80, v4, vm0, $0xb8;
	[tilespmem:$0x10080] =	vst v63  }
0xb5: {  	_ = 	snop  }
0xb6: {  	[tilespmem:s20], [sflag:$0x1] =	stream.indirect_vreg.gather [hbm4b:s4+s3], $0x80, v4, vm0, $0xb8;
	[tilespmem:$0x10080] =	vst v63  }
0xb7: {  	_ = 	snop  }
0xb8: {  	[tilespmem:s21], [sflag:$0x1] =	stream.indirect_vreg.gather [hbm4b:s1+s3], $0x80, v3, vm0, $0xb8;
	[tilespmem:$0x10080] =	vst v63  }
0xb9: {  	_ = 	snop  }
0xba: {  	[tilespmem:s22], [sflag:$0x1] =	stream.indirect_vreg.gather [hbm4b:s4+s3], $0x80, v3, vm0, $0xb8;
	[tilespmem:$0x10080] =	vst v63  }
0xbb: {  	v3 =	vld [tilespmem:$0x20];
	_ =	sdelay $0x4  }
0xbc: {  	v58 =	vshll.u32 v3, $0x2  }
0xbd: {  	v3 =	vand.u32 $0x7, v3;
	v4 =	vand.u32 $0xFFFFFFE0, v58  }
0xbe: {  	v3 =	vor.u32 v3, v4  }
0xbf: {  	v4 =	vperm.xlane v3, v0;
	_ =	sdelay $0x1  }
0xc0: {  	v4 =	vadd.s32 v1, v4;
	_ =	sdelay $0x1  }
0xc1: {  	v3 =	vperm.xlane v3, v2;
	_ =	sdelay $0x1  }
0xc2: {  	v3 =	vadd.s32 v1, v3  }
0xc3: {  	[tilespmem:s23], [sflag:$0x1] =	stream.indirect_vreg.gather [hbm4b:s1+s3], $0x80, v4, vm0, $0xb8;
	[tilespmem:$0x10080] =	vst v63  }
0xc4: {  	_ = 	snop  }
0xc5: {  	[tilespmem:s24], [sflag:$0x1] =	stream.indirect_vreg.gather [hbm4b:s4+s3], $0x80, v4, vm0, $0xb8;
	[tilespmem:$0x10080] =	vst v63  }
0xc6: {  	_ = 	snop  }
0xc7: {  	[tilespmem:s25], [sflag:$0x1] =	stream.indirect_vreg.gather [hbm4b:s1+s3], $0x80, v3, vm0, $0xb8;
	[tilespmem:$0x10080] =	vst v63  }
0xc8: {  	_ = 	snop  }
0xc9: {  	[tilespmem:s26], [sflag:$0x1] =	stream.indirect_vreg.gather [hbm4b:s4+s3], $0x80, v3, vm0, $0xb8;
	[tilespmem:$0x10080] =	vst v63  }
0xca: {  	v3 =	vld [tilespmem:$0x30];
	_ =	sdelay $0x4  }
0xcb: {  	v59 =	vshll.u32 v3, $0x2  }
0xcc: {  	v3 =	vand.u32 $0x7, v3;
	v4 =	vand.u32 $0xFFFFFFE0, v59  }
0xcd: {  	v3 =	vor.u32 v3, v4  }
0xce: {  	v4 =	vperm.xlane v3, v0;
	_ =	sdelay $0x1  }
0xcf: {  	v4 =	vadd.s32 v1, v4;
	_ =	sdelay $0x1  }
0xd0: {  	v3 =	vperm.xlane v3, v2;
	_ =	sdelay $0x1  }
0xd1: {  	v3 =	vadd.s32 v1, v3  }
0xd2: {  	[tilespmem:s28], [sflag:$0x1] =	stream.indirect_vreg.gather [hbm4b:s1+s3], $0x80, v4, vm0, $0xb8;
	[tilespmem:$0x10080] =	vst v63  }
0xd3: {  	_ = 	snop  }
0xd4: {  	[tilespmem:s29], [sflag:$0x1] =	stream.indirect_vreg.gather [hbm4b:s4+s3], $0x80, v4, vm0, $0xb8;
	[tilespmem:$0x10080] =	vst v63  }
0xd5: {  	_ = 	snop  }
0xd6: {  	[tilespmem:s30], [sflag:$0x1] =	stream.indirect_vreg.gather [hbm4b:s1+s3], $0x80, v3, vm0, $0xb8;
	[tilespmem:$0x10080] =	vst v63  }
0xd7: {  	_ = 	snop  }
0xd8: {  	[tilespmem:s31], [sflag:$0x1] =	stream.indirect_vreg.gather [hbm4b:s4+s3], $0x80, v3, vm0, $0xb8;
	[tilespmem:$0x10080] =	vst v63  }
0xd9: {  	v3 =	vld [tilespmem:$0x40];
	_ =	sdelay $0x4  }
0xda: {  	v60 =	vshll.u32 v3, $0x2  }
0xdb: {  	v3 =	vand.u32 $0x7, v3;
	v4 =	vand.u32 $0xFFFFFFE0, v60  }
0xdc: {  	v3 =	vor.u32 v3, v4  }
0xdd: {  	v4 =	vperm.xlane v3, v0;
	_ =	sdelay $0x1  }
0xde: {  	v4 =	vadd.s32 v1, v4;
	_ =	sdelay $0x1  }
0xdf: {  	v3 =	vperm.xlane v3, v2;
	_ =	sdelay $0x1  }
0xe0: {  	s15 =	simm.s32 $0x8080;
	v3 =	vadd.s32 v1, v3  }
0xe1: {  	[tilespmem:s15], [sflag:$0x1] =	stream.indirect_vreg.gather [hbm4b:s1+s3], $0x80, v4, vm0, $0xb8;
	[tilespmem:$0x10080] =	vst v63  }
0xe2: {  	_ = 	snop  }
0xe3: {  	[tilespmem:s2], [sflag:$0x1] =	stream.indirect_vreg.gather [hbm4b:s4+s3], $0x80, v4, vm0, $0xb8;
	[tilespmem:$0x10080] =	vst v63  }
0xe4: {  	_ = 	snop  }
0xe5: {  	[tilespmem:s8], [sflag:$0x1] =	stream.indirect_vreg.gather [hbm4b:s1+s3], $0x80, v3, vm0, $0xb8;
	[tilespmem:$0x10080] =	vst v63  }
0xe6: {  	_ = 	snop  }
0xe7: {  	[tilespmem:s9], [sflag:$0x1] =	stream.indirect_vreg.gather [hbm4b:s4+s3], $0x80, v3, vm0, $0xb8;
	[tilespmem:$0x10080] =	vst v63  }
0xe8: {  	v3 =	vld [tilespmem:$0x50];
	_ =	sdelay $0x4  }
0xe9: {  	v61 =	vshll.u32 v3, $0x2  }
0xea: {  	v3 =	vand.u32 $0x7, v3;
	v4 =	vand.u32 $0xFFFFFFE0, v61  }
0xeb: {  	v3 =	vor.u32 v3, v4  }
0xec: {  	v4 =	vperm.xlane v3, v0;
	_ =	sdelay $0x1  }
0xed: {  	v4 =	vadd.s32 v1, v4;
	_ =	sdelay $0x1  }
0xee: {  	v3 =	vperm.xlane v3, v2;
	_ =	sdelay $0x1  }
0xef: {  	v3 =	vadd.s32 v1, v3  }
0xf0: {  	[tilespmem:s10], [sflag:$0x1] =	stream.indirect_vreg.gather [hbm4b:s1+s3], $0x80, v4, vm0, $0xb8;
	[tilespmem:$0x10080] =	vst v63  }
0xf1: {  	_ = 	snop  }
0xf2: {  	[tilespmem:s11], [sflag:$0x1] =	stream.indirect_vreg.gather [hbm4b:s4+s3], $0x80, v4, vm0, $0xb8;
	[tilespmem:$0x10080] =	vst v63  }
0xf3: {  	_ = 	snop  }
0xf4: {  	[tilespmem:s12], [sflag:$0x1] =	stream.indirect_vreg.gather [hbm4b:s1+s3], $0x80, v3, vm0, $0xb8;
	[tilespmem:$0x10080] =	vst v63  }
0xf5: {  	_ = 	snop  }
0xf6: {  	[tilespmem:s13], [sflag:$0x1] =	stream.indirect_vreg.gather [hbm4b:s4+s3], $0x80, v3, vm0, $0xb8;
	[tilespmem:$0x10080] =	vst v63  }
0xf7: {  	v3 =	vld [tilespmem:$0x60];
	_ =	sdelay $0x4  }
0xf8: {  	v62 =	vshll.u32 v3, $0x2  }
0xf9: {  	v3 =	vand.u32 $0x7, v3;
	v4 =	vand.u32 $0xFFFFFFE0, v62  }
0xfa: {  	v3 =	vor.u32 v3, v4  }
0xfb: {  	v4 =	vperm.xlane v3, v0;
	_ =	sdelay $0x1  }
0xfc: {  	v4 =	vadd.s32 v1, v4;
	_ =	sdelay $0x1  }
0xfd: {  	v3 =	vperm.xlane v3, v2;
	_ =	sdelay $0x1  }
0xfe: {  	v3 =	vadd.s32 v1, v3  }
0xff: {  	[tilespmem:s7], [sflag:$0x1] =	stream.indirect_vreg.gather [hbm4b:s1+s3], $0x80, v4, vm0, $0xb8;
	[tilespmem:$0x10080] =	vst v63  }
0x100: {  	s15 =	simm.s32 $0xC880  }
0x101: {  	[tilespmem:s15], [sflag:$0x1] =	stream.indirect_vreg.gather [hbm4b:s4+s3], $0x80, v4, vm0, $0xb8;
	[tilespmem:$0x10080] =	vst v63  }
0x102: {  	s15 =	simm.s32 $0xD080  }
0x103: {  	[tilespmem:s15], [sflag:$0x1] =	stream.indirect_vreg.gather [hbm4b:s1+s3], $0x80, v3, vm0, $0xb8;
	[tilespmem:$0x10080] =	vst v63  }
0x104: {  	s15 =	simm.s32 $0xD880  }
0x105: {  	[tilespmem:s15], [sflag:$0x1] =	stream.indirect_vreg.gather [hbm4b:s4+s3], $0x80, v3, vm0, $0xb8;
	[tilespmem:$0x10080] =	vst v63  }
0x106: {  	v3 =	vld [tilespmem:$0x70];
	_ =	sdelay $0x4  }
0x107: {  	v63 =	vshll.u32 v3, $0x2  }
0x108: {  	v3 =	vand.u32 $0x7, v3;
	v4 =	vand.u32 $0xFFFFFFE0, v63  }
0x109: {  	v3 =	vor.u32 v3, v4  }
0x10a: {  	v4 =	vperm.xlane v3, v0;
	_ =	sdelay $0x1  }
0x10b: {  	v4 =	vadd.s32 v1, v4;
	_ =	sdelay $0x1  }
0x10c: {  	v3 =	vperm.xlane v3, v2;
	_ =	sdelay $0x1  }
0x10d: {  	s15 =	simm.s32 $0xE080;
	v3 =	vadd.s32 v1, v3  }
0x10e: {  	[tilespmem:s15], [sflag:$0x1] =	stream.indirect_vreg.gather [hbm4b:s1+s3], $0x80, v4, vm0, $0xb8;
	[tilespmem:$0x10080] =	vst v63  }
0x10f: {  	s15 =	simm.s32 $0xE880  }
0x110: {  	[tilespmem:s15], [sflag:$0x1] =	stream.indirect_vreg.gather [hbm4b:s4+s3], $0x80, v4, vm0, $0xb8;
	[tilespmem:$0x10080] =	vst v63  }
0x111: {  	s15 =	simm.s32 $0xF080  }
0x112: {  	[tilespmem:s15], [sflag:$0x1] =	stream.indirect_vreg.gather [hbm4b:s1+s3], $0x80, v3, vm0, $0xb8;
	[tilespmem:$0x10080] =	vst v63  }
0x113: {  	s15 =	simm.s32 $0xF880  }
0x114: {  	[tilespmem:s15], [sflag:$0x1] =	stream.indirect_vreg.gather [hbm4b:s4+s3], $0x80, v3, vm0, $0xb8;
	[tilespmem:$0x10080] =	vst v63  }
0x115: {  	_ =	swait.ge [sflag:s14], $0x10000  }
0x116: {  	p0 =	sne.s32 s5, $0x1;
	s0 =	simm.s32 $0x80;
	[sflag:s14] =	ssyncset.done $0x0  }
.Ltmp0:
0x117: {  	s15 =	rddreg [dreg:$0x6];
	[sflag:s14] =	ssyncadd.s32 $0xFFFF0000;
	(pc) =	sbr.rel @p0 .LBB2_1-.Ltmp0, $4  }
0x118: {  	[hbm4b:s15+s3] =	stream.linear.scatter [tilespmem:s0], [sflag:$0x2], $0x10000, $0x38;
	[tilespmem:$0x10080] =	vst v63  }
0x119: {  	_ =	swait.ge [sflag:s6], $0x10000  }
0x11a: {  	[sflag:s6] =	ssyncset.done $0x0  }
0x11b: {  	s5 =	sadd.s32 $0xFFFFFFFF, s5;
	[sflag:s6] =	ssyncadd.s32 $0xFFFF0000  }
0x11c: {  	_ =	sfence.sel $0x180000  }
0x11d: {  	[bflag:$0x0] =	sbarrier.arrive $0xFFFF  }
0x11e: {  	_ =	strace $0x9000004A  }
0x11f: {  	s0 =	stileid.u32;
	[bflag:$0x2] =	sbarrier.arrive $0xFFFF  }
0x120: {  	p0 =	sne.s32 s0, $0x0;
	s0 =	rddreg [dreg:$0x2]  }
0x121: {  	s0 =	sadd.s32 @!p0 $0x100000, s0  }
0x122: {  	[sflag:s0] =	ssyncadd.tile.s32 @!p0 $0x1;
	_ =	shalt  }
.Lfunc_end2:
_tile_overlayer_lowered:
.L_overlay_start_2:
0x123: {  	(tag) =	ssettag $0x2  }
0x124: {  	s0 =	rddreg [dreg:$0x0];
	s2 =	stileid.u32  }
0x125: {  	s1 =	rddreg [dreg:$0x1];
	p0 =	sne.s32 s2, $0x0  }
0x126: {  	s3 =	rddreg [dreg:$0x2];
	[bflag:$0x3] =	sbarrier.arrive $0xFFFF;
	s2 =	simm.s32 @!p0 $0x1C02  }
0x127: {  	[timem:s3], [sflag:s2] =	dma.local @!p0 [hbm:s0], s1  }
0x128: {  	s0 =	simm.s32 @!p0 $0x2  }
0x129: {  	_ =	swait.ge @!p0 [sflag:s0], s1  }
0x12a: {  	s1 =	ssub.s32 @!p0 $0x0, s1;
	[sflag:s0] =	ssyncset.done @!p0 $0x0  }
0x12b: {  	[sflag:s0] =	ssyncadd.s32 @!p0 s1  }
0x12c: {  	[bflag:$0x3] =	sbarrier.arrive $0xFFFF  }
0x12d: {  	_ =	shalt  }

// kernel: kernel.13.cloned.1.call-start
scs
__scs_entry_jumppad:
0x0: {  	(pc) =	sbr.rel $0x88, $3  }
0x1: {  	(tag) =	ssettag $0x0;
	lr =	simm.s32 $0x1  }
0x2: {  	[smem:$0x3F98] =	sst lr;
	_ =	strace $0xD0000000  }
0x3: {  	_ = 	snop  }
0x4: {  	_ = 	snop  }
0x5: {  	_ = 	snop  }
0x6: {  	_ = 	snop  }
0x7: {  	_ = 	snop  }
__scs_overlays_trampoline_lowered:
0x8: {  	[smem:$0x3FA7] =	sst s0  }
0x9: {  	[smem:$0x3FA8] =	sst s1  }
0xa: {  	[smem:$0x3FA9] =	sst s2  }
0xb: {  	[smem:$0x3FAA] =	sst s3  }
0xc: {  	[smem:$0x3FAB] =	sst s4  }
0xd: {  	[smem:$0x3FAC] =	sst s5  }
0xe: {  	[smem:$0x3FAD] =	sst s6  }
0xf: {  	[smem:$0x3FAE] =	sst s7  }
0x10: {  	[smem:$0x3FAF] =	sst s8  }
0x11: {  	[smem:$0x3FB0] =	sst s9;
	s0 =	simm.s32 @!p0 $0x0  }
0x12: {  	s1 =	sld [smem:$0x3F96];
	s0 =	simm.s32 @p0 $0x1  }
0x13: {  	[smem:$0x3FB1] =	sst s0;
	s0 =	simm.s32 @!p1 $0x0  }
0x14: {  	s2 =	sld [smem:$0x3F95];
	s0 =	simm.s32 @p1 $0x1  }
0x15: {  	[smem:$0x3FB2] =	sst s0;
	s0 =	simm.s32 @!p2 $0x0  }
0x16: {  	s3 =	sld [smem:$0x3FDB];
	s0 =	simm.s32 @p2 $0x1  }
0x17: {  	s4 =	simm.s32 $0x1BF5;
	[smem:$0x3FB4] =	sst s0  }
0x18: {  	s0 =	sld [smem:$0x3F97];
	_ =	swait.ge [sflag:s4], $0x0  }
0x19: {  	s7 =	sld [smem:$0x3F98]  }
0x1a: {  	s8 =	sadd.s32 $0xFFFFE003, lr  }
0x1b: {  	s9 =	sadd.s32 $0xFFFFFEF7, lr;
	s5 =	simm.s32 $0xFFFFFFFF;
	p2 =	slt.u32 s8, $0xFFFFF086  }
0x1c: {  	p1 =	slt.u32 s9, $0xF7A;
	s5 =	simm.s32 @!p2 $0x0  }
0x1d: {  	s5 =	simm.s32 @p1 $0x1;
	p0 =	seq.s32 s7, s2  }
0x1e: {  	s7 =	smul.u32 @!p0 $0xF7A, s2;
	p2 =	seq.s32 @!p0 s5, $0x0  }
0x1f: {  	s9 =	smul.u32 $0xF7A, s1;
	s8 =	simm.s32 @!p0 $0x1BF5;
	p2 =	por !p2, p0  }
0x20: {  	[sflag:s8] =	ssyncset.s32 @!p0 $0xFFFFF086;
	s6 =	sadd.s32 @!p0 s3, s7;
	s7 =	simm.s32 @!p0 $0x108  }
0x21: {  	s3 =	sadd.s32 s3, s9;
	s6 =	sadd.s32 @!p0 $0x88, s6;
	s7 =	simm.s32 @p2 $0x1082  }
0x22: {  	[simem:s7], [sflag:s8] =	dma.local @!p0 [hbm:s6], $0xF7A  }
0x23: {  	s9 =	sor.u32 $0xD0000000, s2;
	s6 =	simm.s32 $0x108;
	_ =	swait.ge @!p0 [sflag:s8], $0x0  }
0x24: {  	s3 =	sadd.s32 $0x88, s3;
	s6 =	simm.s32 @!p1 $0x1082;
	[sflag:s4] =	ssyncset.s32 $0xFFFFF086  }
0x25: {  	[simem:s6], [sflag:s4] =	dma.local [hbm:s3], $0xF7A  }
0x26: {  	[smem:$0x3F98] =	sst s1;
	(tag) =	ssettag s2;
	_ =	strace s9  }
0x27: {  	s1 =	sld [smem:$0x3FA8]  }
0x28: {  	s2 =	sld [smem:$0x3FA9]  }
0x29: {  	s4 =	sld [smem:$0x3FAB]  }
0x2a: {  	p0 =	seq.s32 s5, $0x0;
	s5 =	sld [smem:$0x3FAC]  }
0x2b: {  	s6 =	sld [smem:$0x3FAD]  }
0x2c: {  	s7 =	sld [smem:$0x3FAE]  }
0x2d: {  	s3 =	simm.s32 $0x108;
	s8 =	sld [smem:$0x3FAF]  }
0x2e: {  	s3 =	simm.s32 @!p0 $0x1082;
	s9 =	sld [smem:$0x3FB0]  }
0x2f: {  	lr =	sadd.s32 s0, s3;
	s0 =	sld [smem:$0x3FA7]  }
0x30: {  	s3 =	sld [smem:$0x3FAA]  }
0x31: {  	[smem:$0x3FB3] =	sst s10  }
0x32: {  	s10 =	sld [smem:$0x3FB1];
	_ =	sdelay $0x3  }
0x33: {  	p0 =	seq.s32 s10, $0x1;
	s10 =	sld [smem:$0x3FB3];
	_ =	sdelay $0x3  }
0x34: {  	[smem:$0x3FB3] =	sst s10  }
0x35: {  	s10 =	sld [smem:$0x3FB2];
	_ =	sdelay $0x3  }
0x36: {  	p1 =	seq.s32 s10, $0x1;
	s10 =	sld [smem:$0x3FB3];
	_ =	sdelay $0x3  }
0x37: {  	[smem:$0x3FB3] =	sst s10  }
0x38: {  	s10 =	sld [smem:$0x3FB4]  }
0x39: {  	_ = 	snop;
	(pc) =	sbr.ind lr, $3  }
0x3a: {  	_ = 	snop  }
0x3b: {  	_ = 	snop  }
0x3c: {  	p2 =	seq.s32 s10, $0x1;
	s10 =	sld [smem:$0x3FB3]  }
0x3d: {  	_ =	shalt  }
0x3e: {  	_ =	shalt  }
0x3f: {  	_ =	shalt  }
0x40: {  	_ =	shalt  }
0x41: {  	_ =	shalt  }
0x42: {  	_ =	shalt  }
0x43: {  	_ =	shalt  }
0x44: {  	_ =	shalt  }
0x45: {  	_ =	shalt  }
0x46: {  	_ =	shalt  }
0x47: {  	_ =	shalt  }
0x48: {  	_ =	shalt  }
0x49: {  	_ =	shalt  }
0x4a: {  	_ =	shalt  }
0x4b: {  	_ =	shalt  }
0x4c: {  	_ =	shalt  }
0x4d: {  	_ =	shalt  }
0x4e: {  	_ =	shalt  }
0x4f: {  	_ =	shalt  }
0x50: {  	_ =	shalt  }
0x51: {  	_ =	shalt  }
0x52: {  	_ =	shalt  }
0x53: {  	_ =	shalt  }
0x54: {  	_ =	shalt  }
0x55: {  	_ =	shalt  }
0x56: {  	_ =	shalt  }
0x57: {  	_ =	shalt  }
0x58: {  	_ =	shalt  }
0x59: {  	_ =	shalt  }
0x5a: {  	_ =	shalt  }
0x5b: {  	_ =	shalt  }
0x5c: {  	_ =	shalt  }
0x5d: {  	_ =	shalt  }
0x5e: {  	_ =	shalt  }
0x5f: {  	_ =	shalt  }
0x60: {  	_ =	shalt  }
0x61: {  	_ =	shalt  }
0x62: {  	_ =	shalt  }
0x63: {  	_ =	shalt  }
0x64: {  	_ =	shalt  }
0x65: {  	_ =	shalt  }
0x66: {  	_ =	shalt  }
0x67: {  	_ =	shalt  }
0x68: {  	_ =	shalt  }
0x69: {  	_ =	shalt  }
0x6a: {  	_ =	shalt  }
0x6b: {  	_ =	shalt  }
0x6c: {  	_ =	shalt  }
0x6d: {  	_ =	shalt  }
0x6e: {  	_ =	shalt  }
0x6f: {  	_ =	shalt  }
0x70: {  	_ =	shalt  }
0x71: {  	_ =	shalt  }
0x72: {  	_ =	shalt  }
0x73: {  	_ =	shalt  }
0x74: {  	_ =	shalt  }
0x75: {  	_ =	shalt  }
0x76: {  	_ =	shalt  }
0x77: {  	_ =	shalt  }
0x78: {  	_ =	shalt  }
0x79: {  	_ =	shalt  }
0x7a: {  	_ =	shalt  }
0x7b: {  	_ =	shalt  }
0x7c: {  	_ =	shalt  }
0x7d: {  	_ =	shalt  }
0x7e: {  	_ =	shalt  }
0x7f: {  	_ =	shalt  }
0x80: {  	_ =	shalt  }
0x81: {  	_ =	shalt  }
0x82: {  	_ =	shalt  }
0x83: {  	_ =	shalt  }
0x84: {  	_ =	shalt  }
0x85: {  	_ =	shalt  }
0x86: {  	_ =	shalt  }
0x87: {  	_ =	shalt  }
.Lfunc_end0:
.L_simem_size_0:
called_computation.3_lowered:
.L_overlay_start_0:
0x88: {  	s2 =	sld [smem:$0x3FD9]  }
0x89: {  	s3 =	sld [smem:$0x3FFE];
	_ =	sdelay $0x1  }
0x8a: {  	s1 =	srdreg.scid  }
0x8b: {  	s0 =	sand.u32 $0x1, s1  }
0x8c: {  	s17 =	sshll.u32 s0, $0xA;
	s2 =	sadd.s32 s3, s2  }
0x8d: {  	s2 =	sadd.s32 s2, s17  }
0x8e: {  	[smem:$0x3FBF] =	sst s2  }
0x8f: {  	_ = 	snop  }
0x90: {  	s2 =	sld [smem:$0x3FD0];
	(tm) =	ssettm $0x1  }
0x91: {  	s18 =	sld [smem:$0x3FFB];
	_ =	sdelay $0x3  }
0x92: {  	_ =	strace s18  }
0x93: {  	s3 =	sld [smem:$0x3FFC];
	_ =	sdelay $0x3  }
0x94: {  	_ =	strace s3  }
0x95: {  	s3 =	sld [smem:$0x3FFD];
	_ =	sdelay $0x3  }
0x96: {  	_ =	strace s3  }
0x97: {  	_ =	strace $0x8FFFFFFF  }
0x98: {  	s19 =	sld [smem:$0x3FDB];
	_ =	sdelay $0x1  }
0x99: {  	s4 =	simm.s32 $_scs_section_size  }
0x9a: {  	s5 =	simm.s32 $_size__tile_overlayer_lowered;
	s6 =	simm.s32 $_tile_overlayer_lowered  }
0x9b: {  	s22 =	simm.s32 $0x1BFF;
	s21 =	sshll.u32 s6, $0x1;
	s3 =	sadd.s32 s4, s19  }
0x9c: {  	s7 =	simm.s32 $0x0;
	s20 =	sshll.u32 s5, $0x1;
	s5 =	sadd.s32 s21, s3  }
0x9d: {  	[timem:s7], [sflag:s22] =	dma.local [hbm:s5], s20  }
0x9e: {  	_ =	swait.ge [sflag:s22], s20  }
0x9f: {  	s4 =	ssub.s32 $0x0, s20;
	[sflag:s22] =	ssyncset.done $0x0  }
0xa0: {  	[sflag:s22] =	ssyncadd.s32 s4;
	_ =	sdelay $0x1  }
0xa1: {  	s23 =	simm.s32 $0x1B8B  }
0xa2: {  	_ =	swait.ge [sflag:s23], $0x1  }
0xa3: {  	[sflag:s23] =	ssyncset.done $0x0  }
0xa4: {  	s25 =	simm.s32 $0x1B8E;
	s24 =	sld [smem:$0x3FFE];
	[sflag:s23] =	ssyncadd.s32 $0xFFFFFFFF  }
0xa5: {  	s26 =	simm.s32 $execute0_lowered;
	[smem:$0x3FD2] =	sst s25  }
0xa6: {  	s5 =	sshll.u32 s26, $0x1;
	_ =	strace $0x8000004F;
	[dreg:$0x1] =	wrdreg $0xFFFFFFFF  }
0xa7: {  	s28 =	simm.s32 $_size_execute0_lowered;
	s3 =	sadd.s32 s3, s5;
	[dreg:$0x0] =	wrdreg $0x0  }
0xa8: {  	s5 =	sshll.u32 s28, $0x1;
	[dreg:$0x2] =	wrdreg s3  }
0xa9: {  	[dreg:$0x3] =	wrdreg s5  }
0xaa: {  	[dreg:$0x4] =	wrdreg $0xC0  }
0xab: {  	_ =	task [dreg:s7], $0x5FFFF  }
0xac: {  	[dreg:$0x1] =	wrdreg $0xFFFFFFFF  }
0xad: {  	[dreg:$0x0] =	wrdreg $0x60  }
0xae: {  	[dreg:$0x2] =	wrdreg s24  }
0xaf: {  	[dreg:$0x3] =	wrdreg s2  }
0xb0: {  	[dreg:$0x4] =	wrdreg $0x9  }
0xb1: {  	_ =	task.clear_ibuf [dreg:s7], $0x5FFFF;
	_ =	strace $0x9000004F  }
0xb2: {  	s29 =	simm.s32 $0x9;
	_ =	strace $0x80000051  }
0xb3: {  	_ =	swait.ge [sflag:s29], $0x1  }
0xb4: {  	[sflag:s29] =	ssyncadd.s32 $0xFFFFFFFF  }
0xb5: {  	_ =	strace $0x90000051  }
0xb6: {  	_ =	sfence  }
0xb7: {  	s30 =	sld [smem:$0x0];
	_ =	sdelay $0x2  }
0xb8: {  	s31 =	sshll.u32 s1, $0xD;
	s1 =	sshrl.u32 s1, $0x2  }
0xb9: {  	s3 =	sand.u32 $0x4000, s31;
	s1 =	sadd.s32 s1, s30  }
0xba: {  	s0 =	sor.u32 s3, s0;
	s1 =	sshll.u32 s1, $0x11  }
0xbb: {  	s0 =	sor.u32 s1, s0  }
0xbc: {  	s0 =	sadd.s32 $0x8F2B, s0  }
0xbd: {  	[sflag:s0] =	ssyncadd.remote.s32 $0x1  }
0xbe: {  	_ =	sfence.sel $0xFFFF  }
0xbf: {  	[dreg:$0x0] =	wrdreg $0xFFFFFFFF;
	(pc) =	sbr.abs _section_cstart, $3  }
0xc0: {  	[dreg:$0x1] =	wrdreg $0xFFFFFFFF  }
0xc1: {  	_ =	task.clear_ibuf [dreg:s7], $0x2FFFF;
	_ =	strace $0x9FFFFFFF  }
0xc2: {  	(tm) =	ssettm $0x7FFFFFFF  }
0xc3: {  	_ =	shalt  }
tec
execute0_lowered:
.L_overlay_start_1:
0x0: {  	(tag) =	ssettag $0x1  }
0x1: {  	s0 =	rddreg [dreg:$0x0]  }
0x2: {  	s2 =	rddreg [dreg:$0x1];
	s1 =	simm.s32 $0x0  }
0x3: {  	s3 =	srdreg.scid;
	s6 =	stileid.u32;
	s28 =	simm.s32 $0xE880  }
0x4: {  	s29 =	simm.s32 $0xF080;
	s30 =	simm.s32 $0xF880;
	s31 =	simm.s32 $0x0  }
0x5: {  	[smem:$0x7FF] =	sst s1;
	s5 =	sadd.s32 $0x3600, s0;
	s8 =	sadd.s32 $0x3800, s0  }
0x6: {  	s3 =	sand.u32 $0x1, s3;
	s6 =	sshll.u32 s6, $0x8;
	_ =	strace $0x80000050  }
0x7: {  	s4 =	ssub.s32 $0x2, s3;
	s7 =	sshll.u32 s3, $0x7;
	s3 =	sadd.s32 $0x284200, s0  }
0x8: {  	s9 =	sshrl.u32 s4, $0x1;
	s10 =	sor.u32 s7, s6;
	s6 =	sadd.s32 $0x284400, s0  }
0x9: {  	s7 =	sadd.s32 $0x284500, s0;
	s9 =	ssub.s32 s4, s9;
	s11 =	sshrl.u32 s10, $0x3  }
0xa: {  	s4 =	sadd.s32 $0x284300, s0;
	s16 =	sshll.u32 s10, $0x7;
	s17 =	sor.u32 $0x20, s10  }
0xb: {  	s12 =	sor.u32 $0x40, s10;
	s10 =	sor.u32 $0x60, s10;
	s14 =	sadd.s32 s5, s11  }
0xc: {  	s15 =	sadd.s32 s8, s11;
	s0 =	sadd.s32 s2, s16;
	s18 =	sshrl.u32 s17, $0x3  }
0xd: {  	s11 =	sshll.u32 s17, $0x7;
	s19 =	sshrl.u32 s12, $0x3;
	[dreg:$0x3] =	wrdreg s14  }
0xe: {  	s23 =	sshll.u32 s12, $0x7;
	s24 =	sshrl.u32 s10, $0x3;
	[dreg:$0x4] =	wrdreg s15  }
0xf: {  	s10 =	sshll.u32 s10, $0x7;
	s26 =	smax.u32 s9, $0x1;
	[dreg:$0x5] =	wrdreg s0  }
0x10: {  	s16 =	simm.s32 $0xA080;
	s13 =	sadd.s32 s5, s18;
	[dreg:$0xf] =	wrdreg s26  }
0x11: {  	s17 =	simm.s32 $0xA880;
	s0 =	sadd.s32 s8, s18;
	[dreg:$0x6] =	wrdreg s13  }
0x12: {  	s20 =	sadd.s32 s2, s11;
	s21 =	sadd.s32 s5, s19;
	[dreg:$0x7] =	wrdreg s0  }
0x13: {  	s22 =	sadd.s32 s8, s19;
	s5 =	sadd.s32 s5, s24;
	[dreg:$0x8] =	wrdreg s20  }
0x14: {  	s25 =	sadd.s32 s2, s10;
	s11 =	simm.s32 $0x1;
	[dreg:$0x9] =	wrdreg s21  }
0x15: {  	s14 =	simm.s32 $0x9080;
	s15 =	simm.s32 $0x9880;
	[dreg:$0xa] =	wrdreg s22  }
0x16: {  	s18 =	simm.s32 $0xB080;
	s19 =	simm.s32 $0xB880;
	[dreg:$0xc] =	wrdreg s5  }
0x17: {  	s26 =	simm.s32 $0xE080;
	s0 =	sadd.s32 s2, s23;
	[dreg:$0xe] =	wrdreg s25  }
0x18: {  	v2 =	vlaneseq.u32;
	s20 =	simm.s32 $0x2;
	s21 =	simm.s32 $0x80;
	s22 =	simm.s32 $0xC080  }
0x19: {  	vm0 =	vmmov $0xffff;
	v1 =	vshrl.u32 v2, $0x3;
	s23 =	simm.s32 $0xC880;
	[dreg:$0xb] =	wrdreg s0;
	s0 =	sadd.s32 s8, s24  }
0x1a: {  	v0 =	vand.u32 $0x7, v2;
	v2 =	vor.u32 $0x8, v2;
	v1 =	vmul.u32 $0x8, v1;
	s25 =	simm.s32 $0xD880;
	s24 =	simm.s32 $0xD080;
	[dreg:$0xd] =	wrdreg s0  }
.LBB2_1:
0x1b: {  	s0 =	rddreg [dreg:$0x3]  }
0x1c: {  	[tilespmem:s1], [sflag:$0x2] =	stream.linear.gather [hbm4b:s0+s1], $0x20, $0x38;
	[tilespmem:$0x10080] =	vst v63  }
0x1d: {  	_ =	swait.ge [sflag:s20], $0x20  }
0x1e: {  	[sflag:s20] =	ssyncset.done $0x0  }
0x1f: {  	[sflag:s20] =	ssyncadd.s32 $0xFFFFFFE0  }
0x20: {  	v3 =	vld [tilespmem:$0x0];
	_ =	sdelay $0x4  }
0x21: {  	v4 =	vshll.u32 v3, $0x3  }
0x22: {  	v3 =	vand.u32 $0x7, v3;
	v4 =	vand.u32 $0xFFFFFFC0, v4  }
0x23: {  	v3 =	vor.u32 v3, v4  }
0x24: {  	v4 =	vperm.xlane v3, v0;
	_ =	sdelay $0x1  }
0x25: {  	v4 =	vadd.s32 v1, v4;
	_ =	sdelay $0x4  }
0x26: {  	[tilespmem:s21], [sflag:$0x1] =	stream.indirect_vreg.gather [hbm4b:s3+s1], $0x80, v4, vm0, $0xb8;
	[tilespmem:$0x10080] =	vst v63  }
0x27: {  	s9 =	simm.s32 $0x880;
	v3 =	vperm.xlane v3, v2  }
0x28: {  	[tilespmem:s9], [sflag:$0x1] =	stream.indirect_vreg.gather [hbm4b:s4+s1], $0x80, v4, vm0, $0xb8;
	[tilespmem:$0x10080] =	vst v63  }
0x29: {  	s10 =	simm.s32 $0x1080;
	v3 =	vadd.s32 v1, v3  }
0x2a: {  	[tilespmem:s10], [sflag:$0x1] =	stream.indirect_vreg.gather [hbm4b:s6+s1], $0x80, v4, vm0, $0xb8;
	[tilespmem:$0x10080] =	vst v63  }
0x2b: {  	s12 =	simm.s32 $0x1880  }
0x2c: {  	[tilespmem:s12], [sflag:$0x1] =	stream.indirect_vreg.gather [hbm4b:s7+s1], $0x80, v4, vm0, $0xb8;
	[tilespmem:$0x10080] =	vst v63  }
0x2d: {  	s13 =	simm.s32 $0x2080  }
0x2e: {  	[tilespmem:s13], [sflag:$0x1] =	stream.indirect_vreg.gather [hbm4b:s3+s1], $0x80, v3, vm0, $0xb8;
	[tilespmem:$0x10080] =	vst v63  }
0x2f: {  	s2 =	simm.s32 $0x2880  }
0x30: {  	[tilespmem:s2], [sflag:$0x1] =	stream.indirect_vreg.gather [hbm4b:s4+s1], $0x80, v3, vm0, $0xb8;
	[tilespmem:$0x10080] =	vst v63  }
0x31: {  	s5 =	simm.s32 $0x3080  }
0x32: {  	[tilespmem:s5], [sflag:$0x1] =	stream.indirect_vreg.gather [hbm4b:s6+s1], $0x80, v3, vm0, $0xb8;
	[tilespmem:$0x10080] =	vst v63  }
0x33: {  	s8 =	simm.s32 $0x3880  }
0x34: {  	[tilespmem:s8], [sflag:$0x1] =	stream.indirect_vreg.gather [hbm4b:s7+s1], $0x80, v3, vm0, $0xb8;
	[tilespmem:$0x10080] =	vst v63  }
0x35: {  	v3 =	vld [tilespmem:$0x10];
	_ =	sdelay $0x4  }
0x36: {  	v61 =	vshll.u32 v3, $0x3  }
0x37: {  	v3 =	vand.u32 $0x7, v3;
	v4 =	vand.u32 $0xFFFFFFC0, v61  }
0x38: {  	v3 =	vor.u32 v3, v4  }
0x39: {  	v4 =	vperm.xlane v3, v0;
	_ =	sdelay $0x1  }
0x3a: {  	v4 =	vadd.s32 v1, v4;
	_ =	sdelay $0x3  }
0x3b: {  	s9 =	simm.s32 $0x4080  }
0x3c: {  	[tilespmem:s9], [sflag:$0x1] =	stream.indirect_vreg.gather [hbm4b:s3+s1], $0x80, v4, vm0, $0xb8;
	[tilespmem:$0x10080] =	vst v63  }
0x3d: {  	s10 =	simm.s32 $0x4880;
	v3 =	vperm.xlane v3, v2  }
0x3e: {  	[tilespmem:s10], [sflag:$0x1] =	stream.indirect_vreg.gather [hbm4b:s4+s1], $0x80, v4, vm0, $0xb8;
	[tilespmem:$0x10080] =	vst v63  }
0x3f: {  	s12 =	simm.s32 $0x5080;
	v3 =	vadd.s32 v1, v3  }
0x40: {  	[tilespmem:s12], [sflag:$0x1] =	stream.indirect_vreg.gather [hbm4b:s6+s1], $0x80, v4, vm0, $0xb8;
	[tilespmem:$0x10080] =	vst v63  }
0x41: {  	s13 =	simm.s32 $0x5880  }
0x42: {  	[tilespmem:s13], [sflag:$0x1] =	stream.indirect_vreg.gather [hbm4b:s7+s1], $0x80, v4, vm0, $0xb8;
	[tilespmem:$0x10080] =	vst v63  }
0x43: {  	s2 =	simm.s32 $0x6080  }
0x44: {  	[tilespmem:s2], [sflag:$0x1] =	stream.indirect_vreg.gather [hbm4b:s3+s1], $0x80, v3, vm0, $0xb8;
	[tilespmem:$0x10080] =	vst v63  }
0x45: {  	s5 =	simm.s32 $0x6880  }
0x46: {  	[tilespmem:s5], [sflag:$0x1] =	stream.indirect_vreg.gather [hbm4b:s4+s1], $0x80, v3, vm0, $0xb8;
	[tilespmem:$0x10080] =	vst v63  }
0x47: {  	s8 =	simm.s32 $0x7080  }
0x48: {  	[tilespmem:s8], [sflag:$0x1] =	stream.indirect_vreg.gather [hbm4b:s6+s1], $0x80, v3, vm0, $0xb8;
	[tilespmem:$0x10080] =	vst v63  }
0x49: {  	s9 =	simm.s32 $0x7880  }
0x4a: {  	[tilespmem:s9], [sflag:$0x1] =	stream.indirect_vreg.gather [hbm4b:s7+s1], $0x80, v3, vm0, $0xb8;
	[tilespmem:$0x10080] =	vst v63  }
0x4b: {  	_ =	swait.ge [sflag:s11], $0x8000  }
0x4c: {  	[sflag:s11] =	ssyncset.done $0x0  }
0x4d: {  	s10 =	rddreg [dreg:$0x4];
	[sflag:s11] =	ssyncadd.s32 $0xFFFF8000  }
0x4e: {  	[tilespmem:s1], [sflag:$0x2] =	stream.linear.gather [hbm4b:s10+s1], $0x20, $0x38;
	[tilespmem:$0x10080] =	vst v63  }
0x4f: {  	_ =	swait.ge [sflag:s20], $0x20  }
0x50: {  	[sflag:s20] =	ssyncset.done $0x0  }
0x51: {  	[sflag:s20] =	ssyncadd.s32 $0xFFFFFFE0  }
0x52: {  	v3 =	vld [tilespmem:$0x0];
	_ =	sdelay $0x4  }
0x53: {  	v62 =	vshll.u32 v3, $0x3  }
0x54: {  	v3 =	vand.u32 $0x7, v3;
	v4 =	vand.u32 $0xFFFFFFC0, v62  }
0x55: {  	v3 =	vor.u32 v3, v4  }
0x56: {  	v4 =	vperm.xlane v3, v0;
	_ =	sdelay $0x1  }
0x57: {  	v4 =	vadd.s32 v1, v4;
	_ =	sdelay $0x3  }
0x58: {  	s12 =	simm.s32 $0x8080  }
0x59: {  	[tilespmem:s12], [sflag:$0x1] =	stream.indirect_vreg.gather [hbm4b:s3+s1], $0x80, v4, vm0, $0xb8;
	[tilespmem:$0x10080] =	vst v63  }
0x5a: {  	s13 =	simm.s32 $0x8880;
	v3 =	vperm.xlane v3, v2  }
0x5b: {  	[tilespmem:s13], [sflag:$0x1] =	stream.indirect_vreg.gather [hbm4b:s4+s1], $0x80, v4, vm0, $0xb8;
	[tilespmem:$0x10080] =	vst v63  }
0x5c: {  	v3 =	vadd.s32 v1, v3  }
0x5d: {  	[tilespmem:s14], [sflag:$0x1] =	stream.indirect_vreg.gather [hbm4b:s6+s1], $0x80, v4, vm0, $0xb8;
	[tilespmem:$0x10080] =	vst v63  }
0x5e: {  	_ = 	snop  }
0x5f: {  	[tilespmem:s15], [sflag:$0x1] =	stream.indirect_vreg.gather [hbm4b:s7+s1], $0x80, v4, vm0, $0xb8;
	[tilespmem:$0x10080] =	vst v63  }
0x60: {  	_ = 	snop  }
0x61: {  	[tilespmem:s16], [sflag:$0x1] =	stream.indirect_vreg.gather [hbm4b:s3+s1], $0x80, v3, vm0, $0xb8;
	[tilespmem:$0x10080] =	vst v63  }
0x62: {  	_ = 	snop  }
0x63: {  	[tilespmem:s17], [sflag:$0x1] =	stream.indirect_vreg.gather [hbm4b:s4+s1], $0x80, v3, vm0, $0xb8;
	[tilespmem:$0x10080] =	vst v63  }
0x64: {  	_ = 	snop  }
0x65: {  	[tilespmem:s18], [sflag:$0x1] =	stream.indirect_vreg.gather [hbm4b:s6+s1], $0x80, v3, vm0, $0xb8;
	[tilespmem:$0x10080] =	vst v63  }
0x66: {  	_ = 	snop  }
0x67: {  	[tilespmem:s19], [sflag:$0x1] =	stream.indirect_vreg.gather [hbm4b:s7+s1], $0x80, v3, vm0, $0xb8;
	[tilespmem:$0x10080] =	vst v63  }
0x68: {  	v3 =	vld [tilespmem:$0x10];
	_ =	sdelay $0x4  }
0x69: {  	v63 =	vshll.u32 v3, $0x3  }
0x6a: {  	v3 =	vand.u32 $0x7, v3;
	v4 =	vand.u32 $0xFFFFFFC0, v63  }
0x6b: {  	v3 =	vor.u32 v3, v4  }
0x6c: {  	v4 =	vperm.xlane v3, v0;
	_ =	sdelay $0x1  }
0x6d: {  	v4 =	vadd.s32 v1, v4;
	_ =	sdelay $0x4  }
0x6e: {  	[tilespmem:s22], [sflag:$0x1] =	stream.indirect_vreg.gather [hbm4b:s3+s1], $0x80, v4, vm0, $0xb8;
	[tilespmem:$0x10080] =	vst v63  }
0x6f: {  	v3 =	vperm.xlane v3, v2  }
0x70: {  	[tilespmem:s23], [sflag:$0x1] =	stream.indirect_vreg.gather [hbm4b:s4+s1], $0x80, v4, vm0, $0xb8;
	[tilespmem:$0x10080] =	vst v63  }
0x71: {  	v3 =	vadd.s32 v1, v3  }
0x72: {  	[tilespmem:s24], [sflag:$0x1] =	stream.indirect_vreg.gather [hbm4b:s6+s1], $0x80, v4, vm0, $0xb8;
	[tilespmem:$0x10080] =	vst v63  }
0x73: {  	_ = 	snop  }
0x74: {  	[tilespmem:s25], [sflag:$0x1] =	stream.indirect_vreg.gather [hbm4b:s7+s1], $0x80, v4, vm0, $0xb8;
	[tilespmem:$0x10080] =	vst v63  }
0x75: {  	_ = 	snop  }
0x76: {  	[tilespmem:s26], [sflag:$0x1] =	stream.indirect_vreg.gather [hbm4b:s3+s1], $0x80, v3, vm0, $0xb8;
	[tilespmem:$0x10080] =	vst v63  }
0x77: {  	_ = 	snop  }
0x78: {  	[tilespmem:s28], [sflag:$0x1] =	stream.indirect_vreg.gather [hbm4b:s4+s1], $0x80, v3, vm0, $0xb8;
	[tilespmem:$0x10080] =	vst v63  }
0x79: {  	_ = 	snop  }
0x7a: {  	[tilespmem:s29], [sflag:$0x1] =	stream.indirect_vreg.gather [hbm4b:s6+s1], $0x80, v3, vm0, $0xb8;
	[tilespmem:$0x10080] =	vst v63  }
0x7b: {  	_ = 	snop  }
0x7c: {  	[tilespmem:s30], [sflag:$0x1] =	stream.indirect_vreg.gather [hbm4b:s7+s1], $0x80, v3, vm0, $0xb8;
	[tilespmem:$0x10080] =	vst v63  }
0x7d: {  	_ =	swait.ge [sflag:s11], $0x8000  }
0x7e: {  	[sflag:s11] =	ssyncset.done $0x0  }
0x7f: {  	s0 =	simm.s32 $0x0;
	[sflag:s11] =	ssyncadd.s32 $0xFFFF8000  }
.LBB2_2:
0x80: {  	s2 =	sshll.u32 s0, $0xA;
	s5 =	sshll.u32 s0, $0x7  }
0x81: {  	s8 =	simm.s32 $0x0;
	s2 =	sand.u32 $0x6000, s2;
	s5 =	sand.u32 $0x380, s5  }
0x82: {  	s13 =	sand.u32 $0x1C00, s8;
	s2 =	sor.u32 s2, s5  }
0x83: {  	s8 =	sand.u32 $0x70, s8;
	s5 =	sor.u32 s13, s2  }
0x84: {  	s5 =	sor.u32 s8, s5  }
0x85: {  	v3 =	vld [tilespmem:s5+$0x8080]  }
0x86: {  	v4 =	vld [tilespmem:s5+$0x80];
	_ =	sdelay $0x2  }
0x87: {  	s8 =	simm.s32 $0x80  }
0x88: {  	s9 =	simm.s32 $0x10;
	s12 =	sand.u32 $0x1C00, s8  }
0x89: {  	s10 =	sand.u32 $0x70, s9;
	s9 =	simm.s32 $0x20;
	s12 =	sor.u32 s12, s2;
	v3 =	vadd.f32 v3, v4  }
.LBB2_3:
0x8a: {  	p0 =	sne.s32 s9, $0x3F0;
	s10 =	sor.u32 s10, s12  }
0x8b: {  	v4 =	vld [tilespmem:s10+$0x8080];
	[tilespmem:s5+$0x80] =	vst v3;
	s5 =	smov.u32 s10  }
0x8c: {  	v3 =	vld [tilespmem:s5+$0x80]  }
.Ltmp0:
0x8d: {  	(pc) =	sbr.rel @p0 .LBB2_3-.Ltmp0, $4  }
0x8e: {  	_ = 	snop  }
0x8f: {  	s8 =	sadd.s32 $0x80, s8  }
0x90: {  	s12 =	sand.u32 $0x1C00, s8  }
0x91: {  	s10 =	sand.u32 $0x70, s9;
	s9 =	sadd.s32 $0x10, s9;
	s12 =	sor.u32 s12, s2;
	v3 =	vadd.f32 v4, v3  }
0x92: {  	s2 =	sor.u32 s10, s12  }
0x93: {  	v4 =	vld [tilespmem:s2+$0x8080];
	[tilespmem:s5+$0x80] =	vst v3  }
0x94: {  	v3 =	vld [tilespmem:s2+$0x80]  }
0x95: {  	s0 =	sadd.s32 $0x1, s0  }
0x96: {  	p0 =	sne.s32 s0, $0x20  }
.Ltmp1:
0x97: {  	_ = 	snop;
	(pc) =	sbr.rel @p0 .LBB2_2-.Ltmp1, $3  }
0x98: {  	_ = 	snop  }
0x99: {  	v3 =	vadd.f32 v4, v3;
	_ =	sdelay $0x1  }
0x9a: {  	[tilespmem:s2+$0x80] =	vst v3  }
0x9b: {  	s0 =	simm.s32 $0x0;
	s2 =	rddreg [dreg:$0x5]  }
0x9c: {  	[hbm4b:s2+s0] =	stream.linear.scatter [tilespmem:s21], [sflag:$0x2], $0x8000, $0x38;
	[tilespmem:$0x10080] =	vst v63  }
0x9d: {  	_ =	swait.ge [sflag:s20], $0x8000  }
0x9e: {  	[sflag:s20] =	ssyncset.done $0x0  }
0x9f: {  	s13 =	rddreg [dreg:$0x6];
	[sflag:s20] =	ssyncadd.s32 $0xFFFF8000  }
0xa0: {  	[tilespmem:s0], [sflag:$0x2] =	stream.linear.gather [hbm4b:s13+s0], $0x20, $0x38;
	[tilespmem:$0x10080] =	vst v63  }
0xa1: {  	_ =	swait.ge [sflag:s20], $0x20  }
0xa2: {  	[sflag:s20] =	ssyncset.done $0x0  }
0xa3: {  	[sflag:s20] =	ssyncadd.s32 $0xFFFFFFE0  }
0xa4: {  	v3 =	vld [tilespmem:$0x0];
	_ =	sdelay $0x4  }
0xa5: {  	v4 =	vshll.u32 v3, $0x3  }
0xa6: {  	v3 =	vand.u32 $0x7, v3;
	v4 =	vand.u32 $0xFFFFFFC0, v4  }
0xa7: {  	v3 =	vor.u32 v3, v4  }
0xa8: {  	v4 =	vperm.xlane v3, v0;
	_ =	sdelay $0x1  }
0xa9: {  	v4 =	vadd.s32 v1, v4;
	_ =	sdelay $0x4  }
0xaa: {  	[tilespmem:s21], [sflag:$0x1] =	stream.indirect_vreg.gather [hbm4b:s3+s0], $0x80, v4, vm0, $0xb8;
	[tilespmem:$0x10080] =	vst v63  }
0xab: {  	s5 =	simm.s32 $0x880;
	v3 =	vperm.xlane v3, v2  }
0xac: {  	[tilespmem:s5], [sflag:$0x1] =	stream.indirect_vreg.gather [hbm4b:s4+s0], $0x80, v4, vm0, $0xb8;
	[tilespmem:$0x10080] =	vst v63  }
0xad: {  	s8 =	simm.s32 $0x1080;
	v3 =	vadd.s32 v1, v3  }
0xae: {  	[tilespmem:s8], [sflag:$0x1] =	stream.indirect_vreg.gather [hbm4b:s6+s0], $0x80, v4, vm0, $0xb8;
	[tilespmem:$0x10080] =	vst v63  }
0xaf: {  	s9 =	simm.s32 $0x1880  }
0xb0: {  	[tilespmem:s9], [sflag:$0x1] =	stream.indirect_vreg.gather [hbm4b:s7+s0], $0x80, v4, vm0, $0xb8;
	[tilespmem:$0x10080] =	vst v63  }
0xb1: {  	s10 =	simm.s32 $0x2080  }
0xb2: {  	[tilespmem:s10], [sflag:$0x1] =	stream.indirect_vreg.gather [hbm4b:s3+s0], $0x80, v3, vm0, $0xb8;
	[tilespmem:$0x10080] =	vst v63  }
0xb3: {  	s12 =	simm.s32 $0x2880  }
0xb4: {  	[tilespmem:s12], [sflag:$0x1] =	stream.indirect_vreg.gather [hbm4b:s4+s0], $0x80, v3, vm0, $0xb8;
	[tilespmem:$0x10080] =	vst v63  }
0xb5: {  	s13 =	simm.s32 $0x3080  }
0xb6: {  	[tilespmem:s13], [sflag:$0x1] =	stream.indirect_vreg.gather [hbm4b:s6+s0], $0x80, v3, vm0, $0xb8;
	[tilespmem:$0x10080] =	vst v63  }
0xb7: {  	s5 =	simm.s32 $0x3880  }
0xb8: {  	[tilespmem:s5], [sflag:$0x1] =	stream.indirect_vreg.gather [hbm4b:s7+s0], $0x80, v3, vm0, $0xb8;
	[tilespmem:$0x10080] =	vst v63  }
0xb9: {  	v3 =	vld [tilespmem:$0x10];
	_ =	sdelay $0x4  }
0xba: {  	v61 =	vshll.u32 v3, $0x3  }
0xbb: {  	v3 =	vand.u32 $0x7, v3;
	v4 =	vand.u32 $0xFFFFFFC0, v61  }
0xbc: {  	v3 =	vor.u32 v3, v4  }
0xbd: {  	v4 =	vperm.xlane v3, v0;
	_ =	sdelay $0x1  }
0xbe: {  	v4 =	vadd.s32 v1, v4;
	_ =	sdelay $0x3  }
0xbf: {  	s8 =	simm.s32 $0x4080  }
0xc0: {  	[tilespmem:s8], [sflag:$0x1] =	stream.indirect_vreg.gather [hbm4b:s3+s0], $0x80, v4, vm0, $0xb8;
	[tilespmem:$0x10080] =	vst v63  }
0xc1: {  	s9 =	simm.s32 $0x4880;
	v3 =	vperm.xlane v3, v2  }
0xc2: {  	[tilespmem:s9], [sflag:$0x1] =	stream.indirect_vreg.gather [hbm4b:s4+s0], $0x80, v4, vm0, $0xb8;
	[tilespmem:$0x10080] =	vst v63  }
0xc3: {  	s10 =	simm.s32 $0x5080;
	v3 =	vadd.s32 v1, v3  }
0xc4: {  	[tilespmem:s10], [sflag:$0x1] =	stream.indirect_vreg.gather [hbm4b:s6+s0], $0x80, v4, vm0, $0xb8;
	[tilespmem:$0x10080] =	vst v63  }
0xc5: {  	s12 =	simm.s32 $0x5880  }
0xc6: {  	[tilespmem:s12], [sflag:$0x1] =	stream.indirect_vreg.gather [hbm4b:s7+s0], $0x80, v4, vm0, $0xb8;
	[tilespmem:$0x10080] =	vst v63  }
0xc7: {  	s13 =	simm.s32 $0x6080  }
0xc8: {  	[tilespmem:s13], [sflag:$0x1] =	stream.indirect_vreg.gather [hbm4b:s3+s0], $0x80, v3, vm0, $0xb8;
	[tilespmem:$0x10080] =	vst v63  }
0xc9: {  	s5 =	simm.s32 $0x6880  }
0xca: {  	[tilespmem:s5], [sflag:$0x1] =	stream.indirect_vreg.gather [hbm4b:s4+s0], $0x80, v3, vm0, $0xb8;
	[tilespmem:$0x10080] =	vst v63  }
0xcb: {  	s8 =	simm.s32 $0x7080  }
0xcc: {  	[tilespmem:s8], [sflag:$0x1] =	stream.indirect_vreg.gather [hbm4b:s6+s0], $0x80, v3, vm0, $0xb8;
	[tilespmem:$0x10080] =	vst v63  }
0xcd: {  	s9 =	simm.s32 $0x7880  }
0xce: {  	[tilespmem:s9], [sflag:$0x1] =	stream.indirect_vreg.gather [hbm4b:s7+s0], $0x80, v3, vm0, $0xb8;
	[tilespmem:$0x10080] =	vst v63  }
0xcf: {  	_ =	swait.ge [sflag:s11], $0x8000  }
0xd0: {  	[sflag:s11] =	ssyncset.done $0x0  }
0xd1: {  	s10 =	rddreg [dreg:$0x7];
	[sflag:s11] =	ssyncadd.s32 $0xFFFF8000  }
0xd2: {  	[tilespmem:s0], [sflag:$0x2] =	stream.linear.gather [hbm4b:s10+s0], $0x20, $0x38;
	[tilespmem:$0x10080] =	vst v63  }
0xd3: {  	_ =	swait.ge [sflag:s20], $0x20  }
0xd4: {  	[sflag:s20] =	ssyncset.done $0x0  }
0xd5: {  	[sflag:s20] =	ssyncadd.s32 $0xFFFFFFE0  }
0xd6: {  	v3 =	vld [tilespmem:$0x0];
	_ =	sdelay $0x4  }
0xd7: {  	v62 =	vshll.u32 v3, $0x3  }
0xd8: {  	v3 =	vand.u32 $0x7, v3;
	v4 =	vand.u32 $0xFFFFFFC0, v62  }
0xd9: {  	v3 =	vor.u32 v3, v4  }
0xda: {  	v4 =	vperm.xlane v3, v0;
	_ =	sdelay $0x1  }
0xdb: {  	v4 =	vadd.s32 v1, v4;
	_ =	sdelay $0x3  }
0xdc: {  	s12 =	simm.s32 $0x8080  }
0xdd: {  	[tilespmem:s12], [sflag:$0x1] =	stream.indirect_vreg.gather [hbm4b:s3+s0], $0x80, v4, vm0, $0xb8;
	[tilespmem:$0x10080] =	vst v63  }
0xde: {  	s13 =	simm.s32 $0x8880;
	v3 =	vperm.xlane v3, v2  }
0xdf: {  	[tilespmem:s13], [sflag:$0x1] =	stream.indirect_vreg.gather [hbm4b:s4+s0], $0x80, v4, vm0, $0xb8;
	[tilespmem:$0x10080] =	vst v63  }
0xe0: {  	v3 =	vadd.s32 v1, v3  }
0xe1: {  	[tilespmem:s14], [sflag:$0x1] =	stream.indirect_vreg.gather [hbm4b:s6+s0], $0x80, v4, vm0, $0xb8;
	[tilespmem:$0x10080] =	vst v63  }
0xe2: {  	_ = 	snop  }
0xe3: {  	[tilespmem:s15], [sflag:$0x1] =	stream.indirect_vreg.gather [hbm4b:s7+s0], $0x80, v4, vm0, $0xb8;
	[tilespmem:$0x10080] =	vst v63  }
0xe4: {  	_ = 	snop  }
0xe5: {  	[tilespmem:s16], [sflag:$0x1] =	stream.indirect_vreg.gather [hbm4b:s3+s0], $0x80, v3, vm0, $0xb8;
	[tilespmem:$0x10080] =	vst v63  }
0xe6: {  	_ = 	snop  }
0xe7: {  	[tilespmem:s17], [sflag:$0x1] =	stream.indirect_vreg.gather [hbm4b:s4+s0], $0x80, v3, vm0, $0xb8;
	[tilespmem:$0x10080] =	vst v63  }
0xe8: {  	_ = 	snop  }
0xe9: {  	[tilespmem:s18], [sflag:$0x1] =	stream.indirect_vreg.gather [hbm4b:s6+s0], $0x80, v3, vm0, $0xb8;
	[tilespmem:$0x10080] =	vst v63  }
0xea: {  	_ = 	snop  }
0xeb: {  	[tilespmem:s19], [sflag:$0x1] =	stream.indirect_vreg.gather [hbm4b:s7+s0], $0x80, v3, vm0, $0xb8;
	[tilespmem:$0x10080] =	vst v63  }
0xec: {  	v3 =	vld [tilespmem:$0x10];
	_ =	sdelay $0x4  }
0xed: {  	v63 =	vshll.u32 v3, $0x3  }
0xee: {  	v3 =	vand.u32 $0x7, v3;
	v4 =	vand.u32 $0xFFFFFFC0, v63  }
0xef: {  	v3 =	vor.u32 v3, v4  }
0xf0: {  	v4 =	vperm.xlane v3, v0;
	_ =	sdelay $0x1  }
0xf1: {  	v4 =	vadd.s32 v1, v4;
	_ =	sdelay $0x4  }
0xf2: {  	[tilespmem:s22], [sflag:$0x1] =	stream.indirect_vreg.gather [hbm4b:s3+s0], $0x80, v4, vm0, $0xb8;
	[tilespmem:$0x10080] =	vst v63  }
0xf3: {  	v3 =	vperm.xlane v3, v2  }
0xf4: {  	[tilespmem:s23], [sflag:$0x1] =	stream.indirect_vreg.gather [hbm4b:s4+s0], $0x80, v4, vm0, $0xb8;
	[tilespmem:$0x10080] =	vst v63  }
0xf5: {  	v3 =	vadd.s32 v1, v3  }
0xf6: {  	[tilespmem:s24], [sflag:$0x1] =	stream.indirect_vreg.gather [hbm4b:s6+s0], $0x80, v4, vm0, $0xb8;
	[tilespmem:$0x10080] =	vst v63  }
0xf7: {  	_ = 	snop  }
0xf8: {  	[tilespmem:s25], [sflag:$0x1] =	stream.indirect_vreg.gather [hbm4b:s7+s0], $0x80, v4, vm0, $0xb8;
	[tilespmem:$0x10080] =	vst v63  }
0xf9: {  	_ = 	snop  }
0xfa: {  	[tilespmem:s26], [sflag:$0x1] =	stream.indirect_vreg.gather [hbm4b:s3+s0], $0x80, v3, vm0, $0xb8;
	[tilespmem:$0x10080] =	vst v63  }
0xfb: {  	_ = 	snop  }
0xfc: {  	[tilespmem:s28], [sflag:$0x1] =	stream.indirect_vreg.gather [hbm4b:s4+s0], $0x80, v3, vm0, $0xb8;
	[tilespmem:$0x10080] =	vst v63  }
0xfd: {  	_ = 	snop  }
0xfe: {  	[tilespmem:s29], [sflag:$0x1] =	stream.indirect_vreg.gather [hbm4b:s6+s0], $0x80, v3, vm0, $0xb8;
	[tilespmem:$0x10080] =	vst v63  }
0xff: {  	_ = 	snop  }
0x100: {  	[tilespmem:s30], [sflag:$0x1] =	stream.indirect_vreg.gather [hbm4b:s7+s0], $0x80, v3, vm0, $0xb8;
	[tilespmem:$0x10080] =	vst v63  }
0x101: {  	_ =	swait.ge [sflag:s11], $0x8000  }
0x102: {  	[sflag:s11] =	ssyncset.done $0x0  }
0x103: {  	s2 =	simm.s32 $0x0;
	[sflag:s11] =	ssyncadd.s32 $0xFFFF8000  }
.LBB2_6:
0x104: {  	s5 =	sshll.u32 s2, $0xA;
	s8 =	sshll.u32 s2, $0x7  }
0x105: {  	s5 =	sand.u32 $0x6000, s5;
	s8 =	sand.u32 $0x380, s8  }
0x106: {  	s13 =	sand.u32 $0x1C00, s0;
	s5 =	sor.u32 s5, s8  }
0x107: {  	s9 =	sand.u32 $0x70, s0;
	s8 =	sor.u32 s13, s5  }
0x108: {  	s8 =	sor.u32 s9, s8  }
0x109: {  	v3 =	vld [tilespmem:s8+$0x8080]  }
0x10a: {  	v4 =	vld [tilespmem:s8+$0x80];
	_ =	sdelay $0x2  }
0x10b: {  	s9 =	simm.s32 $0x80  }
0x10c: {  	s10 =	simm.s32 $0x10;
	s13 =	sand.u32 $0x1C00, s9  }
0x10d: {  	s12 =	sand.u32 $0x70, s10;
	s10 =	simm.s32 $0x20;
	s13 =	sor.u32 s13, s5;
	v3 =	vadd.f32 v3, v4  }
.LBB2_7:
0x10e: {  	p0 =	sne.s32 s10, $0x3F0;
	s12 =	sor.u32 s12, s13  }
0x10f: {  	v4 =	vld [tilespmem:s12+$0x8080];
	[tilespmem:s8+$0x80] =	vst v3;
	s8 =	smov.u32 s12  }
0x110: {  	v3 =	vld [tilespmem:s8+$0x80]  }
.Ltmp2:
0x111: {  	(pc) =	sbr.rel @p0 .LBB2_7-.Ltmp2, $4  }
0x112: {  	_ = 	snop  }
0x113: {  	s9 =	sadd.s32 $0x80, s9  }
0x114: {  	s13 =	sand.u32 $0x1C00, s9  }
0x115: {  	s12 =	sand.u32 $0x70, s10;
	s10 =	sadd.s32 $0x10, s10;
	s13 =	sor.u32 s13, s5;
	v3 =	vadd.f32 v4, v3  }
0x116: {  	s5 =	sor.u32 s12, s13  }
0x117: {  	v4 =	vld [tilespmem:s5+$0x8080];
	[tilespmem:s8+$0x80] =	vst v3  }
0x118: {  	v3 =	vld [tilespmem:s5+$0x80]  }
0x119: {  	s2 =	sadd.s32 $0x1, s2  }
0x11a: {  	p0 =	sne.s32 s2, $0x20  }
.Ltmp3:
0x11b: {  	_ = 	snop;
	(pc) =	sbr.rel @p0 .LBB2_6-.Ltmp3, $3  }
0x11c: {  	_ = 	snop  }
0x11d: {  	v3 =	vadd.f32 v4, v3;
	_ =	sdelay $0x1  }
0x11e: {  	[tilespmem:s5+$0x80] =	vst v3  }
0x11f: {  	s0 =	simm.s32 $0x0;
	s2 =	rddreg [dreg:$0x8]  }
0x120: {  	[hbm4b:s2+s0] =	stream.linear.scatter [tilespmem:s21], [sflag:$0x2], $0x8000, $0x38;
	[tilespmem:$0x10080] =	vst v63  }
0x121: {  	_ =	swait.ge [sflag:s20], $0x8000  }
0x122: {  	[sflag:s20] =	ssyncset.done $0x0  }
0x123: {  	s13 =	rddreg [dreg:$0x9];
	[sflag:s20] =	ssyncadd.s32 $0xFFFF8000  }
0x124: {  	[tilespmem:s0], [sflag:$0x2] =	stream.linear.gather [hbm4b:s13+s0], $0x20, $0x38;
	[tilespmem:$0x10080] =	vst v63  }
0x125: {  	_ =	swait.ge [sflag:s20], $0x20  }
0x126: {  	[sflag:s20] =	ssyncset.done $0x0  }
0x127: {  	[sflag:s20] =	ssyncadd.s32 $0xFFFFFFE0  }
0x128: {  	v3 =	vld [tilespmem:$0x0];
	_ =	sdelay $0x4  }
0x129: {  	v4 =	vshll.u32 v3, $0x3  }
0x12a: {  	v3 =	vand.u32 $0x7, v3;
	v4 =	vand.u32 $0xFFFFFFC0, v4  }
0x12b: {  	v3 =	vor.u32 v3, v4  }
0x12c: {  	v4 =	vperm.xlane v3, v0;
	_ =	sdelay $0x1  }
0x12d: {  	v4 =	vadd.s32 v1, v4;
	_ =	sdelay $0x4  }
0x12e: {  	[tilespmem:s21], [sflag:$0x1] =	stream.indirect_vreg.gather [hbm4b:s3+s0], $0x80, v4, vm0, $0xb8;
	[tilespmem:$0x10080] =	vst v63  }
0x12f: {  	s5 =	simm.s32 $0x880;
	v3 =	vperm.xlane v3, v2  }
0x130: {  	[tilespmem:s5], [sflag:$0x1] =	stream.indirect_vreg.gather [hbm4b:s4+s0], $0x80, v4, vm0, $0xb8;
	[tilespmem:$0x10080] =	vst v63  }
0x131: {  	s8 =	simm.s32 $0x1080;
	v3 =	vadd.s32 v1, v3  }
0x132: {  	[tilespmem:s8], [sflag:$0x1] =	stream.indirect_vreg.gather [hbm4b:s6+s0], $0x80, v4, vm0, $0xb8;
	[tilespmem:$0x10080] =	vst v63  }
0x133: {  	s9 =	simm.s32 $0x1880  }
0x134: {  	[tilespmem:s9], [sflag:$0x1] =	stream.indirect_vreg.gather [hbm4b:s7+s0], $0x80, v4, vm0, $0xb8;
	[tilespmem:$0x10080] =	vst v63  }
0x135: {  	s10 =	simm.s32 $0x2080  }
0x136: {  	[tilespmem:s10], [sflag:$0x1] =	stream.indirect_vreg.gather [hbm4b:s3+s0], $0x80, v3, vm0, $0xb8;
	[tilespmem:$0x10080] =	vst v63  }
0x137: {  	s12 =	simm.s32 $0x2880  }
0x138: {  	[tilespmem:s12], [sflag:$0x1] =	stream.indirect_vreg.gather [hbm4b:s4+s0], $0x80, v3, vm0, $0xb8;
	[tilespmem:$0x10080] =	vst v63  }
0x139: {  	s13 =	simm.s32 $0x3080  }
0x13a: {  	[tilespmem:s13], [sflag:$0x1] =	stream.indirect_vreg.gather [hbm4b:s6+s0], $0x80, v3, vm0, $0xb8;
	[tilespmem:$0x10080] =	vst v63  }
0x13b: {  	s5 =	simm.s32 $0x3880  }
0x13c: {  	[tilespmem:s5], [sflag:$0x1] =	stream.indirect_vreg.gather [hbm4b:s7+s0], $0x80, v3, vm0, $0xb8;
	[tilespmem:$0x10080] =	vst v63  }
0x13d: {  	v3 =	vld [tilespmem:$0x10];
	_ =	sdelay $0x4  }
0x13e: {  	v61 =	vshll.u32 v3, $0x3  }
0x13f: {  	v3 =	vand.u32 $0x7, v3;
	v4 =	vand.u32 $0xFFFFFFC0, v61  }
0x140: {  	v3 =	vor.u32 v3, v4  }
0x141: {  	v4 =	vperm.xlane v3, v0;
	_ =	sdelay $0x1  }
0x142: {  	v4 =	vadd.s32 v1, v4;
	_ =	sdelay $0x3  }
0x143: {  	s8 =	simm.s32 $0x4080  }
0x144: {  	[tilespmem:s8], [sflag:$0x1] =	stream.indirect_vreg.gather [hbm4b:s3+s0], $0x80, v4, vm0, $0xb8;
	[tilespmem:$0x10080] =	vst v63  }
0x145: {  	s9 =	simm.s32 $0x4880;
	v3 =	vperm.xlane v3, v2  }
0x146: {  	[tilespmem:s9], [sflag:$0x1] =	stream.indirect_vreg.gather [hbm4b:s4+s0], $0x80, v4, vm0, $0xb8;
	[tilespmem:$0x10080] =	vst v63  }
0x147: {  	s10 =	simm.s32 $0x5080;
	v3 =	vadd.s32 v1, v3  }
0x148: {  	[tilespmem:s10], [sflag:$0x1] =	stream.indirect_vreg.gather [hbm4b:s6+s0], $0x80, v4, vm0, $0xb8;
	[tilespmem:$0x10080] =	vst v63  }
0x149: {  	s12 =	simm.s32 $0x5880  }
0x14a: {  	[tilespmem:s12], [sflag:$0x1] =	stream.indirect_vreg.gather [hbm4b:s7+s0], $0x80, v4, vm0, $0xb8;
	[tilespmem:$0x10080] =	vst v63  }
0x14b: {  	s13 =	simm.s32 $0x6080  }
0x14c: {  	[tilespmem:s13], [sflag:$0x1] =	stream.indirect_vreg.gather [hbm4b:s3+s0], $0x80, v3, vm0, $0xb8;
	[tilespmem:$0x10080] =	vst v63  }
0x14d: {  	s5 =	simm.s32 $0x6880  }
0x14e: {  	[tilespmem:s5], [sflag:$0x1] =	stream.indirect_vreg.gather [hbm4b:s4+s0], $0x80, v3, vm0, $0xb8;
	[tilespmem:$0x10080] =	vst v63  }
0x14f: {  	s8 =	simm.s32 $0x7080  }
0x150: {  	[tilespmem:s8], [sflag:$0x1] =	stream.indirect_vreg.gather [hbm4b:s6+s0], $0x80, v3, vm0, $0xb8;
	[tilespmem:$0x10080] =	vst v63  }
0x151: {  	s9 =	simm.s32 $0x7880  }
0x152: {  	[tilespmem:s9], [sflag:$0x1] =	stream.indirect_vreg.gather [hbm4b:s7+s0], $0x80, v3, vm0, $0xb8;
	[tilespmem:$0x10080] =	vst v63  }
0x153: {  	_ =	swait.ge [sflag:s11], $0x8000  }
0x154: {  	[sflag:s11] =	ssyncset.done $0x0  }
0x155: {  	s10 =	rddreg [dreg:$0xa];
	[sflag:s11] =	ssyncadd.s32 $0xFFFF8000  }
0x156: {  	[tilespmem:s0], [sflag:$0x2] =	stream.linear.gather [hbm4b:s10+s0], $0x20, $0x38;
	[tilespmem:$0x10080] =	vst v63  }
0x157: {  	_ =	swait.ge [sflag:s20], $0x20  }
0x158: {  	[sflag:s20] =	ssyncset.done $0x0  }
0x159: {  	[sflag:s20] =	ssyncadd.s32 $0xFFFFFFE0  }
0x15a: {  	v3 =	vld [tilespmem:$0x0];
	_ =	sdelay $0x4  }
0x15b: {  	v62 =	vshll.u32 v3, $0x3  }
0x15c: {  	v3 =	vand.u32 $0x7, v3;
	v4 =	vand.u32 $0xFFFFFFC0, v62  }
0x15d: {  	v3 =	vor.u32 v3, v4  }
0x15e: {  	v4 =	vperm.xlane v3, v0;
	_ =	sdelay $0x1  }
0x15f: {  	v4 =	vadd.s32 v1, v4;
	_ =	sdelay $0x3  }
0x160: {  	s12 =	simm.s32 $0x8080  }
0x161: {  	[tilespmem:s12], [sflag:$0x1] =	stream.indirect_vreg.gather [hbm4b:s3+s0], $0x80, v4, vm0, $0xb8;
	[tilespmem:$0x10080] =	vst v63  }
0x162: {  	s13 =	simm.s32 $0x8880;
	v3 =	vperm.xlane v3, v2  }
0x163: {  	[tilespmem:s13], [sflag:$0x1] =	stream.indirect_vreg.gather [hbm4b:s4+s0], $0x80, v4, vm0, $0xb8;
	[tilespmem:$0x10080] =	vst v63  }
0x164: {  	v3 =	vadd.s32 v1, v3  }
0x165: {  	[tilespmem:s14], [sflag:$0x1] =	stream.indirect_vreg.gather [hbm4b:s6+s0], $0x80, v4, vm0, $0xb8;
	[tilespmem:$0x10080] =	vst v63  }
0x166: {  	_ = 	snop  }
0x167: {  	[tilespmem:s15], [sflag:$0x1] =	stream.indirect_vreg.gather [hbm4b:s7+s0], $0x80, v4, vm0, $0xb8;
	[tilespmem:$0x10080] =	vst v63  }
0x168: {  	_ = 	snop  }
0x169: {  	[tilespmem:s16], [sflag:$0x1] =	stream.indirect_vreg.gather [hbm4b:s3+s0], $0x80, v3, vm0, $0xb8;
	[tilespmem:$0x10080] =	vst v63  }
0x16a: {  	_ = 	snop  }
0x16b: {  	[tilespmem:s17], [sflag:$0x1] =	stream.indirect_vreg.gather [hbm4b:s4+s0], $0x80, v3, vm0, $0xb8;
	[tilespmem:$0x10080] =	vst v63  }
0x16c: {  	_ = 	snop  }
0x16d: {  	[tilespmem:s18], [sflag:$0x1] =	stream.indirect_vreg.gather [hbm4b:s6+s0], $0x80, v3, vm0, $0xb8;
	[tilespmem:$0x10080] =	vst v63  }
0x16e: {  	_ = 	snop  }
0x16f: {  	[tilespmem:s19], [sflag:$0x1] =	stream.indirect_vreg.gather [hbm4b:s7+s0], $0x80, v3, vm0, $0xb8;
	[tilespmem:$0x10080] =	vst v63  }
0x170: {  	v3 =	vld [tilespmem:$0x10];
	_ =	sdelay $0x4  }
0x171: {  	v63 =	vshll.u32 v3, $0x3  }
0x172: {  	v3 =	vand.u32 $0x7, v3;
	v4 =	vand.u32 $0xFFFFFFC0, v63  }
0x173: {  	v3 =	vor.u32 v3, v4  }
0x174: {  	v4 =	vperm.xlane v3, v0;
	_ =	sdelay $0x1  }
0x175: {  	v4 =	vadd.s32 v1, v4;
	_ =	sdelay $0x4  }
0x176: {  	[tilespmem:s22], [sflag:$0x1] =	stream.indirect_vreg.gather [hbm4b:s3+s0], $0x80, v4, vm0, $0xb8;
	[tilespmem:$0x10080] =	vst v63  }
0x177: {  	v3 =	vperm.xlane v3, v2  }
0x178: {  	[tilespmem:s23], [sflag:$0x1] =	stream.indirect_vreg.gather [hbm4b:s4+s0], $0x80, v4, vm0, $0xb8;
	[tilespmem:$0x10080] =	vst v63  }
0x179: {  	v3 =	vadd.s32 v1, v3  }
0x17a: {  	[tilespmem:s24], [sflag:$0x1] =	stream.indirect_vreg.gather [hbm4b:s6+s0], $0x80, v4, vm0, $0xb8;
	[tilespmem:$0x10080] =	vst v63  }
0x17b: {  	_ = 	snop  }
0x17c: {  	[tilespmem:s25], [sflag:$0x1] =	stream.indirect_vreg.gather [hbm4b:s7+s0], $0x80, v4, vm0, $0xb8;
	[tilespmem:$0x10080] =	vst v63  }
0x17d: {  	_ = 	snop  }
0x17e: {  	[tilespmem:s26], [sflag:$0x1] =	stream.indirect_vreg.gather [hbm4b:s3+s0], $0x80, v3, vm0, $0xb8;
	[tilespmem:$0x10080] =	vst v63  }
0x17f: {  	_ = 	snop  }
0x180: {  	[tilespmem:s28], [sflag:$0x1] =	stream.indirect_vreg.gather [hbm4b:s4+s0], $0x80, v3, vm0, $0xb8;
	[tilespmem:$0x10080] =	vst v63  }
0x181: {  	_ = 	snop  }
0x182: {  	[tilespmem:s29], [sflag:$0x1] =	stream.indirect_vreg.gather [hbm4b:s6+s0], $0x80, v3, vm0, $0xb8;
	[tilespmem:$0x10080] =	vst v63  }
0x183: {  	_ = 	snop  }
0x184: {  	[tilespmem:s30], [sflag:$0x1] =	stream.indirect_vreg.gather [hbm4b:s7+s0], $0x80, v3, vm0, $0xb8;
	[tilespmem:$0x10080] =	vst v63  }
0x185: {  	_ =	swait.ge [sflag:s11], $0x8000  }
0x186: {  	[sflag:s11] =	ssyncset.done $0x0  }
0x187: {  	s2 =	simm.s32 $0x0;
	[sflag:s11] =	ssyncadd.s32 $0xFFFF8000  }
.LBB2_10:
0x188: {  	s5 =	sshll.u32 s2, $0xA;
	s8 =	sshll.u32 s2, $0x7  }
0x189: {  	s5 =	sand.u32 $0x6000, s5;
	s8 =	sand.u32 $0x380, s8  }
0x18a: {  	s13 =	sand.u32 $0x1C00, s0;
	s5 =	sor.u32 s5, s8  }
0x18b: {  	s9 =	sand.u32 $0x70, s0;
	s8 =	sor.u32 s13, s5  }
0x18c: {  	s8 =	sor.u32 s9, s8  }
0x18d: {  	v3 =	vld [tilespmem:s8+$0x8080]  }
0x18e: {  	v4 =	vld [tilespmem:s8+$0x80];
	_ =	sdelay $0x2  }
0x18f: {  	s9 =	simm.s32 $0x80  }
0x190: {  	s10 =	simm.s32 $0x10;
	s13 =	sand.u32 $0x1C00, s9  }
0x191: {  	s12 =	sand.u32 $0x70, s10;
	s10 =	simm.s32 $0x20;
	s13 =	sor.u32 s13, s5;
	v3 =	vadd.f32 v3, v4  }
.LBB2_11:
0x192: {  	p0 =	sne.s32 s10, $0x3F0;
	s12 =	sor.u32 s12, s13  }
0x193: {  	v4 =	vld [tilespmem:s12+$0x8080];
	[tilespmem:s8+$0x80] =	vst v3;
	s8 =	smov.u32 s12  }
0x194: {  	v3 =	vld [tilespmem:s8+$0x80]  }
.Ltmp4:
0x195: {  	(pc) =	sbr.rel @p0 .LBB2_11-.Ltmp4, $4  }
0x196: {  	_ = 	snop  }
0x197: {  	s9 =	sadd.s32 $0x80, s9  }
0x198: {  	s13 =	sand.u32 $0x1C00, s9  }
0x199: {  	s12 =	sand.u32 $0x70, s10;
	s10 =	sadd.s32 $0x10, s10;
	s13 =	sor.u32 s13, s5;
	v3 =	vadd.f32 v4, v3  }
0x19a: {  	s5 =	sor.u32 s12, s13  }
0x19b: {  	v4 =	vld [tilespmem:s5+$0x8080];
	[tilespmem:s8+$0x80] =	vst v3  }
0x19c: {  	v3 =	vld [tilespmem:s5+$0x80]  }
0x19d: {  	s2 =	sadd.s32 $0x1, s2  }
0x19e: {  	p0 =	sne.s32 s2, $0x20  }
.Ltmp5:
0x19f: {  	_ = 	snop;
	(pc) =	sbr.rel @p0 .LBB2_10-.Ltmp5, $3  }
0x1a0: {  	_ = 	snop  }
0x1a1: {  	v3 =	vadd.f32 v4, v3;
	_ =	sdelay $0x1  }
0x1a2: {  	[tilespmem:s5+$0x80] =	vst v3  }
0x1a3: {  	s0 =	simm.s32 $0x0;
	s2 =	rddreg [dreg:$0xb]  }
0x1a4: {  	[hbm4b:s2+s0] =	stream.linear.scatter [tilespmem:s21], [sflag:$0x2], $0x8000, $0x38;
	[tilespmem:$0x10080] =	vst v63  }
0x1a5: {  	_ =	swait.ge [sflag:s20], $0x8000  }
0x1a6: {  	[sflag:s20] =	ssyncset.done $0x0  }
0x1a7: {  	s13 =	rddreg [dreg:$0xc];
	[sflag:s20] =	ssyncadd.s32 $0xFFFF8000  }
0x1a8: {  	[tilespmem:s0], [sflag:$0x2] =	stream.linear.gather [hbm4b:s13+s0], $0x20, $0x38;
	[tilespmem:$0x10080] =	vst v63  }
0x1a9: {  	_ =	swait.ge [sflag:s20], $0x20  }
0x1aa: {  	[sflag:s20] =	ssyncset.done $0x0  }
0x1ab: {  	[sflag:s20] =	ssyncadd.s32 $0xFFFFFFE0  }
0x1ac: {  	v3 =	vld [tilespmem:$0x0];
	_ =	sdelay $0x4  }
0x1ad: {  	v4 =	vshll.u32 v3, $0x3  }
0x1ae: {  	v3 =	vand.u32 $0x7, v3;
	v4 =	vand.u32 $0xFFFFFFC0, v4  }
0x1af: {  	v3 =	vor.u32 v3, v4  }
0x1b0: {  	v4 =	vperm.xlane v3, v0;
	_ =	sdelay $0x1  }
0x1b1: {  	v4 =	vadd.s32 v1, v4;
	_ =	sdelay $0x4  }
0x1b2: {  	[tilespmem:s21], [sflag:$0x1] =	stream.indirect_vreg.gather [hbm4b:s3+s0], $0x80, v4, vm0, $0xb8;
	[tilespmem:$0x10080] =	vst v63  }
0x1b3: {  	s5 =	simm.s32 $0x880;
	v3 =	vperm.xlane v3, v2  }
0x1b4: {  	[tilespmem:s5], [sflag:$0x1] =	stream.indirect_vreg.gather [hbm4b:s4+s0], $0x80, v4, vm0, $0xb8;
	[tilespmem:$0x10080] =	vst v63  }
0x1b5: {  	s8 =	simm.s32 $0x1080;
	v3 =	vadd.s32 v1, v3  }
0x1b6: {  	[tilespmem:s8], [sflag:$0x1] =	stream.indirect_vreg.gather [hbm4b:s6+s0], $0x80, v4, vm0, $0xb8;
	[tilespmem:$0x10080] =	vst v63  }
0x1b7: {  	s9 =	simm.s32 $0x1880  }
0x1b8: {  	[tilespmem:s9], [sflag:$0x1] =	stream.indirect_vreg.gather [hbm4b:s7+s0], $0x80, v4, vm0, $0xb8;
	[tilespmem:$0x10080] =	vst v63  }
0x1b9: {  	s10 =	simm.s32 $0x2080  }
0x1ba: {  	[tilespmem:s10], [sflag:$0x1] =	stream.indirect_vreg.gather [hbm4b:s3+s0], $0x80, v3, vm0, $0xb8;
	[tilespmem:$0x10080] =	vst v63  }
0x1bb: {  	s12 =	simm.s32 $0x2880  }
0x1bc: {  	[tilespmem:s12], [sflag:$0x1] =	stream.indirect_vreg.gather [hbm4b:s4+s0], $0x80, v3, vm0, $0xb8;
	[tilespmem:$0x10080] =	vst v63  }
0x1bd: {  	s13 =	simm.s32 $0x3080  }
0x1be: {  	[tilespmem:s13], [sflag:$0x1] =	stream.indirect_vreg.gather [hbm4b:s6+s0], $0x80, v3, vm0, $0xb8;
	[tilespmem:$0x10080] =	vst v63  }
0x1bf: {  	s5 =	simm.s32 $0x3880  }
0x1c0: {  	[tilespmem:s5], [sflag:$0x1] =	stream.indirect_vreg.gather [hbm4b:s7+s0], $0x80, v3, vm0, $0xb8;
	[tilespmem:$0x10080] =	vst v63  }
0x1c1: {  	v3 =	vld [tilespmem:$0x10];
	_ =	sdelay $0x4  }
0x1c2: {  	v61 =	vshll.u32 v3, $0x3  }
0x1c3: {  	v3 =	vand.u32 $0x7, v3;
	v4 =	vand.u32 $0xFFFFFFC0, v61  }
0x1c4: {  	v3 =	vor.u32 v3, v4  }
0x1c5: {  	v4 =	vperm.xlane v3, v0;
	_ =	sdelay $0x1  }
0x1c6: {  	v4 =	vadd.s32 v1, v4;
	_ =	sdelay $0x3  }
0x1c7: {  	s8 =	simm.s32 $0x4080  }
0x1c8: {  	[tilespmem:s8], [sflag:$0x1] =	stream.indirect_vreg.gather [hbm4b:s3+s0], $0x80, v4, vm0, $0xb8;
	[tilespmem:$0x10080] =	vst v63  }
0x1c9: {  	s9 =	simm.s32 $0x4880;
	v3 =	vperm.xlane v3, v2  }
0x1ca: {  	[tilespmem:s9], [sflag:$0x1] =	stream.indirect_vreg.gather [hbm4b:s4+s0], $0x80, v4, vm0, $0xb8;
	[tilespmem:$0x10080] =	vst v63  }
0x1cb: {  	s10 =	simm.s32 $0x5080;
	v3 =	vadd.s32 v1, v3  }
0x1cc: {  	[tilespmem:s10], [sflag:$0x1] =	stream.indirect_vreg.gather [hbm4b:s6+s0], $0x80, v4, vm0, $0xb8;
	[tilespmem:$0x10080] =	vst v63  }
0x1cd: {  	s12 =	simm.s32 $0x5880  }
0x1ce: {  	[tilespmem:s12], [sflag:$0x1] =	stream.indirect_vreg.gather [hbm4b:s7+s0], $0x80, v4, vm0, $0xb8;
	[tilespmem:$0x10080] =	vst v63  }
0x1cf: {  	s13 =	simm.s32 $0x6080  }
0x1d0: {  	[tilespmem:s13], [sflag:$0x1] =	stream.indirect_vreg.gather [hbm4b:s3+s0], $0x80, v3, vm0, $0xb8;
	[tilespmem:$0x10080] =	vst v63  }
0x1d1: {  	s5 =	simm.s32 $0x6880  }
0x1d2: {  	[tilespmem:s5], [sflag:$0x1] =	stream.indirect_vreg.gather [hbm4b:s4+s0], $0x80, v3, vm0, $0xb8;
	[tilespmem:$0x10080] =	vst v63  }
0x1d3: {  	s8 =	simm.s32 $0x7080  }
0x1d4: {  	[tilespmem:s8], [sflag:$0x1] =	stream.indirect_vreg.gather [hbm4b:s6+s0], $0x80, v3, vm0, $0xb8;
	[tilespmem:$0x10080] =	vst v63  }
0x1d5: {  	s9 =	simm.s32 $0x7880  }
0x1d6: {  	[tilespmem:s9], [sflag:$0x1] =	stream.indirect_vreg.gather [hbm4b:s7+s0], $0x80, v3, vm0, $0xb8;
	[tilespmem:$0x10080] =	vst v63  }
0x1d7: {  	_ =	swait.ge [sflag:s11], $0x8000  }
0x1d8: {  	[sflag:s11] =	ssyncset.done $0x0  }
0x1d9: {  	s10 =	rddreg [dreg:$0xd];
	[sflag:s11] =	ssyncadd.s32 $0xFFFF8000  }
0x1da: {  	[tilespmem:s0], [sflag:$0x2] =	stream.linear.gather [hbm4b:s10+s0], $0x20, $0x38;
	[tilespmem:$0x10080] =	vst v63  }
0x1db: {  	_ =	swait.ge [sflag:s20], $0x20  }
0x1dc: {  	[sflag:s20] =	ssyncset.done $0x0  }
0x1dd: {  	[sflag:s20] =	ssyncadd.s32 $0xFFFFFFE0  }
0x1de: {  	v3 =	vld [tilespmem:$0x0];
	_ =	sdelay $0x4  }
0x1df: {  	v62 =	vshll.u32 v3, $0x3  }
0x1e0: {  	v3 =	vand.u32 $0x7, v3;
	v4 =	vand.u32 $0xFFFFFFC0, v62  }
0x1e1: {  	v3 =	vor.u32 v3, v4  }
0x1e2: {  	v4 =	vperm.xlane v3, v0;
	_ =	sdelay $0x1  }
0x1e3: {  	v4 =	vadd.s32 v1, v4;
	_ =	sdelay $0x3  }
0x1e4: {  	s12 =	simm.s32 $0x8080  }
0x1e5: {  	[tilespmem:s12], [sflag:$0x1] =	stream.indirect_vreg.gather [hbm4b:s3+s0], $0x80, v4, vm0, $0xb8;
	[tilespmem:$0x10080] =	vst v63  }
0x1e6: {  	s13 =	simm.s32 $0x8880;
	v3 =	vperm.xlane v3, v2  }
0x1e7: {  	[tilespmem:s13], [sflag:$0x1] =	stream.indirect_vreg.gather [hbm4b:s4+s0], $0x80, v4, vm0, $0xb8;
	[tilespmem:$0x10080] =	vst v63  }
0x1e8: {  	v3 =	vadd.s32 v1, v3  }
0x1e9: {  	[tilespmem:s14], [sflag:$0x1] =	stream.indirect_vreg.gather [hbm4b:s6+s0], $0x80, v4, vm0, $0xb8;
	[tilespmem:$0x10080] =	vst v63  }
0x1ea: {  	_ = 	snop  }
0x1eb: {  	[tilespmem:s15], [sflag:$0x1] =	stream.indirect_vreg.gather [hbm4b:s7+s0], $0x80, v4, vm0, $0xb8;
	[tilespmem:$0x10080] =	vst v63  }
0x1ec: {  	_ = 	snop  }
0x1ed: {  	[tilespmem:s16], [sflag:$0x1] =	stream.indirect_vreg.gather [hbm4b:s3+s0], $0x80, v3, vm0, $0xb8;
	[tilespmem:$0x10080] =	vst v63  }
0x1ee: {  	_ = 	snop  }
0x1ef: {  	[tilespmem:s17], [sflag:$0x1] =	stream.indirect_vreg.gather [hbm4b:s4+s0], $0x80, v3, vm0, $0xb8;
	[tilespmem:$0x10080] =	vst v63  }
0x1f0: {  	_ = 	snop  }
0x1f1: {  	[tilespmem:s18], [sflag:$0x1] =	stream.indirect_vreg.gather [hbm4b:s6+s0], $0x80, v3, vm0, $0xb8;
	[tilespmem:$0x10080] =	vst v63  }
0x1f2: {  	_ = 	snop  }
0x1f3: {  	[tilespmem:s19], [sflag:$0x1] =	stream.indirect_vreg.gather [hbm4b:s7+s0], $0x80, v3, vm0, $0xb8;
	[tilespmem:$0x10080] =	vst v63  }
0x1f4: {  	v3 =	vld [tilespmem:$0x10];
	_ =	sdelay $0x4  }
0x1f5: {  	v63 =	vshll.u32 v3, $0x3  }
0x1f6: {  	v3 =	vand.u32 $0x7, v3;
	v4 =	vand.u32 $0xFFFFFFC0, v63  }
0x1f7: {  	v3 =	vor.u32 v3, v4  }
0x1f8: {  	v4 =	vperm.xlane v3, v0;
	_ =	sdelay $0x1  }
0x1f9: {  	v4 =	vadd.s32 v1, v4;
	_ =	sdelay $0x4  }
0x1fa: {  	[tilespmem:s22], [sflag:$0x1] =	stream.indirect_vreg.gather [hbm4b:s3+s0], $0x80, v4, vm0, $0xb8;
	[tilespmem:$0x10080] =	vst v63  }
0x1fb: {  	v3 =	vperm.xlane v3, v2  }
0x1fc: {  	[tilespmem:s23], [sflag:$0x1] =	stream.indirect_vreg.gather [hbm4b:s4+s0], $0x80, v4, vm0, $0xb8;
	[tilespmem:$0x10080] =	vst v63  }
0x1fd: {  	v3 =	vadd.s32 v1, v3  }
0x1fe: {  	[tilespmem:s24], [sflag:$0x1] =	stream.indirect_vreg.gather [hbm4b:s6+s0], $0x80, v4, vm0, $0xb8;
	[tilespmem:$0x10080] =	vst v63  }
0x1ff: {  	_ = 	snop  }
0x200: {  	[tilespmem:s25], [sflag:$0x1] =	stream.indirect_vreg.gather [hbm4b:s7+s0], $0x80, v4, vm0, $0xb8;
	[tilespmem:$0x10080] =	vst v63  }
0x201: {  	_ = 	snop  }
0x202: {  	[tilespmem:s26], [sflag:$0x1] =	stream.indirect_vreg.gather [hbm4b:s3+s0], $0x80, v3, vm0, $0xb8;
	[tilespmem:$0x10080] =	vst v63  }
0x203: {  	_ = 	snop  }
0x204: {  	[tilespmem:s28], [sflag:$0x1] =	stream.indirect_vreg.gather [hbm4b:s4+s0], $0x80, v3, vm0, $0xb8;
	[tilespmem:$0x10080] =	vst v63  }
0x205: {  	_ = 	snop  }
0x206: {  	[tilespmem:s29], [sflag:$0x1] =	stream.indirect_vreg.gather [hbm4b:s6+s0], $0x80, v3, vm0, $0xb8;
	[tilespmem:$0x10080] =	vst v63  }
0x207: {  	_ = 	snop  }
0x208: {  	[tilespmem:s30], [sflag:$0x1] =	stream.indirect_vreg.gather [hbm4b:s7+s0], $0x80, v3, vm0, $0xb8;
	[tilespmem:$0x10080] =	vst v63  }
0x209: {  	_ =	swait.ge [sflag:s11], $0x8000  }
0x20a: {  	[sflag:s11] =	ssyncset.done $0x0  }
0x20b: {  	s2 =	simm.s32 $0x0;
	[sflag:s11] =	ssyncadd.s32 $0xFFFF8000  }
.LBB2_14:
0x20c: {  	s5 =	sshll.u32 s2, $0xA;
	s8 =	sshll.u32 s2, $0x7  }
0x20d: {  	s5 =	sand.u32 $0x6000, s5;
	s8 =	sand.u32 $0x380, s8  }
0x20e: {  	s13 =	sand.u32 $0x1C00, s0;
	s5 =	sor.u32 s5, s8  }
0x20f: {  	s9 =	sand.u32 $0x70, s0;
	s8 =	sor.u32 s13, s5  }
0x210: {  	s8 =	sor.u32 s9, s8  }
0x211: {  	v3 =	vld [tilespmem:s8+$0x8080]  }
0x212: {  	v4 =	vld [tilespmem:s8+$0x80];
	_ =	sdelay $0x2  }
0x213: {  	s9 =	simm.s32 $0x80  }
0x214: {  	s10 =	simm.s32 $0x10;
	s13 =	sand.u32 $0x1C00, s9  }
0x215: {  	s12 =	sand.u32 $0x70, s10;
	s10 =	simm.s32 $0x20;
	s13 =	sor.u32 s13, s5;
	v3 =	vadd.f32 v3, v4  }
.LBB2_15:
0x216: {  	p0 =	sne.s32 s10, $0x3F0;
	s12 =	sor.u32 s12, s13  }
0x217: {  	v4 =	vld [tilespmem:s12+$0x8080];
	[tilespmem:s8+$0x80] =	vst v3;
	s8 =	smov.u32 s12  }
0x218: {  	v3 =	vld [tilespmem:s8+$0x80]  }
.Ltmp6:
0x219: {  	(pc) =	sbr.rel @p0 .LBB2_15-.Ltmp6, $4  }
0x21a: {  	_ = 	snop  }
0x21b: {  	s9 =	sadd.s32 $0x80, s9  }
0x21c: {  	s13 =	sand.u32 $0x1C00, s9  }
0x21d: {  	s12 =	sand.u32 $0x70, s10;
	s10 =	sadd.s32 $0x10, s10;
	s13 =	sor.u32 s13, s5;
	v3 =	vadd.f32 v4, v3  }
0x21e: {  	s5 =	sor.u32 s12, s13  }
0x21f: {  	v4 =	vld [tilespmem:s5+$0x8080];
	[tilespmem:s8+$0x80] =	vst v3  }
0x220: {  	v3 =	vld [tilespmem:s5+$0x80]  }
0x221: {  	s2 =	sadd.s32 $0x1, s2  }
0x222: {  	p0 =	sne.s32 s2, $0x20  }
.Ltmp7:
0x223: {  	_ = 	snop;
	(pc) =	sbr.rel @p0 .LBB2_14-.Ltmp7, $3  }
0x224: {  	_ = 	snop  }
0x225: {  	v3 =	vadd.f32 v4, v3;
	_ =	sdelay $0x1  }
0x226: {  	[tilespmem:s5+$0x80] =	vst v3  }
0x227: {  	s0 =	rddreg [dreg:$0xe]  }
0x228: {  	[hbm4b:s0+s1] =	stream.linear.scatter [tilespmem:s21], [sflag:$0x2], $0x8000, $0x38;
	[tilespmem:$0x10080] =	vst v63  }
0x229: {  	_ =	swait.ge [sflag:s20], $0x8000  }
0x22a: {  	s31 =	sadd.s32 $0x1, s31;
	s13 =	rddreg [dreg:$0xf]  }
0x22b: {  	p0 =	sne.s32 s31, s13  }
.Ltmp8:
0x22c: {  	_ = 	snop;
	(pc) =	sbr.rel @p0 .LBB2_1-.Ltmp8, $3  }
0x22d: {  	_ =	sdelay $0x1  }
0x22e: {  	[sflag:s20] =	ssyncset.done $0x0  }
0x22f: {  	[sflag:s20] =	ssyncadd.s32 $0xFFFF8000  }
0x230: {  	_ =	sfence.sel $0x180000  }
0x231: {  	[bflag:$0x0] =	sbarrier.arrive $0xFFFF  }
0x232: {  	_ =	strace $0x90000050  }
0x233: {  	s0 =	stileid.u32;
	[bflag:$0x2] =	sbarrier.arrive $0xFFFF  }
0x234: {  	p0 =	sne.s32 s0, $0x0;
	s0 =	rddreg [dreg:$0x2]  }
0x235: {  	s0 =	sadd.s32 @!p0 $0x100000, s0  }
0x236: {  	[sflag:s0] =	ssyncadd.tile.s32 @!p0 $0x1;
	_ =	shalt  }
.Lfunc_end2:
_tile_overlayer_lowered:
.L_overlay_start_2:
0x237: {  	(tag) =	ssettag $0x2  }
0x238: {  	s0 =	rddreg [dreg:$0x0];
	s2 =	stileid.u32  }
0x239: {  	s1 =	rddreg [dreg:$0x1];
	p0 =	sne.s32 s2, $0x0  }
0x23a: {  	s3 =	rddreg [dreg:$0x2];
	[bflag:$0x3] =	sbarrier.arrive $0xFFFF;
	s2 =	simm.s32 @!p0 $0x1C02  }
0x23b: {  	[timem:s3], [sflag:s2] =	dma.local @!p0 [hbm:s0], s1  }
0x23c: {  	s0 =	simm.s32 @!p0 $0x2  }
0x23d: {  	_ =	swait.ge @!p0 [sflag:s0], s1  }
0x23e: {  	s1 =	ssub.s32 @!p0 $0x0, s1;
	[sflag:s0] =	ssyncset.done @!p0 $0x0  }
0x23f: {  	[sflag:s0] =	ssyncadd.s32 @!p0 s1  }
0x240: {  	[bflag:$0x3] =	sbarrier.arrive $0xFFFF  }
0x241: {  	_ =	shalt  }

// kernel: kernel.7.cloned.1.call-start
scs
__scs_entry_jumppad:
0x0: {  	(pc) =	sbr.rel $0x88, $3  }
0x1: {  	(tag) =	ssettag $0x0;
	lr =	simm.s32 $0x1  }
0x2: {  	[smem:$0x3F98] =	sst lr;
	_ =	strace $0xD0000000  }
0x3: {  	_ = 	snop  }
0x4: {  	_ = 	snop  }
0x5: {  	_ = 	snop  }
0x6: {  	_ = 	snop  }
0x7: {  	_ = 	snop  }
__scs_overlays_trampoline_lowered:
0x8: {  	[smem:$0x3FA7] =	sst s0  }
0x9: {  	[smem:$0x3FA8] =	sst s1  }
0xa: {  	[smem:$0x3FA9] =	sst s2  }
0xb: {  	[smem:$0x3FAA] =	sst s3  }
0xc: {  	[smem:$0x3FAB] =	sst s4  }
0xd: {  	[smem:$0x3FAC] =	sst s5  }
0xe: {  	[smem:$0x3FAD] =	sst s6  }
0xf: {  	[smem:$0x3FAE] =	sst s7  }
0x10: {  	[smem:$0x3FAF] =	sst s8  }
0x11: {  	[smem:$0x3FB0] =	sst s9;
	s0 =	simm.s32 @!p0 $0x0  }
0x12: {  	s1 =	sld [smem:$0x3F96];
	s0 =	simm.s32 @p0 $0x1  }
0x13: {  	[smem:$0x3FB1] =	sst s0;
	s0 =	simm.s32 @!p1 $0x0  }
0x14: {  	s2 =	sld [smem:$0x3F95];
	s0 =	simm.s32 @p1 $0x1  }
0x15: {  	[smem:$0x3FB2] =	sst s0;
	s0 =	simm.s32 @!p2 $0x0  }
0x16: {  	s3 =	sld [smem:$0x3FDB];
	s0 =	simm.s32 @p2 $0x1  }
0x17: {  	s4 =	simm.s32 $0x1BF5;
	[smem:$0x3FB4] =	sst s0  }
0x18: {  	s0 =	sld [smem:$0x3F97];
	_ =	swait.ge [sflag:s4], $0x0  }
0x19: {  	s7 =	sld [smem:$0x3F98]  }
0x1a: {  	s8 =	sadd.s32 $0xFFFFE003, lr  }
0x1b: {  	s9 =	sadd.s32 $0xFFFFFEF7, lr;
	s5 =	simm.s32 $0xFFFFFFFF;
	p2 =	slt.u32 s8, $0xFFFFF086  }
0x1c: {  	p1 =	slt.u32 s9, $0xF7A;
	s5 =	simm.s32 @!p2 $0x0  }
0x1d: {  	s5 =	simm.s32 @p1 $0x1;
	p0 =	seq.s32 s7, s2  }
0x1e: {  	s7 =	smul.u32 @!p0 $0xF7A, s2;
	p2 =	seq.s32 @!p0 s5, $0x0  }
0x1f: {  	s9 =	smul.u32 $0xF7A, s1;
	s8 =	simm.s32 @!p0 $0x1BF5;
	p2 =	por !p2, p0  }
0x20: {  	[sflag:s8] =	ssyncset.s32 @!p0 $0xFFFFF086;
	s6 =	sadd.s32 @!p0 s3, s7;
	s7 =	simm.s32 @!p0 $0x108  }
0x21: {  	s3 =	sadd.s32 s3, s9;
	s6 =	sadd.s32 @!p0 $0x88, s6;
	s7 =	simm.s32 @p2 $0x1082  }
0x22: {  	[simem:s7], [sflag:s8] =	dma.local @!p0 [hbm:s6], $0xF7A  }
0x23: {  	s9 =	sor.u32 $0xD0000000, s2;
	s6 =	simm.s32 $0x108;
	_ =	swait.ge @!p0 [sflag:s8], $0x0  }
0x24: {  	s3 =	sadd.s32 $0x88, s3;
	s6 =	simm.s32 @!p1 $0x1082;
	[sflag:s4] =	ssyncset.s32 $0xFFFFF086  }
0x25: {  	[simem:s6], [sflag:s4] =	dma.local [hbm:s3], $0xF7A  }
0x26: {  	[smem:$0x3F98] =	sst s1;
	(tag) =	ssettag s2;
	_ =	strace s9  }
0x27: {  	s1 =	sld [smem:$0x3FA8]  }
0x28: {  	s2 =	sld [smem:$0x3FA9]  }
0x29: {  	s4 =	sld [smem:$0x3FAB]  }
0x2a: {  	p0 =	seq.s32 s5, $0x0;
	s5 =	sld [smem:$0x3FAC]  }
0x2b: {  	s6 =	sld [smem:$0x3FAD]  }
0x2c: {  	s7 =	sld [smem:$0x3FAE]  }
0x2d: {  	s3 =	simm.s32 $0x108;
	s8 =	sld [smem:$0x3FAF]  }
0x2e: {  	s3 =	simm.s32 @!p0 $0x1082;
	s9 =	sld [smem:$0x3FB0]  }
0x2f: {  	lr =	sadd.s32 s0, s3;
	s0 =	sld [smem:$0x3FA7]  }
0x30: {  	s3 =	sld [smem:$0x3FAA]  }
0x31: {  	[smem:$0x3FB3] =	sst s10  }
0x32: {  	s10 =	sld [smem:$0x3FB1];
	_ =	sdelay $0x3  }
0x33: {  	p0 =	seq.s32 s10, $0x1;
	s10 =	sld [smem:$0x3FB3];
	_ =	sdelay $0x3  }
0x34: {  	[smem:$0x3FB3] =	sst s10  }
0x35: {  	s10 =	sld [smem:$0x3FB2];
	_ =	sdelay $0x3  }
0x36: {  	p1 =	seq.s32 s10, $0x1;
	s10 =	sld [smem:$0x3FB3];
	_ =	sdelay $0x3  }
0x37: {  	[smem:$0x3FB3] =	sst s10  }
0x38: {  	s10 =	sld [smem:$0x3FB4]  }
0x39: {  	_ = 	snop;
	(pc) =	sbr.ind lr, $3  }
0x3a: {  	_ = 	snop  }
0x3b: {  	_ = 	snop  }
0x3c: {  	p2 =	seq.s32 s10, $0x1;
	s10 =	sld [smem:$0x3FB3]  }
0x3d: {  	_ =	shalt  }
0x3e: {  	_ =	shalt  }
0x3f: {  	_ =	shalt  }
0x40: {  	_ =	shalt  }
0x41: {  	_ =	shalt  }
0x42: {  	_ =	shalt  }
0x43: {  	_ =	shalt  }
0x44: {  	_ =	shalt  }
0x45: {  	_ =	shalt  }
0x46: {  	_ =	shalt  }
0x47: {  	_ =	shalt  }
0x48: {  	_ =	shalt  }
0x49: {  	_ =	shalt  }
0x4a: {  	_ =	shalt  }
0x4b: {  	_ =	shalt  }
0x4c: {  	_ =	shalt  }
0x4d: {  	_ =	shalt  }
0x4e: {  	_ =	shalt  }
0x4f: {  	_ =	shalt  }
0x50: {  	_ =	shalt  }
0x51: {  	_ =	shalt  }
0x52: {  	_ =	shalt  }
0x53: {  	_ =	shalt  }
0x54: {  	_ =	shalt  }
0x55: {  	_ =	shalt  }
0x56: {  	_ =	shalt  }
0x57: {  	_ =	shalt  }
0x58: {  	_ =	shalt  }
0x59: {  	_ =	shalt  }
0x5a: {  	_ =	shalt  }
0x5b: {  	_ =	shalt  }
0x5c: {  	_ =	shalt  }
0x5d: {  	_ =	shalt  }
0x5e: {  	_ =	shalt  }
0x5f: {  	_ =	shalt  }
0x60: {  	_ =	shalt  }
0x61: {  	_ =	shalt  }
0x62: {  	_ =	shalt  }
0x63: {  	_ =	shalt  }
0x64: {  	_ =	shalt  }
0x65: {  	_ =	shalt  }
0x66: {  	_ =	shalt  }
0x67: {  	_ =	shalt  }
0x68: {  	_ =	shalt  }
0x69: {  	_ =	shalt  }
0x6a: {  	_ =	shalt  }
0x6b: {  	_ =	shalt  }
0x6c: {  	_ =	shalt  }
0x6d: {  	_ =	shalt  }
0x6e: {  	_ =	shalt  }
0x6f: {  	_ =	shalt  }
0x70: {  	_ =	shalt  }
0x71: {  	_ =	shalt  }
0x72: {  	_ =	shalt  }
0x73: {  	_ =	shalt  }
0x74: {  	_ =	shalt  }
0x75: {  	_ =	shalt  }
0x76: {  	_ =	shalt  }
0x77: {  	_ =	shalt  }
0x78: {  	_ =	shalt  }
0x79: {  	_ =	shalt  }
0x7a: {  	_ =	shalt  }
0x7b: {  	_ =	shalt  }
0x7c: {  	_ =	shalt  }
0x7d: {  	_ =	shalt  }
0x7e: {  	_ =	shalt  }
0x7f: {  	_ =	shalt  }
0x80: {  	_ =	shalt  }
0x81: {  	_ =	shalt  }
0x82: {  	_ =	shalt  }
0x83: {  	_ =	shalt  }
0x84: {  	_ =	shalt  }
0x85: {  	_ =	shalt  }
0x86: {  	_ =	shalt  }
0x87: {  	_ =	shalt  }
.Lfunc_end0:
.L_simem_size_0:
called_computation.1_lowered:
.L_overlay_start_0:
0x88: {  	s0 =	sld [smem:$0x3FD9]  }
0x89: {  	s1 =	sld [smem:$0x3FFE];
	_ =	sdelay $0x3  }
0x8a: {  	s0 =	sadd.s32 s1, s0  }
0x8b: {  	[smem:$0x3FBF] =	sst s0  }
0x8c: {  	_ = 	snop  }
0x8d: {  	(tm) =	ssettm $0x1  }
0x8e: {  	s15 =	sld [smem:$0x3FFB];
	_ =	sdelay $0x3  }
0x8f: {  	_ =	strace s15  }
0x90: {  	s0 =	sld [smem:$0x3FFC];
	_ =	sdelay $0x3  }
0x91: {  	_ =	strace s0  }
0x92: {  	s0 =	sld [smem:$0x3FFD];
	_ =	sdelay $0x3  }
0x93: {  	_ =	strace s0  }
0x94: {  	_ =	strace $0x8FFFFFFF  }
0x95: {  	s16 =	sld [smem:$0x3FDB];
	_ =	sdelay $0x1  }
0x96: {  	s17 =	simm.s32 $_scs_section_size  }
0x97: {  	s2 =	simm.s32 $_size__tile_overlayer_lowered;
	s3 =	simm.s32 $_tile_overlayer_lowered  }
0x98: {  	s20 =	simm.s32 $0x1BFF;
	s19 =	sshll.u32 s3, $0x1;
	s0 =	sadd.s32 s17, s16  }
0x99: {  	s4 =	simm.s32 $0x0;
	s18 =	sshll.u32 s2, $0x1;
	s2 =	sadd.s32 s19, s0  }
0x9a: {  	[timem:s4], [sflag:s20] =	dma.local [hbm:s2], s18  }
0x9b: {  	_ =	swait.ge [sflag:s20], s18  }
0x9c: {  	s1 =	ssub.s32 $0x0, s18;
	[sflag:s20] =	ssyncset.done $0x0  }
0x9d: {  	[sflag:s20] =	ssyncadd.s32 s1;
	_ =	sdelay $0x1  }
0x9e: {  	s21 =	simm.s32 $0x1B8B  }
0x9f: {  	_ =	swait.ge [sflag:s21], $0x1  }
0xa0: {  	[sflag:s21] =	ssyncset.done $0x0  }
0xa1: {  	s23 =	simm.s32 $0x1B8E;
	s22 =	sld [smem:$0x3FFE];
	[sflag:s21] =	ssyncadd.s32 $0xFFFFFFFF  }
0xa2: {  	s24 =	simm.s32 $execute0_lowered;
	[smem:$0x3FD2] =	sst s23  }
0xa3: {  	s2 =	sshll.u32 s24, $0x1;
	_ =	strace $0x80000046;
	[dreg:$0x1] =	wrdreg $0xFFFFFFFF  }
0xa4: {  	s25 =	simm.s32 $_size_execute0_lowered;
	s0 =	sadd.s32 s0, s2;
	[dreg:$0x0] =	wrdreg $0x0  }
0xa5: {  	s2 =	sshll.u32 s25, $0x1;
	[dreg:$0x2] =	wrdreg s0  }
0xa6: {  	[dreg:$0x3] =	wrdreg s2  }
0xa7: {  	[dreg:$0x4] =	wrdreg $0xC0  }
0xa8: {  	_ =	task [dreg:s4], $0x5FFFF  }
0xa9: {  	[dreg:$0x1] =	wrdreg $0xFFFFFFFF  }
0xaa: {  	[dreg:$0x0] =	wrdreg $0x60  }
0xab: {  	[dreg:$0x2] =	wrdreg s22  }
0xac: {  	[dreg:$0x3] =	wrdreg $0x12800  }
0xad: {  	[dreg:$0x4] =	wrdreg $0x12900  }
0xae: {  	[dreg:$0x5] =	wrdreg $0x14900  }
0xaf: {  	[dreg:$0x6] =	wrdreg $0x9  }
0xb0: {  	_ =	task.clear_ibuf [dreg:s4], $0x7FFFF;
	_ =	strace $0x90000046  }
0xb1: {  	s26 =	simm.s32 $0x9;
	_ =	strace $0x80000048  }
0xb2: {  	_ =	swait.ge [sflag:s26], $0x1  }
0xb3: {  	[sflag:s26] =	ssyncadd.s32 $0xFFFFFFFF  }
0xb4: {  	_ =	strace $0x90000048  }
0xb5: {  	_ =	sfence  }
0xb6: {  	s28 =	sld [smem:$0x0];
	_ =	sdelay $0x1  }
0xb7: {  	s29 =	srdreg.scid  }
0xb8: {  	s30 =	sshll.u32 s29, $0xD;
	s31 =	sshrl.u32 s29, $0x2  }
0xb9: {  	s1 =	sand.u32 $0x1, s29;
	s2 =	sand.u32 $0x4000, s30;
	s0 =	sadd.s32 s31, s28  }
0xba: {  	s1 =	sor.u32 s2, s1;
	s0 =	sshll.u32 s0, $0x11  }
0xbb: {  	s0 =	sor.u32 s0, s1  }
0xbc: {  	s0 =	sadd.s32 $0x8F2B, s0  }
0xbd: {  	[sflag:s0] =	ssyncadd.remote.s32 $0x1  }
0xbe: {  	_ =	sfence.sel $0xFFFF  }
0xbf: {  	[dreg:$0x0] =	wrdreg $0xFFFFFFFF;
	(pc) =	sbr.abs _section_cstart, $3  }
0xc0: {  	[dreg:$0x1] =	wrdreg $0xFFFFFFFF  }
0xc1: {  	_ =	task.clear_ibuf [dreg:s4], $0x2FFFF;
	_ =	strace $0x9FFFFFFF  }
0xc2: {  	(tm) =	ssettm $0x7FFFFFFF  }
0xc3: {  	_ =	shalt  }
tec
execute0_lowered:
.L_overlay_start_1:
0x0: {  	(tag) =	ssettag $0x1  }
0x1: {  	s5 =	rddreg [dreg:$0x0]  }
0x2: {  	s10 =	rddreg [dreg:$0x1]  }
0x3: {  	s2 =	rddreg [dreg:$0x2]  }
0x4: {  	s1 =	rddreg [dreg:$0x3];
	s3 =	stileid.u32  }
0x5: {  	s0 =	rddreg [dreg:$0x4];
	s6 =	simm.s32 $0x0;
	s4 =	sshll.u32 s3, $0x6  }
0x6: {  	[smem:$0x7FF] =	sst s6;
	s7 =	sadd.s32 s4, s5  }
0x7: {  	s30 =	simm.s32 $0x1;
	_ =	strace $0x80000047;
	s8 =	sadd.s32 $0x2400, s7  }
0x8: {  	[tilespmem:s6], [sflag:$0x1] =	stream.linear.gather [hbm4b:s8+s6], $0x200, $0x38;
	[tilespmem:$0x1690] =	vst v63  }
0x9: {  	_ =	swait.ge [sflag:s30], $0x200  }
0xa: {  	[sflag:s30] =	ssyncset.done $0x0  }
0xb: {  	s9 =	simm.s32 $0x200;
	s7 =	sadd.s32 $0x2800, s7;
	[sflag:s30] =	ssyncadd.s32 $0xFFFFFE00  }
0xc: {  	[tilespmem:s9], [sflag:$0x1] =	stream.linear.gather [hbm4b:s7+s6], $0x200, $0x38;
	[tilespmem:$0x1690] =	vst v63  }
0xd: {  	_ =	swait.ge [sflag:s30], $0x200  }
0xe: {  	[sflag:s30] =	ssyncset.done $0x0  }
0xf: {  	s31 =	simm.s32 $0x0;
	[sflag:s30] =	ssyncadd.s32 $0xFFFFFE00  }
0x10: {  	v0 =	vld [tilespmem:s31+$0x0];
	_ =	sdelay $0x1  }
0x11: {  	v1 =	vimm.s32 $0x0;
	vm0 =	vmmov $0x1;
	vm1 =	vcmask $0x308  }
0x12: {  	vm2 =	vcmask $0x70C;
	vm3 =	vcmask $0xB10;
	vm4 =	vcmask $0xF14  }
0x13: {  	vm5 =	vcmask $0x1318;
	vm6 =	vcmask $0x171C;
	vm7 =	vcmask $0x1B20  }
0x14: {  	vm8 =	veq.s32 v0, $0x7;
	vm10 =	veq.s32 v0, $0x0;
	vm9 =	veq.s32 v0, $0x6  }
0x15: {  	vm11 =	veq.s32 v0, $0x1;
	vm12 =	veq.s32 v0, $0x4;
	v2 =	vmpcnt.ones.xlane vm10  }
0x16: {  	vm10 =	veq.s32 v0, $0x5;
	v3 =	vmpcnt.ones.xlane vm11;
	vm11 =	veq.s32 v0, $0x2  }
0x17: {  	s12 =	simm.s32 $0x10;
	v4 =	vmpcnt.ones.xlane vm11;
	vm11 =	veq.s32 v0, $0x3;
	v2 =	vnsel vm0, $0x0, v2  }
0x18: {  	s11 =	sadd.s32 $0x2C00, s5;
	s8 =	sadd.s32 $0x3200, s5;
	s9 =	sadd.s32 $0x2E00, s5;
	v3 =	vsel vm1, $0x0, v3;
	v2 =	vadd.s32 v1, v2;
	v1 =	vmpcnt.ones.xlane vm11  }
0x19: {  	s6 =	sadd.s32 $0x3600, s5;
	s7 =	sadd.s32 $0x3800, s5;
	s5 =	simm.s32 $0x80;
	v0 =	vld [tilespmem:s12+$0x0];
	v4 =	vsel vm2, $0x0, v4;
	v3 =	vadd.s32 v3, v2;
	v2 =	vmpcnt.ones.xlane vm12  }
.LBB2_1:
0x1a: {  	p0 =	sne.s32 s5, $0x7C0;
	v3 =	vadd.s32 v4, v3;
	v1 =	vsel vm3, $0x0, v1;
	v4 =	vmpcnt.ones.xlane vm10  }
0x1b: {  	v1 =	vadd.s32 v1, v3;
	v2 =	vsel vm4, $0x0, v2;
	v3 =	vmpcnt.ones.xlane vm9  }
0x1c: {  	v1 =	vadd.s32 v2, v1;
	v2 =	vsel vm5, $0x0, v4;
	v4 =	vmpcnt.ones.xlane vm8  }
0x1d: {  	v1 =	vadd.s32 v2, v1;
	v2 =	vsel vm6, $0x0, v3  }
0x1e: {  	vm8 =	veq.s32 v0, $0x7;
	v1 =	vadd.s32 v2, v1;
	v2 =	vsel vm7, $0x0, v4  }
0x1f: {  	vm10 =	veq.s32 v0, $0x0;
	vm9 =	veq.s32 v0, $0x6;
	v1 =	vadd.s32 v2, v1  }
.Ltmp0:
0x20: {  	vm11 =	veq.s32 v0, $0x1;
	v2 =	vmpcnt.ones.xlane vm10;
	vm10 =	veq.s32 v0, $0x5;
	(pc) =	sbr.rel @p0 .LBB2_1-.Ltmp0, $4  }
0x21: {  	vm12 =	veq.s32 v0, $0x4;
	v3 =	vmpcnt.ones.xlane vm11;
	vm11 =	veq.s32 v0, $0x2  }
0x22: {  	v4 =	vmpcnt.ones.xlane vm11;
	vm11 =	veq.s32 v0, $0x3;
	v2 =	vnsel vm0, $0x0, v2  }
0x23: {  	s12 =	sshra.s32 s5, $0x2;
	v3 =	vsel vm1, $0x0, v3;
	v2 =	vadd.s32 v1, v2;
	v1 =	vmpcnt.ones.xlane vm11  }
0x24: {  	s5 =	sadd.s32 $0x40, s5;
	v4 =	vsel vm2, $0x0, v4;
	v3 =	vadd.s32 v3, v2;
	v2 =	vmpcnt.ones.xlane vm12;
	v0 =	vld [tilespmem:s12+$0x0]  }
0x25: {  	v3 =	vadd.s32 v4, v3;
	v1 =	vsel vm3, $0x0, v1;
	v61 =	vmpcnt.ones.xlane vm10  }
0x26: {  	v1 =	vadd.s32 v1, v3;
	v2 =	vsel vm4, $0x0, v2;
	v3 =	vmpcnt.ones.xlane vm9  }
0x27: {  	v62 =	vmpcnt.ones.xlane vm8;
	v1 =	vadd.s32 v2, v1;
	v2 =	vsel vm5, $0x0, v61  }
0x28: {  	v1 =	vadd.s32 v2, v1;
	v2 =	vsel vm6, $0x0, v3  }
0x29: {  	vm8 =	veq.s32 v0, $0x7;
	v1 =	vadd.s32 v2, v1;
	v2 =	vsel vm7, $0x0, v62  }
0x2a: {  	vm13 =	veq.s32 v0, $0x0;
	vm10 =	veq.s32 v0, $0x6;
	vm14 =	veq.s32 v0, $0x1  }
0x2b: {  	vm11 =	veq.s32 v0, $0x5;
	v1 =	vadd.s32 v2, v1;
	v2 =	vmpcnt.ones.xlane vm13  }
0x2c: {  	vm9 =	veq.s32 v0, $0x2;
	vm12 =	veq.s32 v0, $0x4;
	v3 =	vmpcnt.ones.xlane vm14  }
0x2d: {  	vm15 =	veq.s32 v0, $0x3;
	v63 =	vmpcnt.ones.xlane vm9;
	v2 =	vnsel vm0, $0x0, v2  }
0x2e: {  	v0 =	vadd.s32 v1, v2;
	v1 =	vsel vm1, $0x0, v3;
	v2 =	vmpcnt.ones.xlane vm15  }
0x2f: {  	v3 =	vmpcnt.ones.xlane vm12;
	v0 =	vadd.s32 v1, v0;
	v1 =	vsel vm2, $0x0, v63  }
0x30: {  	v0 =	vadd.s32 v1, v0;
	v1 =	vsel vm3, $0x0, v2;
	v2 =	vmpcnt.ones.xlane vm11  }
0x31: {  	v0 =	vadd.s32 v1, v0;
	v1 =	vsel vm4, $0x0, v3;
	v3 =	vmpcnt.ones.xlane vm10  }
0x32: {  	v0 =	vadd.s32 v1, v0;
	v1 =	vsel vm5, $0x0, v2;
	v2 =	vmpcnt.ones.xlane vm8  }
0x33: {  	v0 =	vadd.s32 v1, v0;
	v1 =	vsel vm6, $0x0, v3  }
0x34: {  	s5 =	sshll.u32 s3, $0x9;
	v0 =	vadd.s32 v1, v0;
	v1 =	vsel vm7, $0x0, v2  }
0x35: {  	s12 =	sshrl.u32 s5, $0x2;
	v0 =	vadd.s32 v1, v0  }
0x36: {  	s13 =	simm.s32 $0xA00;
	s12 =	sadd.s32 s12, s10;
	[tilespmem:$0xA00] =	vst v0  }
0x37: {  	[spmem:s12] =	stream.linear.scatter [tilespmem:s13], [sflag:$0x1], $0x80, $0x38;
	[tilespmem:$0x1690] =	vst v63  }
0x38: {  	s12 =	simm.s32 $0x1  }
0x39: {  	_ =	swait.ge [sflag:s12], $0x80  }
0x3a: {  	[sflag:s12] =	ssyncset.done $0x0  }
0x3b: {  	[sflag:s12] =	ssyncadd.s32 $0xFFFFFF80  }
0x3c: {  	s31 =	simm.s32 $0xA80;
	[bflag:$0x0] =	sbarrier.arrive $0xFFFF  }
0x3d: {  	[tilespmem:s31], [sflag:$0x1] =	stream.linear.gather [spmem:s10], $0x800, $0x38;
	[tilespmem:$0x1690] =	vst v63  }
0x3e: {  	_ =	swait.ge [sflag:s12], $0x800  }
0x3f: {  	[sflag:s12] =	ssyncset.done $0x0  }
0x40: {  	[sflag:s12] =	ssyncadd.s32 $0xFFFFF800  }
0x41: {  	v2 =	vld [tilespmem:s31+$0x0];
	_ =	sdelay $0x2  }
0x42: {  	p0 =	sgt.u32 s3, $0x0  }
0x43: {  	v1 =	vimm.s32 $0x0;
	s12 =	simm.s32 @!p0 $0x0  }
0x44: {  	s10 =	simm.s32 $0x1;
	v0 =	vadd.s32 v1, v2;
	v2 =	vmul.u32 s12, v2;
	s12 =	simm.s32 $0xB00  }
.LBB2_3:
0x45: {  	v3 =	vld [tilespmem:s12+$0x0];
	p0 =	sne.s32 s10, $0xF;
	s13 =	smov.u32 s10;
	s10 =	sadd.s32 $0x1, s10  }
.Ltmp1:
0x46: {  	v1 =	vadd.s32 v1, v2;
	(pc) =	sbr.rel @p0 .LBB2_3-.Ltmp1, $4  }
0x47: {  	_ = 	snop  }
0x48: {  	p1 =	slt.u32 s13, s3;
	s13 =	simm.s32 $0x1  }
0x49: {  	s13 =	simm.s32 @!p1 $0x0  }
0x4a: {  	s12 =	sadd.s32 $0x80, s12;
	v0 =	vadd.s32 v0, v3;
	v2 =	vmul.u32 s13, v3  }
0x4b: {  	(xrf0) =	vadd.scan.msk.s32 $0xffff, v0;
	_ =	sdelay $0x2  }
0x4c: {  	p0 =	sne.s32 s3, $0x0  }
0x4d: {  	[tilespmem:$0xA00] =	vst @!p0 v0;
	s10 =	simm.s32 @!p0 $0x0;
	s12 =	simm.s32 @!p0 $0xA00  }
0x4e: {  	[hbm4b:s11+s10] =	stream.linear.scatter @!p0 [tilespmem:s12], [sflag:$0x1], $0x80, $0x38;
	[tilespmem:$0x1690] =	vst v63  }
0x4f: {  	s10 =	simm.s32 @!p0 $0x1;
	v4, _, _ =	vpop (xrf0)  }
0x50: {  	_ =	swait.ge @!p0 [sflag:s10], $0x80  }
0x51: {  	[sflag:s10] =	ssyncset.done @!p0 $0x0  }
0x52: {  	s30 =	simm.s32 $0x0;
	[sflag:s10] =	ssyncadd.s32 @!p0 $0xFFFFFF80  }
0x53: {  	v3 =	vlaneseq.u32;
	v1 =	vadd.s32 v1, v2;
	v5 =	vld [tilespmem:s30+$0x0]  }
0x54: {  	v2 =	vmov s5;
	v6 =	vand.u32 $0x1, v3;
	v7 =	vor.u32 s5, v3  }
0x55: {  	v0 =	vsub.s32 v1, v0;
	v1 =	vmul.u32 $0x100, v6;
	v6 =	vsub.s32 v7, v2  }
0x56: {  	v6 =	vshra.s32 v6, $0x1  }
0x57: {  	v7 =	vshrl.u32 v7, $0x1;
	v6 =	vadd.s32 v1, v6  }
0x58: {  	v0 =	vadd.s32 v4, v0;
	v4 =	vimm.s32 $0x0;
	vm14 =	veq.s32 v5, $0x0  }
0x59: {  	vm15 =	veq.s32 v5, $0x1;
	vm11 =	veq.s32 v5, $0x2;
	v8 =	vsel vm14, $0x1, v4  }
0x5a: {  	vm12 =	veq.s32 v5, $0x3;
	vm13 =	veq.s32 v5, $0x4;
	v10 =	vsel vm15, $0x1, v4;
	(xrf0) =	vadd.scan.msk.s32 $0xffff, v8  }
0x5b: {  	vm10 =	veq.s32 v5, $0x5;
	vm9 =	veq.s32 v5, $0x6;
	v38 =	vsel vm11, $0x1, v4;
	(xrf0) =	vadd.scan.msk.s32 $0xffff, v10  }
0x5c: {  	vm8 =	veq.s32 v5, $0x7;
	v14 =	vshrl.u32 v5, $0x1B;
	v12 =	vsel vm12, $0x1, v4;
	(xrf0) =	vadd.scan.msk.s32 $0xffff, v38  }
0x5d: {  	v9 =	vmpcnt.ones.xlane vm14;
	v11 =	vmpcnt.ones.xlane vm15;
	v40 =	vsel vm13, $0x1, v4;
	(xrf0) =	vadd.scan.msk.s32 $0xffff, v12  }
0x5e: {  	v39 =	vmpcnt.ones.xlane vm11;
	v41 =	vsel vm10, $0x1, v4;
	v42 =	vmpcnt.ones.xlane vm12;
	(xrf0) =	vadd.scan.msk.s32 $0xffff, v40  }
0x5f: {  	v13 =	vsel vm9, $0x1, v4;
	v43 =	vsel vm8, $0x1, v4;
	v45 =	vmpcnt.ones.xlane vm13;
	(xrf0) =	vadd.scan.msk.s32 $0xffff, v41  }
0x60: {  	v14 =	vand.u32 $0x10, v14;
	v15 =	vmpcnt.ones.xlane vm10;
	v62 =	vmpcnt.ones.xlane vm9;
	v44, _, _ =	vpop (xrf0);
	(xrf0) =	vadd.scan.msk.s32 $0xffff, v13  }
0x61: {  	v8 =	vnsel vm0, $0x0, v9;
	v11 =	vsel vm1, $0x0, v11;
	v12 =	vadd.s32 $0xFFFFFFFF, v44;
	v46, _, _ =	vpop (xrf0);
	(xrf0) =	vadd.scan.msk.s32 $0xffff, v43  }
0x62: {  	v8 =	vadd.s32 v4, v8;
	v47 =	vnsel vm14, $0x0, v12;
	v48 =	vadd.s32 $0xFFFFFFFF, v46;
	v49, _, _ =	vpop (xrf0)  }
0x63: {  	v8 =	vadd.s32 v11, v8;
	v11 =	vsel vm15, v48, v47;
	v50 =	vadd.s32 $0xFFFFFFFF, v49;
	v51, _, _ =	vpop (xrf0)  }
0x64: {  	v5 =	vadd.s32 v5, v14;
	v11 =	vsel vm11, v50, v11;
	v52 =	vadd.s32 $0xFFFFFFFF, v51;
	v53, _, _ =	vpop (xrf0)  }
0x65: {  	v10 =	vsel vm2, $0x0, v39;
	v11 =	vsel vm12, v52, v11;
	v54 =	vadd.s32 $0xFFFFFFFF, v53;
	v55, _, _ =	vpop (xrf0)  }
0x66: {  	v14 =	vperm.xlane v0, v5;
	v11 =	vsel vm13, v54, v11;
	v56 =	vadd.s32 $0xFFFFFFFF, v55;
	v57, _, _ =	vpop (xrf0)  }
0x67: {  	v5 =	vperm.xlane v4, v5;
	v11 =	vsel vm10, v56, v11;
	v58 =	vadd.s32 $0xFFFFFFFF, v57;
	v59, _, _ =	vpop (xrf0)  }
0x68: {  	v9 =	vsel vm3, $0x0, v42;
	v11 =	vsel vm9, v58, v11;
	v60 =	vadd.s32 $0xFFFFFFFF, v59  }
0x69: {  	v5 =	vadd.s32 v14, v5;
	v8 =	vadd.s32 v10, v8;
	v61 =	vsel vm8, v60, v11  }
0x6a: {  	s31 =	sshll.u32 s3, $0x5;
	[tilespmem:s30+$0x400] =	vst v7;
	v10 =	vsel vm4, $0x0, v45;
	v8 =	vadd.s32 v9, v8;
	v5 =	vadd.s32 v61, v5  }
0x6b: {  	s6 =	sadd.s32 s6, s31;
	s3 =	sadd.s32 s7, s31;
	s12 =	simm.s32 $0x800;
	v63 =	vmpcnt.ones.xlane vm8;
	v7 =	vadd.s32 v10, v8;
	v8 =	vsel vm5, $0x0, v15;
	[tilespmem:s30+$0x600] =	vst v5  }
0x6c: {  	s11 =	sadd.s32 s9, s4;
	s4 =	sadd.s32 s8, s4;
	s8 =	simm.s32 $0x10;
	v7 =	vadd.s32 v8, v7;
	v8 =	vsel vm6, $0x0, v62;
	[tilespmem:v6+s12+$0x0] =	vst.idx.msk $0xffff, v5  }
0x6d: {  	s7 =	simm.s32 $0x80;
	s9 =	sadd.s32 s5, s1;
	s10 =	sadd.s32 s5, s2;
	v6 =	vadd.s32 v8, v7;
	v7 =	vsel vm7, $0x0, v63;
	v5 =	vld [tilespmem:s8+$0x0]  }
.LBB2_5:
0x6e: {  	p1 =	sne.s32 s7, $0x7C0;
	v6 =	vadd.s32 v7, v6;
	s5 =	sadd.s32 $0x10, s5  }
0x6f: {  	v7 =	vor.u32 s5, v3  }
0x70: {  	v8 =	vsub.s32 v7, v2  }
0x71: {  	v8 =	vshra.s32 v8, $0x1  }
0x72: {  	v7 =	vshrl.u32 v7, $0x1;
	vm14 =	veq.s32 v5, $0x0;
	v8 =	vadd.s32 v1, v8  }
0x73: {  	vm15 =	veq.s32 v5, $0x1;
	v9 =	vsel vm14, $0x1, v4;
	v10 =	vmpcnt.ones.xlane vm14  }
0x74: {  	vm11 =	veq.s32 v5, $0x2;
	v11 =	vsel vm15, $0x1, v4;
	v12 =	vmpcnt.ones.xlane vm15;
	(xrf0) =	vadd.scan.msk.s32 $0xffff, v9  }
0x75: {  	vm12 =	veq.s32 v5, $0x3;
	v9 =	vnsel vm0, $0x0, v10;
	v10 =	vsel vm11, $0x1, v4;
	(xrf0) =	vadd.scan.msk.s32 $0xffff, v11  }
0x76: {  	vm13 =	veq.s32 v5, $0x4;
	v13 =	vsel vm12, $0x1, v4;
	v11 =	vmpcnt.ones.xlane vm11;
	(xrf0) =	vadd.scan.msk.s32 $0xffff, v10  }
0x77: {  	vm10 =	veq.s32 v5, $0x5;
	v9 =	vadd.s32 v6, v9;
	v10 =	vsel vm13, $0x1, v4;
	(xrf0) =	vadd.scan.msk.s32 $0xffff, v13  }
0x78: {  	vm9 =	veq.s32 v5, $0x6;
	v15 =	vsel vm10, $0x1, v4;
	v12 =	vsel vm1, $0x0, v12;
	(xrf0) =	vadd.scan.msk.s32 $0xffff, v10  }
0x79: {  	vm8 =	veq.s32 v5, $0x7;
	v16 =	vsel vm9, $0x1, v4;
	v10 =	vmpcnt.ones.xlane vm12;
	(xrf0) =	vadd.scan.msk.s32 $0xffff, v15  }
0x7a: {  	v9 =	vadd.s32 v12, v9;
	v11 =	vsel vm2, $0x0, v11;
	v12 =	vsel vm8, $0x1, v4;
	v13, _, _ =	vpop (xrf0);
	(xrf0) =	vadd.scan.msk.s32 $0xffff, v16  }
0x7b: {  	v9 =	vadd.s32 v11, v9;
	v11 =	vmpcnt.ones.xlane vm13;
	v13 =	vadd.s32 $0xFFFFFFFF, v13;
	v14, _, _ =	vpop (xrf0);
	(xrf0) =	vadd.scan.msk.s32 $0xffff, v12  }
0x7c: {  	v10 =	vsel vm3, $0x0, v10;
	v12 =	vnsel vm14, $0x0, v13;
	v13 =	vadd.s32 $0xFFFFFFFF, v14;
	v14, _, _ =	vpop (xrf0)  }
0x7d: {  	v15 =	vshrl.u32 v5, $0x1B;
	v12 =	vsel vm15, v13, v12;
	v13 =	vadd.s32 $0xFFFFFFFF, v14;
	v14, _, _ =	vpop (xrf0)  }
0x7e: {  	v15 =	vand.u32 $0x10, v15;
	v12 =	vsel vm11, v13, v12;
	v13 =	vadd.s32 $0xFFFFFFFF, v14;
	v14, _, _ =	vpop (xrf0)  }
0x7f: {  	v5 =	vadd.s32 v5, v15;
	v12 =	vsel vm12, v13, v12;
	v17 =	vadd.s32 $0xFFFFFFFF, v14;
	v14, _, _ =	vpop (xrf0)  }
0x80: {  	v15 =	vperm.xlane v0, v5;
	v12 =	vsel vm13, v17, v12;
	v16 =	vadd.s32 $0xFFFFFFFF, v14;
	v14, _, _ =	vpop (xrf0)  }
0x81: {  	v5 =	vperm.xlane v6, v5;
	v6 =	vsel vm10, v16, v12;
	v12 =	vadd.s32 $0xFFFFFFFF, v14;
	v13, _, _ =	vpop (xrf0)  }
0x82: {  	v14 =	vmpcnt.ones.xlane vm10;
	v6 =	vsel vm9, v12, v6;
	v12 =	vadd.s32 $0xFFFFFFFF, v13  }
.Ltmp2:
0x83: {  	v9 =	vadd.s32 v10, v9;
	v5 =	vadd.s32 v15, v5;
	v6 =	vsel vm8, v12, v6;
	(pc) =	sbr.rel @p1 .LBB2_5-.Ltmp2, $4  }
0x84: {  	v10 =	vsel vm4, $0x0, v11;
	v11 =	vmpcnt.ones.xlane vm9;
	v5 =	vadd.s32 v6, v5;
	[tilespmem:s8+$0x400] =	vst v7  }
0x85: {  	v6 =	vadd.s32 v10, v9;
	v7 =	vsel vm5, $0x0, v14;
	v9 =	vmpcnt.ones.xlane vm8;
	[tilespmem:s8+$0x600] =	vst v5  }
0x86: {  	s8 =	sshra.s32 s7, $0x2;
	v6 =	vadd.s32 v7, v6;
	v7 =	vsel vm6, $0x0, v11;
	[tilespmem:v8+s12+$0x0] =	vst.idx.msk $0xffff, v5  }
0x87: {  	s7 =	sadd.s32 $0x40, s7;
	v6 =	vadd.s32 v7, v6;
	v7 =	vsel vm7, $0x0, v9;
	v5 =	vld [tilespmem:s8+$0x0]  }
0x88: {  	_ =	sdelay $0x3  }
0x89: {  	vm7 =	veq.s32 v5, $0x0  }
0x8a: {  	vm6 =	veq.s32 v5, $0x1;
	v8 =	vsel vm7, $0x1, v4  }
0x8b: {  	vm5 =	veq.s32 v5, $0x2;
	v9 =	vsel vm6, $0x1, v4;
	(xrf0) =	vadd.scan.msk.s32 $0xffff, v8  }
0x8c: {  	vm3 =	veq.s32 v5, $0x3;
	v39 =	vsel vm5, $0x1, v4;
	(xrf0) =	vadd.scan.msk.s32 $0xffff, v9  }
0x8d: {  	vm1 =	veq.s32 v5, $0x4;
	v40 =	vsel vm3, $0x1, v4;
	(xrf0) =	vadd.scan.msk.s32 $0xffff, v39  }
0x8e: {  	vm0 =	veq.s32 v5, $0x5;
	v41 =	vsel vm1, $0x1, v4;
	(xrf0) =	vadd.scan.msk.s32 $0xffff, v40  }
0x8f: {  	s5 =	sadd.s32 $0x10, s5;
	vm2 =	veq.s32 v5, $0x6;
	v42 =	vsel vm0, $0x1, v4;
	(xrf0) =	vadd.scan.msk.s32 $0xffff, v41  }
0x90: {  	v3 =	vor.u32 s5, v3;
	vm4 =	veq.s32 v5, $0x7;
	v43 =	vsel vm2, $0x1, v4;
	(xrf0) =	vadd.scan.msk.s32 $0xffff, v42  }
0x91: {  	v2 =	vsub.s32 v3, v2;
	v45 =	vsel vm4, $0x1, v4;
	v44, _, _ =	vpop (xrf0);
	(xrf0) =	vadd.scan.msk.s32 $0xffff, v43  }
0x92: {  	v6 =	vadd.s32 v7, v6;
	v2 =	vshra.s32 v2, $0x1;
	v46, _, _ =	vpop (xrf0);
	(xrf0) =	vadd.scan.msk.s32 $0xffff, v45;
	v47 =	vadd.s32 $0xFFFFFFFF, v44  }
0x93: {  	v1 =	vadd.s32 v1, v2;
	v48 =	vnsel vm7, $0x0, v47;
	v49 =	vadd.s32 $0xFFFFFFFF, v46;
	v50, _, _ =	vpop (xrf0)  }
0x94: {  	v51 =	vshrl.u32 v5, $0x1B;
	v2 =	vsel vm6, v49, v48;
	v52 =	vadd.s32 $0xFFFFFFFF, v50;
	v53, _, _ =	vpop (xrf0)  }
0x95: {  	v8 =	vand.u32 $0x10, v51;
	v2 =	vsel vm5, v52, v2;
	v54 =	vadd.s32 $0xFFFFFFFF, v53;
	v55, _, _ =	vpop (xrf0)  }
0x96: {  	v56 =	vadd.s32 v5, v8;
	v2 =	vsel vm3, v54, v2;
	v57 =	vadd.s32 $0xFFFFFFFF, v55;
	v58, _, _ =	vpop (xrf0)  }
0x97: {  	v0 =	vperm.xlane v0, v56;
	v2 =	vsel vm1, v57, v2;
	v59 =	vadd.s32 $0xFFFFFFFF, v58;
	v60, _, _ =	vpop (xrf0)  }
0x98: {  	v5 =	vperm.xlane v6, v56;
	v2 =	vsel vm0, v59, v2;
	v61 =	vadd.s32 $0xFFFFFFFF, v60;
	v62, _, _ =	vpop (xrf0)  }
0x99: {  	v2 =	vsel vm2, v61, v2;
	v63 =	vadd.s32 $0xFFFFFFFF, v62  }
0x9a: {  	v3 =	vshrl.u32 v3, $0x1;
	v0 =	vadd.s32 v0, v5;
	v2 =	vsel vm4, v63, v2  }
0x9b: {  	[tilespmem:s8+$0x400] =	vst v3;
	v0 =	vadd.s32 v2, v0  }
0x9c: {  	s25 =	simm.s32 $0x200;
	[tilespmem:s8+$0x600] =	vst v0  }
0x9d: {  	s7 =	simm.s32 $0x600;
	s26 =	simm.s32 $0x400;
	s28 =	simm.s32 $0x1;
	[tilespmem:v1+s12+$0x0] =	vst.idx.msk $0xffff, v0  }
0x9e: {  	[spmem:s2] =	stream.indirect.scatter [tilespmem:s26], [sflag:$0x1], $0x1, s7, s25, $0xb8;
	[tilespmem:$0x1690] =	vst v63  }
0x9f: {  	_ =	swait.ge [sflag:s28], $0x200  }
0xa0: {  	[sflag:s28] =	ssyncset.done $0x0  }
0xa1: {  	[sflag:s28] =	ssyncadd.s32 $0xFFFFFE00  }
0xa2: {  	[spmem:s1] =	stream.indirect.scatter [tilespmem:s25], [sflag:$0x1], $0x1, s7, s25, $0xb8;
	[tilespmem:$0x1690] =	vst v63  }
0xa3: {  	_ =	swait.ge [sflag:s28], $0x200  }
0xa4: {  	[sflag:s28] =	ssyncset.done $0x0  }
0xa5: {  	[sflag:s28] =	ssyncadd.s32 $0xFFFFFE00  }
0xa6: {  	[bflag:$0x0] =	sbarrier.arrive $0xFFFF  }
0xa7: {  	[tilespmem:s26], [sflag:$0x1] =	stream.linear.gather [spmem:s10], $0x200, $0x38;
	[tilespmem:$0x1690] =	vst v63  }
0xa8: {  	_ =	swait.ge [sflag:s28], $0x200  }
0xa9: {  	[sflag:s28] =	ssyncset.done $0x0  }
0xaa: {  	s29 =	simm.s32 $0x0;
	[sflag:s28] =	ssyncadd.s32 $0xFFFFFE00  }
0xab: {  	[hbm4b:s11+s29] =	stream.linear.scatter [tilespmem:s26], [sflag:$0x1], $0x200, $0x38;
	[tilespmem:$0x1690] =	vst v63  }
0xac: {  	_ =	swait.ge [sflag:s28], $0x200  }
0xad: {  	[sflag:s28] =	ssyncset.done $0x0  }
0xae: {  	[sflag:s28] =	ssyncadd.s32 $0xFFFFFE00  }
0xaf: {  	[tilespmem:s25], [sflag:$0x1] =	stream.linear.gather [spmem:s9], $0x200, $0x38;
	[tilespmem:$0x1690] =	vst v63  }
0xb0: {  	_ =	swait.ge [sflag:s28], $0x200  }
0xb1: {  	[sflag:s28] =	ssyncset.done $0x0  }
0xb2: {  	[sflag:s28] =	ssyncadd.s32 $0xFFFFFE00  }
0xb3: {  	[hbm4b:s4+s29] =	stream.linear.scatter [tilespmem:s25], [sflag:$0x1], $0x200, $0x38;
	[tilespmem:$0x1690] =	vst v63  }
0xb4: {  	_ =	swait.ge [sflag:s28], $0x200  }
0xb5: {  	[sflag:s28] =	ssyncset.done $0x0  }
0xb6: {  	s30 =	simm.s32 $0x800;
	[sflag:s28] =	ssyncadd.s32 $0xFFFFFE00  }
0xb7: {  	[hbm4b:s6+s29] =	stream.linear.scatter [tilespmem:s30], [sflag:$0x1], $0x100, $0x38;
	[tilespmem:$0x1690] =	vst v63  }
0xb8: {  	_ =	swait.ge [sflag:s28], $0x100  }
0xb9: {  	[sflag:s28] =	ssyncset.done $0x0  }
0xba: {  	s31 =	simm.s32 $0x900;
	[sflag:s28] =	ssyncadd.s32 $0xFFFFFF00  }
0xbb: {  	[hbm4b:s3+s29] =	stream.linear.scatter [tilespmem:s31], [sflag:$0x1], $0x100, $0x38;
	[tilespmem:$0x1690] =	vst v63  }
0xbc: {  	_ =	swait.ge [sflag:s28], $0x100  }
0xbd: {  	[sflag:s28] =	ssyncset.done $0x0  }
0xbe: {  	[sflag:s28] =	ssyncadd.s32 $0xFFFFFF00  }
0xbf: {  	_ =	sfence.sel $0x180000  }
0xc0: {  	[bflag:$0x0] =	sbarrier.arrive $0xFFFF  }
0xc1: {  	_ =	strace $0x90000047  }
0xc2: {  	s0 =	sadd.s32 @!p0 $0x100000, s0;
	[bflag:$0x2] =	sbarrier.arrive $0xFFFF  }
0xc3: {  	[sflag:s0] =	ssyncadd.tile.s32 @!p0 $0x1;
	_ =	shalt  }
.Lfunc_end2:
_tile_overlayer_lowered:
.L_overlay_start_2:
0xc4: {  	(tag) =	ssettag $0x2  }
0xc5: {  	s0 =	rddreg [dreg:$0x0];
	s2 =	stileid.u32  }
0xc6: {  	s1 =	rddreg [dreg:$0x1];
	p0 =	sne.s32 s2, $0x0  }
0xc7: {  	s3 =	rddreg [dreg:$0x2];
	[bflag:$0x3] =	sbarrier.arrive $0xFFFF;
	s2 =	simm.s32 @!p0 $0x1C01  }
0xc8: {  	[timem:s3], [sflag:s2] =	dma.local @!p0 [hbm:s0], s1  }
0xc9: {  	s0 =	simm.s32 @!p0 $0x1  }
0xca: {  	_ =	swait.ge @!p0 [sflag:s0], s1  }
0xcb: {  	s1 =	ssub.s32 @!p0 $0x0, s1;
	[sflag:s0] =	ssyncset.done @!p0 $0x0  }
0xcc: {  	[sflag:s0] =	ssyncadd.s32 @!p0 s1  }
0xcd: {  	[bflag:$0x3] =	sbarrier.arrive $0xFFFF  }
0xce: {  	_ =	shalt  }

// kernel: sparse-core-data-format-call.cloned.1.call-start
scs
called_computation_lowered:
.L_overlay_start_0:
0x0: {  	s1 =	sld [smem:$0x3FD9]  }
0x1: {  	s2 =	sld [smem:$0x3FFE];
	_ =	sdelay $0x1  }
0x2: {  	s3 =	srdreg.scid  }
0x3: {  	s0 =	sand.u32 $0x1, s3  }
0x4: {  	s17 =	sshll.u32 s0, $0xA;
	s1 =	sadd.s32 s2, s1  }
0x5: {  	s1 =	sadd.s32 s1, s17  }
0x6: {  	[smem:$0x3FBF] =	sst s1  }
0x7: {  	_ = 	snop  }
0x8: {  	(tm) =	ssettm $0x1  }
0x9: {  	s18 =	sld [smem:$0x3FFB];
	_ =	sdelay $0x3  }
0xa: {  	_ =	strace s18  }
0xb: {  	s1 =	sld [smem:$0x3FFC];
	_ =	sdelay $0x3  }
0xc: {  	_ =	strace s1  }
0xd: {  	s1 =	sld [smem:$0x3FFD];
	_ =	sdelay $0x3  }
0xe: {  	_ =	strace s1  }
0xf: {  	_ =	strace $0x8FFFFFFF  }
0x10: {  	s19 =	sld [smem:$0x3FDB];
	_ =	sdelay $0x1  }
0x11: {  	s20 =	simm.s32 $_scs_section_size  }
0x12: {  	s4 =	simm.s32 $_size__tile_overlayer_lowered;
	s5 =	simm.s32 $_tile_overlayer_lowered  }
0x13: {  	s23 =	simm.s32 $0x1BFF;
	s22 =	sshll.u32 s5, $0x1;
	s1 =	sadd.s32 s20, s19  }
0x14: {  	s6 =	simm.s32 $0x0;
	s21 =	sshll.u32 s4, $0x1;
	s4 =	sadd.s32 s22, s1  }
0x15: {  	[timem:s6], [sflag:s23] =	dma.local [hbm:s4], s21  }
0x16: {  	_ =	swait.ge [sflag:s23], s21  }
0x17: {  	s2 =	ssub.s32 $0x0, s21;
	[sflag:s23] =	ssyncset.done $0x0  }
0x18: {  	[sflag:s23] =	ssyncadd.s32 s2;
	_ =	sdelay $0x1  }
0x19: {  	s24 =	simm.s32 $0x1B8B  }
0x1a: {  	_ =	swait.ge [sflag:s24], $0x1  }
0x1b: {  	[sflag:s24] =	ssyncset.done $0x0  }
0x1c: {  	s26 =	simm.s32 $0x1B8E;
	s25 =	sld [smem:$0x3FFE];
	[sflag:s24] =	ssyncadd.s32 $0xFFFFFFFF  }
0x1d: {  	s27 =	simm.s32 $execute0_lowered;
	[smem:$0x3FD2] =	sst s26  }
0x1e: {  	s4 =	sshll.u32 s27, $0x1;
	_ =	strace $0x8000004C;
	[dreg:$0x1] =	wrdreg $0xFFFFFFFF  }
0x1f: {  	s28 =	simm.s32 $_size_execute0_lowered;
	s1 =	sadd.s32 s1, s4;
	[dreg:$0x0] =	wrdreg $0x0  }
0x20: {  	s4 =	sshll.u32 s28, $0x1;
	[dreg:$0x2] =	wrdreg s1  }
0x21: {  	[dreg:$0x3] =	wrdreg s4  }
0x22: {  	[dreg:$0x4] =	wrdreg $0xC0  }
0x23: {  	_ =	task [dreg:s6], $0x5FFFF  }
0x24: {  	[dreg:$0x1] =	wrdreg $0xFFFFFFFF  }
0x25: {  	[dreg:$0x0] =	wrdreg $0x60  }
0x26: {  	[dreg:$0x2] =	wrdreg s25  }
0x27: {  	[dreg:$0x3] =	wrdreg $0x9  }
0x28: {  	_ =	task.clear_ibuf [dreg:s6], $0x4FFFF;
	_ =	strace $0x9000004C  }
0x29: {  	s29 =	simm.s32 $0x9;
	_ =	strace $0x8000004E  }
0x2a: {  	_ =	swait.ge [sflag:s29], $0x1  }
0x2b: {  	[sflag:s29] =	ssyncadd.s32 $0xFFFFFFFF  }
0x2c: {  	_ =	strace $0x9000004E  }
0x2d: {  	_ =	sfence  }
0x2e: {  	s30 =	sld [smem:$0x0];
	_ =	sdelay $0x2  }
0x2f: {  	s31 =	sshll.u32 s3, $0xD;
	s3 =	sshrl.u32 s3, $0x2  }
0x30: {  	s2 =	sand.u32 $0x4000, s31;
	s1 =	sadd.s32 s3, s30  }
0x31: {  	s0 =	sor.u32 s2, s0;
	s1 =	sshll.u32 s1, $0x11  }
0x32: {  	s0 =	sor.u32 s1, s0  }
0x33: {  	s0 =	sadd.s32 $0x8F2B, s0  }
0x34: {  	[sflag:s0] =	ssyncadd.remote.s32 $0x1  }
0x35: {  	_ =	sfence.sel $0xFFFF  }
0x36: {  	[dreg:$0x0] =	wrdreg $0xFFFFFFFF;
	(pc) =	sbr.abs _section_cstart, $3  }
0x37: {  	[dreg:$0x1] =	wrdreg $0xFFFFFFFF  }
0x38: {  	_ =	task.clear_ibuf [dreg:s6], $0x2FFFF;
	_ =	strace $0x9FFFFFFF  }
0x39: {  	(tm) =	ssettm $0x7FFFFFFF  }
tec
execute0_lowered:
.L_overlay_start_1:
0x0: {  	(tag) =	ssettag $0x1  }
0x1: {  	s0 =	stileid.u32;
	s1 =	srdreg.scid  }
0x2: {  	s7 =	rddreg [dreg:$0x0];
	s31 =	simm.s32 $0x2;
	s14 =	simm.s32 $0x0  }
0x3: {  	s13 =	simm.s32 $0x0;
	s12 =	simm.s32 $0x0;
	s2 =	sshll.u32 s0, $0x7  }
0x4: {  	s3 =	sshll.u32 s0, $0x4;
	s1 =	sshll.u32 s1, $0x8;
	s2 =	sand.u32 $0x380, s2  }
0x5: {  	s3 =	sor.u32 s3, s1;
	s1 =	rddreg [dreg:$0x1];
	_ =	strace $0x8000004D  }
0x6: {  	s3 =	sand.u32 $0x180, s3;
	s4 =	ssub.s32 $0x400, s2;
	s11 =	smov.u32 s2  }
0x7: {  	s5 =	sand.u32 $0x380, s4;
	s6 =	ssub.s32 $0x2000, s3;
	s9 =	sshrl.u32 s4, $0xA  }
0x8: {  	p0 =	sne.s32 s5, $0x0;
	s5 =	simm.s32 $0x1;
	s8 =	sand.u32 $0x180, s6  }
0x9: {  	s5 =	simm.s32 @!p0 $0x0;
	p0 =	sne.s32 s8, $0x0;
	s8 =	simm.s32 $0x1  }
.Ltmp0:
0xa: {  	s6 =	sshrl.u32 s6, $0x9;
	s8 =	simm.s32 @!p0 $0x0;
	(pc) =	sbr.rel .LBB1_1-.Ltmp0, $4  }
0xb: {  	s4 =	simm.s32 $0x1;
	s5 =	sadd.s32 s5, s9;
	s6 =	sadd.s32 s8, s6  }
0xc: {  	s10 =	smov.u32 s3;
	[sflag:s4] =	ssyncpa.u1 $0x0;
	s5 =	smul.u32 s5, s6  }
0xd: {  	[sflag:s31] =	ssyncpa.u1 $0x0;
	p0 =	por $0x0, $0x0;
	s9 =	simm.s32 $0x2000  }
0xe: {  	s6 =	sadd.s32 $0x384200, s7;
	s7 =	sadd.s32 $0x284200, s7;
	s8 =	sadd.s32 $0x1, s5  }
.LBB1_4:
0xf: {  	v5 =	vld [tilespmem:s18+$0xFFFFFFD0];
	[tilespmem:s17+$0x2040 ss:$0x81] =	vst.msk $0xffff, v1  }
0x10: {  	v58 =	vld [tilespmem:s18+$0xFFFFFFE0];
	[tilespmem:s17+$0x2850 ss:$0x81] =	vst.msk $0xffff, v2  }
0x11: {  	s19 =	sshra.s32 s19, $0x2;
	v59 =	vld [tilespmem:s18+$0xFFFFFFF0];
	[tilespmem:s17+$0x3060 ss:$0x81] =	vst.msk $0xffff, v3  }
0x12: {  	v60 =	vld [tilespmem:s18+$0x0];
	[tilespmem:s17+$0x0 ss:$0x81] =	vst.msk $0xffff, v0;
	s16 =	sadd.s32 s19, s16  }
0x13: {  	v61 =	vld [tilespmem:s18+$0x10];
	[tilespmem:s16+$0x3870 ss:$0x81] =	vst.msk $0xffff, v4  }
0x14: {  	v62 =	vld [tilespmem:s18+$0x20];
	s26 =	sshll.u32 s14, $0xA;
	s27 =	sshll.u32 s13, $0x3;
	[tilespmem:s16+$0x810 ss:$0x81] =	vst.msk $0xffff, v5  }
0x15: {  	v63 =	vld [tilespmem:s18+$0xFFFFFFC0];
	s29 =	sshll.u32 s14, $0x7;
	s17 =	sand.u32 $0x7FE000, s26;
	s28 =	sand.u32 $0x7FFC00, s27;
	[tilespmem:s16+$0x1020 ss:$0x81] =	vst.msk $0xffff, v58  }
0x16: {  	s30 =	sand.u32 $0x78, s13;
	s14 =	sand.u32 $0x380, s29;
	s17 =	sadd.s32 s28, s17;
	[tilespmem:s16+$0x1830 ss:$0x81] =	vst.msk $0xffff, v59  }
0x17: {  	s14 =	sor.u32 s30, s14;
	s17 =	sand.u32 $0x7FFC00, s17;
	[tilespmem:s16+$0x2040 ss:$0x81] =	vst.msk $0xffff, v60  }
0x18: {  	s31 =	sand.u32 $0x7, s13;
	s14 =	sor.u32 s17, s14;
	[tilespmem:s16+$0x2850 ss:$0x81] =	vst.msk $0xffff, v61  }
0x19: {  	s13 =	sshll.u32 s31, $0x12;
	[tilespmem:s16+$0x3060 ss:$0x81] =	vst.msk $0xffff, v62;
	s14 =	sshrl.u32 s14, $0x3  }
0x1a: {  	s13 =	sor.u32 $0x400, s13;
	[tilespmem:s16+$0x0 ss:$0x81] =	vst.msk $0xffff, v63;
	s14 =	sadd.s32 s7, s14  }
0x1b: {  	[hbm4b:s14+s13] =	stream.strided.scatter [tilespmem:s15], [sflag:$0x2], $0x4000, s9, s13, $0x20;
	[tilespmem:$0x10100] =	vst v63  }
.LBB1_5:
0x1c: {  	s15 =	sadd.s32 $0x200, s10  }
0x1d: {  	s13 =	sadd.s32 $0x400, s11;
	s17 =	smov.u32 s11;
	p2 =	sgt.s32 s15, $0x1FFF  }
0x1e: {  	s17 =	smov.u32 @p2 s13  }
0x1f: {  	s15 =	smov.u32 @p2 s3;
	p2 =	sgt.s32 s17, $0x3FF  }
0x20: {  	s17 =	smov.u32 @p2 s2;
	p2 =	sne.s32 s12, s8  }
.Ltmp1:
0x21: {  	p1 =	slt.u32 s12, $0x2;
	(pc) =	sbr.rel @!p2 .LBB1_6-.Ltmp1, $4  }
0x22: {  	s16 =	simm.s32 @!p1 $0x2  }
0x23: {  	s14 =	smov.u32 s10;
	p0 =	por !p0, !p0;
	_ =	swait.ge @!p1 [sflag:s16], $0x4000  }
0x24: {  	s13 =	smov.u32 s11;
	[sflag:s16] =	ssyncset.done @!p1 $0x0;
	s10 =	smov.u32 s15  }
0x25: {  	s12 =	sadd.s32 $0x1, s12;
	[sflag:s16] =	ssyncadd.s32 @!p1 $0xFFFFC000;
	s11 =	smov.u32 s17  }
.LBB1_1:
0x26: {  	p1 =	sge.u32 s12, s5;
	s31 =	sadd.s32 $0xFFFFFFFF, s12  }
0x27: {  	s15 =	sand.u32 @!p1 $0x78, s10;
	s16 =	sshll.u32 @!p1 s11, $0xD;
	s17 =	sshll.u32 @!p1 s11, $0x7  }
0x28: {  	s18 =	sshll.u32 @!p1 s10, $0x3;
	s16 =	sand.u32 @!p1 $0x7F0000, s16;
	s17 =	sand.u32 @!p1 $0x380, s17  }
0x29: {  	s16 =	sadd.s32 @!p1 s16, s18;
	s18 =	sand.u32 @!p1 $0x1C00, s18;
	s15 =	sor.u32 @!p1 s17, s15  }
0x2a: {  	s17 =	sxor.u32 @!p1 $0xFFFFFFFF, s12;
	s16 =	sand.u32 @!p1 $0x7FE000, s16;
	s15 =	sor.u32 @!p1 s18, s15  }
0x2b: {  	s17 =	sshll.u32 @!p1 s17, $0xE;
	s15 =	sor.u32 @!p1 s16, s15;
	s16 =	sand.u32 @!p1 $0x7, s10  }
0x2c: {  	s18 =	simm.s32 @!p1 $0x10000;
	s15 =	sshrl.u32 @!p1 s15, $0x3;
	s16 =	sshll.u32 @!p1 s16, $0x12  }
0x2d: {  	s17 =	sand.u32 @!p1 $0x4000, s17;
	s15 =	sadd.s32 @!p1 s6, s15;
	s16 =	sor.u32 @!p1 $0x400, s16  }
0x2e: {  	[tilespmem:s17], [sflag:$0x1] =	stream.strided.gather @!p1 [hbm4b:s15+s16], $0x4000, s18, s16, $0x38;
	[tilespmem:$0x10100] =	vst v63  }
0x2f: {  	p1 =	sge.u32 s31, s5  }
.Ltmp2:
0x30: {  	_ = 	snop;
	(pc) =	sbr.rel @p1 .LBB1_5-.Ltmp2, $1  }
0x31: {  	_ =	sdelay $0x3  }
0x32: {  	s15 =	simm.s32 $0x1  }
0x33: {  	_ =	swait.ge [sflag:s4], $0x4000;
	s15 =	simm.s32 @!p0 $0x0  }
0x34: {  	[sflag:s4] =	ssyncset.done $0x0;
	s16 =	sshll.u32 s15, $0xE  }
0x35: {  	[sflag:s4] =	ssyncadd.s32 $0xFFFFC000;
	s18 =	sor.u32 $0x40, s16  }
0x36: {  	s15 =	smul.u32 $0x10200, s15;
	v0 =	vld [tilespmem:s18+$0x30]  }
0x37: {  	v3 =	vld [tilespmem:s18+$0xFFFFFFD0]  }
0x38: {  	s15 =	sshrl.u32 s15, $0x2;
	v4 =	vld [tilespmem:s18+$0xFFFFFFE0]  }
0x39: {  	v5 =	vld [tilespmem:s18+$0xFFFFFFF0];
	s16 =	sor.u32 $0x8000, s15  }
0x3a: {  	s31 =	sand.u32 $0x1, s12;
	v1 =	vld [tilespmem:s18+$0x0];
	s17 =	sadd.s32 $0x0, s16  }
0x3b: {  	v2 =	vld [tilespmem:s18+$0x10];
	s15 =	smul.u32 $0x10200, s31;
	[tilespmem:s17+$0x3870 ss:$0x81] =	vst.msk $0xffff, v0  }
0x3c: {  	[tilespmem:s17+$0x810 ss:$0x81] =	vst.msk $0xffff, v3;
	v3 =	vld [tilespmem:s18+$0x20]  }
0x3d: {  	s15 =	sshrl.u32 s15, $0x2;
	v0 =	vld [tilespmem:s18+$0xFFFFFFC0];
	[tilespmem:s17+$0x1020 ss:$0x81] =	vst.msk $0xffff, v4;
	s18 =	sadd.s32 $0x80, s18  }
0x3e: {  	s19 =	simm.s32 $0x4;
	s20 =	simm.s32 $0x8;
	s15 =	sor.u32 $0x8000, s15;
	[tilespmem:s17+$0x1830 ss:$0x81] =	vst.msk $0xffff, v5;
	v4 =	vld [tilespmem:s18+$0x30]  }
.LBB1_3:
0x3f: {  	p1 =	sne.s32 s20, $0x1FC;
	v5 =	vld [tilespmem:s18+$0xFFFFFFD0];
	[tilespmem:s17+$0x2040 ss:$0x81] =	vst.msk $0xffff, v1  }
0x40: {  	v6 =	vld [tilespmem:s18+$0xFFFFFFE0];
	[tilespmem:s17+$0x2850 ss:$0x81] =	vst.msk $0xffff, v2  }
0x41: {  	s21 =	sshra.s32 s19, $0x2;
	s19 =	smov.u32 s20;
	v7 =	vld [tilespmem:s18+$0xFFFFFFF0];
	[tilespmem:s17+$0x3060 ss:$0x81] =	vst.msk $0xffff, v3  }
.Ltmp3:
0x42: {  	v1 =	vld [tilespmem:s18+$0x0];
	[tilespmem:s17+$0x0 ss:$0x81] =	vst.msk $0xffff, v0;
	s17 =	sadd.s32 s21, s16;
	(pc) =	sbr.rel @p1 .LBB1_3-.Ltmp3, $4  }
0x43: {  	v2 =	vld [tilespmem:s18+$0x10];
	[tilespmem:s17+$0x3870 ss:$0x81] =	vst.msk $0xffff, v4  }
0x44: {  	[tilespmem:s17+$0x810 ss:$0x81] =	vst.msk $0xffff, v5;
	v3 =	vld [tilespmem:s18+$0x20]  }
0x45: {  	v0 =	vld [tilespmem:s18+$0xFFFFFFC0];
	[tilespmem:s17+$0x1020 ss:$0x81] =	vst.msk $0xffff, v6;
	s18 =	sadd.s32 $0x80, s18  }
0x46: {  	s20 =	sadd.s32 $0x4, s20;
	v4 =	vld [tilespmem:s18+$0x30];
	[tilespmem:s17+$0x1830 ss:$0x81] =	vst.msk $0xffff, v7  }
.Ltmp4:
0x47: {  	_ = 	snop;
	(pc) =	sbr.rel .LBB1_4-.Ltmp4, $1  }
0x48: {  	_ =	sdelay $0x3  }
.LBB1_6:
0x49: {  	_ =	sfence.sel $0x180000  }
0x4a: {  	s2 =	simm.s32 $0x1;
	[bflag:$0x0] =	sbarrier.arrive $0xFFFF  }
0x4b: {  	s31 =	simm.s32 $0x2;
	[sflag:s2] =	ssyncpa.u1 $0x1  }
0x4c: {  	[sflag:s31] =	ssyncpa.u1 $0x1  }
0x4d: {  	p0 =	sne.s32 s0, $0x0;
	_ =	strace $0x9000004D  }
0x4e: {  	s0 =	sadd.s32 @!p0 $0x100000, s1;
	[bflag:$0x2] =	sbarrier.arrive $0xFFFF  }
0x4f: {  	[sflag:s0] =	ssyncadd.tile.s32 @!p0 $0x1;
	_ =	shalt  }
.Lfunc_end1:
_tile_overlayer_lowered:
.L_overlay_start_2:
0x50: {  	(tag) =	ssettag $0x2  }
0x51: {  	s0 =	rddreg [dreg:$0x0];
	s2 =	stileid.u32  }
0x52: {  	s1 =	rddreg [dreg:$0x1];
	p0 =	sne.s32 s2, $0x0  }
0x53: {  	s3 =	rddreg [dreg:$0x2];
	[bflag:$0x3] =	sbarrier.arrive $0xFFFF;
	s2 =	simm.s32 @!p0 $0x1C01  }
0x54: {  	[timem:s3], [sflag:s2] =	dma.local @!p0 [hbm:s0], s1  }
0x55: {  	s0 =	simm.s32 @!p0 $0x1  }
0x56: {  	_ =	swait.ge @!p0 [sflag:s0], s1  }
0x57: {  	s1 =	ssub.s32 @!p0 $0x0, s1;
	[sflag:s0] =	ssyncset.done @!p0 $0x0  }
0x58: {  	[sflag:s0] =	ssyncadd.s32 @!p0 s1  }
0x59: {  	[bflag:$0x3] =	sbarrier.arrive $0xFFFF  }
0x5a: {  	_ =	shalt  }

</sc_bundles>
